<compile_context>
chip_gen: v7x
topology: tpu7x:2x2x1
jax: 0.10.2.dev20260603
libtpu: 0.0.44.dev20260713+nightly
codegen_flags: <defaults>
</compile_context>

<pallas_src>
import functools

import jax
import jax.numpy as jnp
from jax import lax
from jax.experimental import pallas as pl
from jax.experimental.pallas import tpu as pltpu
from jax.experimental.pallas import tpu_sc as plsc

N = 10000
E = 320000
D = 128

NC = 2
NS = 16
NW = NC * NS
E_PER_TILE = E // NW
CHUNK = 80
NCHUNK = E_PER_TILE // CHUNK
NP = 10240
ROWS_PER_TILE = NP // NS
ZROWS = 128


def _matmul_body(u_ref, w_ref, h_ref):
    h_ref[...] = jnp.dot(u_ref[...], w_ref[...],
                         preferred_element_type=jnp.float32)


def _dense_project(u_f, weight):
    BLK = 400
    return pl.pallas_call(
        _matmul_body,
        grid=(N // BLK,),
        in_specs=[pl.BlockSpec((BLK, D), lambda i: (i, 0)),
                  pl.BlockSpec((D, D), lambda i: (0, 0))],
        out_specs=pl.BlockSpec((BLK, D), lambda i: (i, 0)),
        out_shape=jax.ShapeDtypeStruct((N, D), jnp.float32),
    )(u_f, weight)


def _sc_body(h_hbm, src_hbm, dst_hbm, w_hbm, out_hbm,
             acc, sidx, didx, wbuf, rows, zbuf, gsem):
    cid = lax.axis_index("c")
    sid = lax.axis_index("s")
    wid = sid * NC + cid

    zero16 = jnp.zeros((16,), jnp.float32)

    def zero_body(i, _):
        r = i // (D // 16)
        c = (i % (D // 16)) * 16
        zbuf[r, pl.ds(c, 16)] = zero16
        return 0

    lax.fori_loop(0, ZROWS * (D // 16), zero_body, 0)

    row0 = sid * ROWS_PER_TILE
    for k in range(ROWS_PER_TILE // ZROWS):
        pltpu.sync_copy(zbuf, acc.at[pl.ds(row0 + k * ZROWS, ZROWS)])
    plsc.subcore_barrier()

    edge0 = wid * E_PER_TILE

    def chunk_body(g, _):
        base = edge0 + g * CHUNK
        pltpu.sync_copy(src_hbm.at[pl.ds(base, CHUNK)], sidx)
        pltpu.sync_copy(dst_hbm.at[pl.ds(base, CHUNK)], didx)
        pltpu.sync_copy(w_hbm.at[pl.ds(base, CHUNK)], wbuf)
        pltpu.async_copy(h_hbm.at[sidx], rows, gsem).wait()

        def grp_body(g16, _):
            e0 = g16 * 16
            wv = wbuf[pl.ds(e0, 16)]
            for j in range(16):
                w = wv[j]
                e = e0 + j
                for cb in range(D // 16):
                    rows[e, pl.ds(cb * 16, 16)] = rows[e, pl.ds(cb * 16, 16)] * w
            return 0

        lax.fori_loop(0, CHUNK // 16, grp_body, 0)
        pltpu.sync_copy(rows, acc.at[didx], add=True)
        return 0

    lax.fori_loop(0, NCHUNK, chunk_body, 0)
    plsc.subcore_barrier()

    pltpu.sync_copy(acc.at[pl.ds(row0, ROWS_PER_TILE)],
                    out_hbm.at[cid, pl.ds(row0, ROWS_PER_TILE)])


def _sc_edge_pass(h, src, dst, ew):
    mesh = plsc.VectorSubcoreMesh(core_axis_name="c", subcore_axis_name="s")
    f = pl.kernel(
        _sc_body,
        out_type=jax.ShapeDtypeStruct((NC, NP, D), jnp.float32),
        mesh=mesh,
        scratch_types=[
            pltpu.VMEM_SHARED((NP, D), jnp.float32),
            pltpu.VMEM((CHUNK,), jnp.int32),
            pltpu.VMEM((CHUNK,), jnp.int32),
            pltpu.VMEM((CHUNK,), jnp.float32),
            pltpu.VMEM((CHUNK, D), jnp.float32),
            pltpu.VMEM((ZROWS, D), jnp.float32),
            pltpu.SemaphoreType.DMA,
        ],
    )
    return f(h, src, dst, ew)


def _add_body(p_ref, o_ref):
    o_ref[...] = p_ref[0] + p_ref[1]


def _final_add(partials):
    BLK = 400
    return pl.pallas_call(
        _add_body,
        grid=(N // BLK,),
        in_specs=[pl.BlockSpec((NC, BLK, D), lambda i: (0, i, 0))],
        out_specs=pl.BlockSpec((BLK, D), lambda i: (i, 0)),
        out_shape=jax.ShapeDtypeStruct((N, D), jnp.float32),
    )(partials)


def kernel(u_f, edge_index, edge_weight, weight):
    h = _dense_project(u_f, weight)
    dst = edge_index[0].astype(jnp.int32)
    src = edge_index[1].astype(jnp.int32)
    partials = _sc_edge_pass(h, src, dst, edge_weight)
    return _final_add(partials[:, :N])

# --- scband reference (transcript-rebuilt; emitter-appended) ---
"""Pipeline reference for scband-social-gcnlayer-72945724555833 (READ-ONLY COPY).

The authoritative reference and input builder live on the scoring server;
editing this copy changes nothing except your own understanding.
"""

import jax, jax.numpy as jnp
import numpy as np

N = 10000
E = 320000
D_IN = 128
D_OUT = 128


def setup_inputs(seed: int = 0) -> dict:
    key = jax.random.key(seed)
    k1, k2, k3, k4 = jax.random.split(key, 4)
    u_f = jax.random.normal(k1, (N, D_IN), dtype=jnp.float32)
    edge_index = jax.random.randint(k2, (2, E), 0, N)
    edge_weight = jax.random.uniform(k3, (E,), dtype=jnp.float32)
    # xavier_uniform init for weight [in_feats, out_feats]
    limit = float(np.sqrt(6.0 / (D_IN + D_OUT)))
    weight = jax.random.uniform(k4, (D_IN, D_OUT), dtype=jnp.float32, minval=-limit, maxval=limit)
    return {"u_f": u_f, "edge_index": edge_index, "edge_weight": edge_weight, "weight": weight}


def reference(u_f, edge_index, edge_weight, weight):
    # u_f = torch.mm(u_f, self.weight)
    h = jnp.dot(u_f, weight)
    # u_f = torch.sparse.mm(adj, u_f)
    # adj is sparse COO: row (dst) = edge_index[0], col (src) = edge_index[1], values = edge_weight
    # out[i] = sum_j adj[i, j] * h[j]  ->  gather from src, scale, scatter-add to dst
    dst = edge_index[0]
    src = edge_index[1]
    msg = h[src] * edge_weight[:, None]
    out = jax.ops.segment_sum(msg, dst, num_segments=N)
    # activation is None in this configuration
    return out

if __name__ == "__main__":
    import jax
    _d = setup_inputs()
    print(jax.jit(kernel)(*tuple(_d.values())))

</pallas_src>

<mosaic_0001>
#map = affine_map<(d0, d1) -> (0, 0)>
#map1 = affine_map<(d0, d1) -> (0)>
#map2 = affine_map<(d0, d1) -> (0, 0, 0)>
module attributes {stable_mosaic.version = 14 : i64} {
  func.func @_sc_body(%arg0: i32, %arg1: i32, %arg2: memref<10000x128xf32, #tpu.memory_space<hbm>>, %arg3: memref<320000xi32, #tpu.memory_space<hbm>>, %arg4: memref<320000xi32, #tpu.memory_space<hbm>>, %arg5: memref<320000xf32, #tpu.memory_space<hbm>>, %arg6: memref<2x10240x128xf32, #tpu.memory_space<hbm>>, %arg7: memref<10240x128xf32, #tpu.memory_space<vmem_shared>>, %arg8: memref<80xi32, #tpu.memory_space<vmem>>, %arg9: memref<80xi32, #tpu.memory_space<vmem>>, %arg10: memref<80xf32, #tpu.memory_space<vmem>>, %arg11: memref<80x128xf32, #tpu.memory_space<vmem>>, %arg12: memref<128x128xf32, #tpu.memory_space<vmem>>, %arg13: memref<!tpu.dma_semaphore, #tpu.memory_space<semaphore_mem>>) attributes {dimension_semantics = [#tpu.dimension_semantics<core_parallel>, #tpu.dimension_semantics<subcore_parallel>], iteration_bounds = array<i64: 2, 16>, scalar_prefetch = 0 : i64, scratch_operands = 7 : i64, tpu.core_type = #tpu.core_type<sc_vector_subcore>, window_params = [{transform_indices = #map}, {transform_indices = #map1}, {transform_indices = #map1}, {transform_indices = #map1}, {transform_indices = #map2}]} {
    %mul3A = arith.constant 2 : i32
    %mul3A_0 = arith.muli %arg1, %mul3A : i32
    %add3A = arith.addi %mul3A_0, %arg0 : i32
    %broadcast_in_dim3A = arith.constant 0.000000e+00 : f32
    %broadcast_in_dim3A_1 = vector.broadcast %broadcast_in_dim3A : f32 to vector<16xf32>
    %scan3A = arith.constant 0 : i32
    %scan3A_2 = arith.constant 0 : i32
    %scan3A_3 = arith.constant 1024 : i32
    %scan3A_4 = arith.addi %scan3A_2, %scan3A_3 : i32
    %scan3A_5 = arith.constant 1 : i32
    %scan3A_6 = scf.for %scan3A_30 = %scan3A_2 to %scan3A_4 step %scan3A_5 iter_args(%scan3A_31 = %scan3A) -> (i32)  : i32 {
      %jit3A = arith.constant 8 : i32
      %div3A = arith.divsi %scan3A_30, %jit3A : i32
      %sign3A = arith.constant 0 : i32
      %sign3A_32 = arith.cmpi sgt, %scan3A_30, %sign3A : i32
      %sign3A_33 = arith.extui %sign3A_32 : i1 to i32
      %sign3A_34 = arith.constant 0 : i32
      %sign3A_35 = arith.cmpi slt, %scan3A_30, %sign3A_34 : i32
      %sign3A_36 = arith.extui %sign3A_35 : i1 to i32
      %sign3A_37 = arith.subi %sign3A_33, %sign3A_36 : i32
      %sign3A_38 = arith.constant 0 : i32
      %sign3A_39 = arith.cmpi sgt, %jit3A, %sign3A_38 : i32
      %sign3A_40 = arith.extui %sign3A_39 : i1 to i32
      %sign3A_41 = arith.constant 0 : i32
      %sign3A_42 = arith.cmpi slt, %jit3A, %sign3A_41 : i32
      %sign3A_43 = arith.extui %sign3A_42 : i1 to i32
      %sign3A_44 = arith.subi %sign3A_40, %sign3A_43 : i32
      %ne3A = arith.cmpi ne, %sign3A_37, %sign3A_44 : i32
      %rem3A = arith.remsi %scan3A_30, %jit3A : i32
      %ne3A_45 = arith.constant 0 : i32
      %ne3A_46 = arith.cmpi ne, %rem3A, %ne3A_45 : i32
      %and3A = arith.andi %ne3A, %ne3A_46 : i1
      %sub3A = arith.constant 1 : i32
      %sub3A_47 = arith.subi %div3A, %sub3A : i32
      %select_n3A = arith.select %and3A, %sub3A_47, %div3A : i32
      %jit3A_48 = arith.constant 8 : i32
      %eq3A = arith.constant 0 : i32
      %eq3A_49 = arith.cmpi eq, %jit3A_48, %eq3A : i32
      %jit3A_50 = arith.constant 1 : i32
      %select_n3A_51 = arith.select %eq3A_49, %jit3A_50, %jit3A_48 : i32
      %rem3A_52 = arith.remsi %scan3A_30, %select_n3A_51 : i32
      %ne3A_53 = arith.constant 0 : i32
      %ne3A_54 = arith.cmpi ne, %rem3A_52, %ne3A_53 : i32
      %lt3A = arith.constant 0 : i32
      %lt3A_55 = arith.cmpi slt, %rem3A_52, %lt3A : i32
      %lt3A_56 = arith.constant 0 : i32
      %lt3A_57 = arith.cmpi slt, %select_n3A_51, %lt3A_56 : i32
      %ne3A_58 = arith.xori %lt3A_55, %lt3A_57 : i1
      %and3A_59 = arith.andi %ne3A_58, %ne3A_54 : i1
      %add3A_60 = arith.addi %rem3A_52, %select_n3A_51 : i32
      %select_n3A_61 = arith.select %and3A_59, %add3A_60, %rem3A_52 : i32
      %mul3A_62 = arith.constant 16 : i32
      %mul3A_63 = arith.muli %select_n3A_61, %mul3A_62 : i32
      %swap3A = arith.index_cast %select_n3A : i32 to index
      %swap3A_64 = arith.index_cast %mul3A_63 : i32 to index
      %swap3A_65 = tpu.vector_load %arg12[%swap3A, %swap3A_64] {strides = array<i32>} : memref<128x128xf32, #tpu.memory_space<vmem>>, vector<1x16xf32>,
      %swap3A_66 = vector.shape_cast %swap3A_65 : vector<1x16xf32> to vector<16xf32>
      %swap3A_67 = vector.shape_cast %broadcast_in_dim3A_1 : vector<16xf32> to vector<1x16xf32>
      tpu.vector_store %arg12[%swap3A, %swap3A_64], %swap3A_67 {strides = array<i32>} : memref<128x128xf32, #tpu.memory_space<vmem>>, vector<1x16xf32>,
      %scan3A_68 = arith.constant 0 : i32
      scf.yield %scan3A_68 : i32
    }
    %scan3A_7 = arith.constant 1024 : i32
    %mul3A_8 = arith.constant 640 : i32
    %mul3A_9 = arith.muli %arg1, %mul3A_8 : i32
    %add3A_10 = arith.constant 0 : i32
    %add3A_11 = arith.addi %mul3A_9, %add3A_10 : i32
    "tpu.region"() ({
      %run_scoped3A = tpu.sem_alloc : memref<!tpu.dma_semaphore, #tpu.memory_space<semaphore_mem>>
      %dma_start3A = arith.constant 0 : i32
      %dma_start3A_30 = tpu.memref_slice %arg7[%add3A_11, %dma_start3A] : memref<10240x128xf32, #tpu.memory_space<vmem_shared>> -> memref<128x128xf32, #tpu.memory_space<vmem_shared>>
      %dma_start3A_31 = arith.constant 0 : i32
      %dma_start3A_32 = tpu.memref_slice %arg7[%add3A_11, %dma_start3A_31] : memref<10240x128xf32, #tpu.memory_space<vmem_shared>> -> memref<128x128xf32, #tpu.memory_space<vmem_shared>>
      tpu.enqueue_dma source(%arg12 : memref<128x128xf32, #tpu.memory_space<vmem>>) target(%dma_start3A_32 : memref<128x128xf32, #tpu.memory_space<vmem_shared>>) target_semaphore(%run_scoped3A : memref<!tpu.dma_semaphore, #tpu.memory_space<semaphore_mem>>)
      %dma_wait3A = arith.constant 0 : i32
      %dma_wait3A_33 = tpu.memref_slice %arg7[%add3A_11, %dma_wait3A] : memref<10240x128xf32, #tpu.memory_space<vmem_shared>> -> memref<128x128xf32, #tpu.memory_space<vmem_shared>>
      %dma_wait3A_34 = arith.constant 0 : i32
      %dma_wait3A_35 = tpu.memref_slice %arg7[%add3A_11, %dma_wait3A_34] : memref<10240x128xf32, #tpu.memory_space<vmem_shared>> -> memref<128x128xf32, #tpu.memory_space<vmem_shared>>
      tpu.wait_dma2 semaphore(%run_scoped3A : memref<!tpu.dma_semaphore, #tpu.memory_space<semaphore_mem>>) src(%arg12 : memref<128x128xf32, #tpu.memory_space<vmem>>) dst(%dma_wait3A_35 : memref<128x128xf32, #tpu.memory_space<vmem_shared>>)
      tpu.yield
    }) : () -> ()
    %add3A_12 = arith.constant 128 : i32
    %add3A_13 = arith.addi %mul3A_9, %add3A_12 : i32
    "tpu.region"() ({
      %run_scoped3A = tpu.sem_alloc : memref<!tpu.dma_semaphore, #tpu.memory_space<semaphore_mem>>
      %dma_start3A = arith.constant 0 : i32
      %dma_start3A_30 = tpu.memref_slice %arg7[%add3A_13, %dma_start3A] : memref<10240x128xf32, #tpu.memory_space<vmem_shared>> -> memref<128x128xf32, #tpu.memory_space<vmem_shared>>
      %dma_start3A_31 = arith.constant 0 : i32
      %dma_start3A_32 = tpu.memref_slice %arg7[%add3A_13, %dma_start3A_31] : memref<10240x128xf32, #tpu.memory_space<vmem_shared>> -> memref<128x128xf32, #tpu.memory_space<vmem_shared>>
      tpu.enqueue_dma source(%arg12 : memref<128x128xf32, #tpu.memory_space<vmem>>) target(%dma_start3A_32 : memref<128x128xf32, #tpu.memory_space<vmem_shared>>) target_semaphore(%run_scoped3A : memref<!tpu.dma_semaphore, #tpu.memory_space<semaphore_mem>>)
      %dma_wait3A = arith.constant 0 : i32
      %dma_wait3A_33 = tpu.memref_slice %arg7[%add3A_13, %dma_wait3A] : memref<10240x128xf32, #tpu.memory_space<vmem_shared>> -> memref<128x128xf32, #tpu.memory_space<vmem_shared>>
      %dma_wait3A_34 = arith.constant 0 : i32
      %dma_wait3A_35 = tpu.memref_slice %arg7[%add3A_13, %dma_wait3A_34] : memref<10240x128xf32, #tpu.memory_space<vmem_shared>> -> memref<128x128xf32, #tpu.memory_space<vmem_shared>>
      tpu.wait_dma2 semaphore(%run_scoped3A : memref<!tpu.dma_semaphore, #tpu.memory_space<semaphore_mem>>) src(%arg12 : memref<128x128xf32, #tpu.memory_space<vmem>>) dst(%dma_wait3A_35 : memref<128x128xf32, #tpu.memory_space<vmem_shared>>)
      tpu.yield
    }) : () -> ()
    %add3A_14 = arith.constant 256 : i32
    %add3A_15 = arith.addi %mul3A_9, %add3A_14 : i32
    "tpu.region"() ({
      %run_scoped3A = tpu.sem_alloc : memref<!tpu.dma_semaphore, #tpu.memory_space<semaphore_mem>>
      %dma_start3A = arith.constant 0 : i32
      %dma_start3A_30 = tpu.memref_slice %arg7[%add3A_15, %dma_start3A] : memref<10240x128xf32, #tpu.memory_space<vmem_shared>> -> memref<128x128xf32, #tpu.memory_space<vmem_shared>>
      %dma_start3A_31 = arith.constant 0 : i32
      %dma_start3A_32 = tpu.memref_slice %arg7[%add3A_15, %dma_start3A_31] : memref<10240x128xf32, #tpu.memory_space<vmem_shared>> -> memref<128x128xf32, #tpu.memory_space<vmem_shared>>
      tpu.enqueue_dma source(%arg12 : memref<128x128xf32, #tpu.memory_space<vmem>>) target(%dma_start3A_32 : memref<128x128xf32, #tpu.memory_space<vmem_shared>>) target_semaphore(%run_scoped3A : memref<!tpu.dma_semaphore, #tpu.memory_space<semaphore_mem>>)
      %dma_wait3A = arith.constant 0 : i32
      %dma_wait3A_33 = tpu.memref_slice %arg7[%add3A_15, %dma_wait3A] : memref<10240x128xf32, #tpu.memory_space<vmem_shared>> -> memref<128x128xf32, #tpu.memory_space<vmem_shared>>
      %dma_wait3A_34 = arith.constant 0 : i32
      %dma_wait3A_35 = tpu.memref_slice %arg7[%add3A_15, %dma_wait3A_34] : memref<10240x128xf32, #tpu.memory_space<vmem_shared>> -> memref<128x128xf32, #tpu.memory_space<vmem_shared>>
      tpu.wait_dma2 semaphore(%run_scoped3A : memref<!tpu.dma_semaphore, #tpu.memory_space<semaphore_mem>>) src(%arg12 : memref<128x128xf32, #tpu.memory_space<vmem>>) dst(%dma_wait3A_35 : memref<128x128xf32, #tpu.memory_space<vmem_shared>>)
      tpu.yield
    }) : () -> ()
    %add3A_16 = arith.constant 384 : i32
    %add3A_17 = arith.addi %mul3A_9, %add3A_16 : i32
    "tpu.region"() ({
      %run_scoped3A = tpu.sem_alloc : memref<!tpu.dma_semaphore, #tpu.memory_space<semaphore_mem>>
      %dma_start3A = arith.constant 0 : i32
      %dma_start3A_30 = tpu.memref_slice %arg7[%add3A_17, %dma_start3A] : memref<10240x128xf32, #tpu.memory_space<vmem_shared>> -> memref<128x128xf32, #tpu.memory_space<vmem_shared>>
      %dma_start3A_31 = arith.constant 0 : i32
      %dma_start3A_32 = tpu.memref_slice %arg7[%add3A_17, %dma_start3A_31] : memref<10240x128xf32, #tpu.memory_space<vmem_shared>> -> memref<128x128xf32, #tpu.memory_space<vmem_shared>>
      tpu.enqueue_dma source(%arg12 : memref<128x128xf32, #tpu.memory_space<vmem>>) target(%dma_start3A_32 : memref<128x128xf32, #tpu.memory_space<vmem_shared>>) target_semaphore(%run_scoped3A : memref<!tpu.dma_semaphore, #tpu.memory_space<semaphore_mem>>)
      %dma_wait3A = arith.constant 0 : i32
      %dma_wait3A_33 = tpu.memref_slice %arg7[%add3A_17, %dma_wait3A] : memref<10240x128xf32, #tpu.memory_space<vmem_shared>> -> memref<128x128xf32, #tpu.memory_space<vmem_shared>>
      %dma_wait3A_34 = arith.constant 0 : i32
      %dma_wait3A_35 = tpu.memref_slice %arg7[%add3A_17, %dma_wait3A_34] : memref<10240x128xf32, #tpu.memory_space<vmem_shared>> -> memref<128x128xf32, #tpu.memory_space<vmem_shared>>
      tpu.wait_dma2 semaphore(%run_scoped3A : memref<!tpu.dma_semaphore, #tpu.memory_space<semaphore_mem>>) src(%arg12 : memref<128x128xf32, #tpu.memory_space<vmem>>) dst(%dma_wait3A_35 : memref<128x128xf32, #tpu.memory_space<vmem_shared>>)
      tpu.yield
    }) : () -> ()
    %add3A_18 = arith.constant 512 : i32
    %add3A_19 = arith.addi %mul3A_9, %add3A_18 : i32
    "tpu.region"() ({
      %run_scoped3A = tpu.sem_alloc : memref<!tpu.dma_semaphore, #tpu.memory_space<semaphore_mem>>
      %dma_start3A = arith.constant 0 : i32
      %dma_start3A_30 = tpu.memref_slice %arg7[%add3A_19, %dma_start3A] : memref<10240x128xf32, #tpu.memory_space<vmem_shared>> -> memref<128x128xf32, #tpu.memory_space<vmem_shared>>
      %dma_start3A_31 = arith.constant 0 : i32
      %dma_start3A_32 = tpu.memref_slice %arg7[%add3A_19, %dma_start3A_31] : memref<10240x128xf32, #tpu.memory_space<vmem_shared>> -> memref<128x128xf32, #tpu.memory_space<vmem_shared>>
      tpu.enqueue_dma source(%arg12 : memref<128x128xf32, #tpu.memory_space<vmem>>) target(%dma_start3A_32 : memref<128x128xf32, #tpu.memory_space<vmem_shared>>) target_semaphore(%run_scoped3A : memref<!tpu.dma_semaphore, #tpu.memory_space<semaphore_mem>>)
      %dma_wait3A = arith.constant 0 : i32
      %dma_wait3A_33 = tpu.memref_slice %arg7[%add3A_19, %dma_wait3A] : memref<10240x128xf32, #tpu.memory_space<vmem_shared>> -> memref<128x128xf32, #tpu.memory_space<vmem_shared>>
      %dma_wait3A_34 = arith.constant 0 : i32
      %dma_wait3A_35 = tpu.memref_slice %arg7[%add3A_19, %dma_wait3A_34] : memref<10240x128xf32, #tpu.memory_space<vmem_shared>> -> memref<128x128xf32, #tpu.memory_space<vmem_shared>>
      tpu.wait_dma2 semaphore(%run_scoped3A : memref<!tpu.dma_semaphore, #tpu.memory_space<semaphore_mem>>) src(%arg12 : memref<128x128xf32, #tpu.memory_space<vmem>>) dst(%dma_wait3A_35 : memref<128x128xf32, #tpu.memory_space<vmem_shared>>)
      tpu.yield
    }) : () -> ()
    %barrier3A = arith.constant 0 : index
    tpu.barrier barrier_id(%barrier3A)
    %mul3A_20 = arith.constant 10000 : i32
    %mul3A_21 = arith.muli %add3A, %mul3A_20 : i32
    %scan3A_22 = arith.constant 0 : i32
    %scan3A_23 = arith.constant 0 : i32
    %scan3A_24 = arith.constant 125 : i32
    %scan3A_25 = arith.addi %scan3A_23, %scan3A_24 : i32
    %scan3A_26 = arith.constant 1 : i32
    %scan3A_27 = scf.for %scan3A_30 = %scan3A_23 to %scan3A_25 step %scan3A_26 iter_args(%scan3A_31 = %scan3A_22) -> (i32)  : i32 {
      %mul3A_32 = arith.constant 80 : i32
      %mul3A_33 = arith.muli %scan3A_30, %mul3A_32 : i32
      %add3A_34 = arith.addi %mul3A_21, %mul3A_33 : i32
      "tpu.region"() ({
        %run_scoped3A = tpu.sem_alloc : memref<!tpu.dma_semaphore, #tpu.memory_space<semaphore_mem>>
        %dma_start3A_47 = tpu.memref_slice %arg3[%add3A_34] : memref<320000xi32, #tpu.memory_space<hbm>> -> memref<80xi32, #tpu.memory_space<hbm>>
        %dma_start3A_48 = tpu.memref_slice %arg3[%add3A_34] : memref<320000xi32, #tpu.memory_space<hbm>> -> memref<80xi32, #tpu.memory_space<hbm>>
        tpu.enqueue_dma source(%dma_start3A_48 : memref<80xi32, #tpu.memory_space<hbm>>) target(%arg8 : memref<80xi32, #tpu.memory_space<vmem>>) target_semaphore(%run_scoped3A : memref<!tpu.dma_semaphore, #tpu.memory_space<semaphore_mem>>)
        %dma_wait3A_49 = tpu.memref_slice %arg3[%add3A_34] : memref<320000xi32, #tpu.memory_space<hbm>> -> memref<80xi32, #tpu.memory_space<hbm>>
        %dma_wait3A_50 = tpu.memref_slice %arg3[%add3A_34] : memref<320000xi32, #tpu.memory_space<hbm>> -> memref<80xi32, #tpu.memory_space<hbm>>
        tpu.wait_dma2 semaphore(%run_scoped3A : memref<!tpu.dma_semaphore, #tpu.memory_space<semaphore_mem>>) src(%dma_wait3A_50 : memref<80xi32, #tpu.memory_space<hbm>>) dst(%arg8 : memref<80xi32, #tpu.memory_space<vmem>>)
        tpu.yield
      }) : () -> ()
      "tpu.region"() ({
        %run_scoped3A = tpu.sem_alloc : memref<!tpu.dma_semaphore, #tpu.memory_space<semaphore_mem>>
        %dma_start3A_47 = tpu.memref_slice %arg4[%add3A_34] : memref<320000xi32, #tpu.memory_space<hbm>> -> memref<80xi32, #tpu.memory_space<hbm>>
        %dma_start3A_48 = tpu.memref_slice %arg4[%add3A_34] : memref<320000xi32, #tpu.memory_space<hbm>> -> memref<80xi32, #tpu.memory_space<hbm>>
        tpu.enqueue_dma source(%dma_start3A_48 : memref<80xi32, #tpu.memory_space<hbm>>) target(%arg9 : memref<80xi32, #tpu.memory_space<vmem>>) target_semaphore(%run_scoped3A : memref<!tpu.dma_semaphore, #tpu.memory_space<semaphore_mem>>)
        %dma_wait3A_49 = tpu.memref_slice %arg4[%add3A_34] : memref<320000xi32, #tpu.memory_space<hbm>> -> memref<80xi32, #tpu.memory_space<hbm>>
        %dma_wait3A_50 = tpu.memref_slice %arg4[%add3A_34] : memref<320000xi32, #tpu.memory_space<hbm>> -> memref<80xi32, #tpu.memory_space<hbm>>
        tpu.wait_dma2 semaphore(%run_scoped3A : memref<!tpu.dma_semaphore, #tpu.memory_space<semaphore_mem>>) src(%dma_wait3A_50 : memref<80xi32, #tpu.memory_space<hbm>>) dst(%arg9 : memref<80xi32, #tpu.memory_space<vmem>>)
        tpu.yield
      }) : () -> ()
      "tpu.region"() ({
        %run_scoped3A = tpu.sem_alloc : memref<!tpu.dma_semaphore, #tpu.memory_space<semaphore_mem>>
        %dma_start3A_47 = tpu.memref_slice %arg5[%add3A_34] : memref<320000xf32, #tpu.memory_space<hbm>> -> memref<80xf32, #tpu.memory_space<hbm>>
        %dma_start3A_48 = tpu.memref_slice %arg5[%add3A_34] : memref<320000xf32, #tpu.memory_space<hbm>> -> memref<80xf32, #tpu.memory_space<hbm>>
        tpu.enqueue_dma source(%dma_start3A_48 : memref<80xf32, #tpu.memory_space<hbm>>) target(%arg10 : memref<80xf32, #tpu.memory_space<vmem>>) target_semaphore(%run_scoped3A : memref<!tpu.dma_semaphore, #tpu.memory_space<semaphore_mem>>)
        %dma_wait3A_49 = tpu.memref_slice %arg5[%add3A_34] : memref<320000xf32, #tpu.memory_space<hbm>> -> memref<80xf32, #tpu.memory_space<hbm>>
        %dma_wait3A_50 = tpu.memref_slice %arg5[%add3A_34] : memref<320000xf32, #tpu.memory_space<hbm>> -> memref<80xf32, #tpu.memory_space<hbm>>
        tpu.wait_dma2 semaphore(%run_scoped3A : memref<!tpu.dma_semaphore, #tpu.memory_space<semaphore_mem>>) src(%dma_wait3A_50 : memref<80xf32, #tpu.memory_space<hbm>>) dst(%arg10 : memref<80xf32, #tpu.memory_space<vmem>>)
        tpu.yield
      }) : () -> ()
      %dma_start3A = arith.constant 0 : i32
      %dma_start3A_35 = arith.constant 0 : i32
      %dma_start3A_36 = tpu.memref_slice %arg2[%dma_start3A, %dma_start3A_35] : memref<10000x128xf32, #tpu.memory_space<hbm>> -> memref<10000x128xf32, #tpu.memory_space<hbm>>
      tpu.enqueue_indirect_dma source(%dma_start3A_36 : memref<10000x128xf32, #tpu.memory_space<hbm>>) target(%arg11 : memref<80x128xf32, #tpu.memory_space<vmem>>) offsets(%arg8 : memref<80xi32, #tpu.memory_space<vmem>>) semaphore(%arg13 : memref<!tpu.dma_semaphore, #tpu.memory_space<semaphore_mem>>)
      %dma_wait3A = arith.constant 0 : i32
      %dma_wait3A_37 = arith.constant 0 : i32
      %dma_wait3A_38 = tpu.memref_slice %arg2[%dma_wait3A, %dma_wait3A_37] : memref<10000x128xf32, #tpu.memory_space<hbm>> -> memref<10000x128xf32, #tpu.memory_space<hbm>>
      tpu.wait_indirect_dma semaphore(%arg13 : memref<!tpu.dma_semaphore, #tpu.memory_space<semaphore_mem>>) src(%dma_wait3A_38 : memref<10000x128xf32, #tpu.memory_space<hbm>>) dst(%arg11 : memref<80x128xf32, #tpu.memory_space<vmem>>)
      %scan3A_39 = arith.constant 0 : i32
      %scan3A_40 = arith.constant 0 : i32
      %scan3A_41 = arith.constant 5 : i32
      %scan3A_42 = arith.addi %scan3A_40, %scan3A_41 : i32
      %scan3A_43 = arith.constant 1 : i32
      %scan3A_44 = scf.for %scan3A_47 = %scan3A_40 to %scan3A_42 step %scan3A_43 iter_args(%scan3A_48 = %scan3A_39) -> (i32)  : i32 {
        %mul3A_49 = arith.constant 16 : i32
        %mul3A_50 = arith.muli %scan3A_47, %mul3A_49 : i32
        %get3A = arith.index_cast %mul3A_50 : i32 to index
        %get3A_51 = tpu.vector_load %arg10[%get3A] {strides = array<i32>} : memref<80xf32, #tpu.memory_space<vmem>>, vector<16xf32>,
        %get3A_52 = vector.shape_cast %get3A_51 : vector<16xf32> to vector<16xf32>
        %slice3A = vector.extract_strided_slice %get3A_52 {offsets = [0], sizes = [1], strides = [1]} : vector<16xf32> to vector<1xf32>
        %squeeze3A = vector.extract %slice3A[0] : f32 from vector<1xf32>
        %add3A_53 = arith.constant 0 : i32
        %add3A_54 = arith.addi %mul3A_50, %add3A_53 : i32
        %get3A_55 = arith.index_cast %add3A_54 : i32 to index
        %get3A_56 = arith.constant 0 : index
        %get3A_57 = tpu.vector_load %arg11[%get3A_55, %get3A_56] {strides = array<i32>} : memref<80x128xf32, #tpu.memory_space<vmem>>, vector<1x16xf32>,
        %get3A_58 = vector.shape_cast %get3A_57 : vector<1x16xf32> to vector<16xf32>
        %mul3A_59 = vector.broadcast %squeeze3A : f32 to vector<16xf32>
        %mul3A_60 = arith.mulf %get3A_58, %mul3A_59 : vector<16xf32>
        %swap3A = arith.index_cast %add3A_54 : i32 to index
        %swap3A_61 = arith.constant 0 : index
        %swap3A_62 = tpu.vector_load %arg11[%swap3A, %swap3A_61] {strides = array<i32>} : memref<80x128xf32, #tpu.memory_space<vmem>>, vector<1x16xf32>,
        %swap3A_63 = vector.shape_cast %swap3A_62 : vector<1x16xf32> to vector<16xf32>
        %swap3A_64 = vector.shape_cast %mul3A_60 : vector<16xf32> to vector<1x16xf32>
        tpu.vector_store %arg11[%swap3A, %swap3A_61], %swap3A_64 {strides = array<i32>} : memref<80x128xf32, #tpu.memory_space<vmem>>, vector<1x16xf32>,
        %get3A_65 = arith.index_cast %add3A_54 : i32 to index
        %get3A_66 = arith.constant 16 : index
        %get3A_67 = tpu.vector_load %arg11[%get3A_65, %get3A_66] {strides = array<i32>} : memref<80x128xf32, #tpu.memory_space<vmem>>, vector<1x16xf32>,
        %get3A_68 = vector.shape_cast %get3A_67 : vector<1x16xf32> to vector<16xf32>
        %mul3A_69 = vector.broadcast %squeeze3A : f32 to vector<16xf32>
        %mul3A_70 = arith.mulf %get3A_68, %mul3A_69 : vector<16xf32>
        %swap3A_71 = arith.index_cast %add3A_54 : i32 to index
        %swap3A_72 = arith.constant 16 : index
        %swap3A_73 = tpu.vector_load %arg11[%swap3A_71, %swap3A_72] {strides = array<i32>} : memref<80x128xf32, #tpu.memory_space<vmem>>, vector<1x16xf32>,
        %swap3A_74 = vector.shape_cast %swap3A_73 : vector<1x16xf32> to vector<16xf32>
        %swap3A_75 = vector.shape_cast %mul3A_70 : vector<16xf32> to vector<1x16xf32>
        tpu.vector_store %arg11[%swap3A_71, %swap3A_72], %swap3A_75 {strides = array<i32>} : memref<80x128xf32, #tpu.memory_space<vmem>>, vector<1x16xf32>,
        %get3A_76 = arith.index_cast %add3A_54 : i32 to index
        %get3A_77 = arith.constant 32 : index
        %get3A_78 = tpu.vector_load %arg11[%get3A_76, %get3A_77] {strides = array<i32>} : memref<80x128xf32, #tpu.memory_space<vmem>>, vector<1x16xf32>,
        %get3A_79 = vector.shape_cast %get3A_78 : vector<1x16xf32> to vector<16xf32>
        %mul3A_80 = vector.broadcast %squeeze3A : f32 to vector<16xf32>
        %mul3A_81 = arith.mulf %get3A_79, %mul3A_80 : vector<16xf32>
        %swap3A_82 = arith.index_cast %add3A_54 : i32 to index
        %swap3A_83 = arith.constant 32 : index
        %swap3A_84 = tpu.vector_load %arg11[%swap3A_82, %swap3A_83] {strides = array<i32>} : memref<80x128xf32, #tpu.memory_space<vmem>>, vector<1x16xf32>,
        %swap3A_85 = vector.shape_cast %swap3A_84 : vector<1x16xf32> to vector<16xf32>
        %swap3A_86 = vector.shape_cast %mul3A_81 : vector<16xf32> to vector<1x16xf32>
        tpu.vector_store %arg11[%swap3A_82, %swap3A_83], %swap3A_86 {strides = array<i32>} : memref<80x128xf32, #tpu.memory_space<vmem>>, vector<1x16xf32>,
        %get3A_87 = arith.index_cast %add3A_54 : i32 to index
        %get3A_88 = arith.constant 48 : index
        %get3A_89 = tpu.vector_load %arg11[%get3A_87, %get3A_88] {strides = array<i32>} : memref<80x128xf32, #tpu.memory_space<vmem>>, vector<1x16xf32>,
        %get3A_90 = vector.shape_cast %get3A_89 : vector<1x16xf32> to vector<16xf32>
        %mul3A_91 = vector.broadcast %squeeze3A : f32 to vector<16xf32>
        %mul3A_92 = arith.mulf %get3A_90, %mul3A_91 : vector<16xf32>
        %swap3A_93 = arith.index_cast %add3A_54 : i32 to index
        %swap3A_94 = arith.constant 48 : index
        %swap3A_95 = tpu.vector_load %arg11[%swap3A_93, %swap3A_94] {strides = array<i32>} : memref<80x128xf32, #tpu.memory_space<vmem>>, vector<1x16xf32>,
        %swap3A_96 = vector.shape_cast %swap3A_95 : vector<1x16xf32> to vector<16xf32>
        %swap3A_97 = vector.shape_cast %mul3A_92 : vector<16xf32> to vector<1x16xf32>
        tpu.vector_store %arg11[%swap3A_93, %swap3A_94], %swap3A_97 {strides = array<i32>} : memref<80x128xf32, #tpu.memory_space<vmem>>, vector<1x16xf32>,
        %get3A_98 = arith.index_cast %add3A_54 : i32 to index
        %get3A_99 = arith.constant 64 : index
        %get3A_100 = tpu.vector_load %arg11[%get3A_98, %get3A_99] {strides = array<i32>} : memref<80x128xf32, #tpu.memory_space<vmem>>, vector<1x16xf32>,
        %get3A_101 = vector.shape_cast %get3A_100 : vector<1x16xf32> to vector<16xf32>
        %mul3A_102 = vector.broadcast %squeeze3A : f32 to vector<16xf32>
        %mul3A_103 = arith.mulf %get3A_101, %mul3A_102 : vector<16xf32>
        %swap3A_104 = arith.index_cast %add3A_54 : i32 to index
        %swap3A_105 = arith.constant 64 : index
        %swap3A_106 = tpu.vector_load %arg11[%swap3A_104, %swap3A_105] {strides = array<i32>} : memref<80x128xf32, #tpu.memory_space<vmem>>, vector<1x16xf32>,
        %swap3A_107 = vector.shape_cast %swap3A_106 : vector<1x16xf32> to vector<16xf32>
        %swap3A_108 = vector.shape_cast %mul3A_103 : vector<16xf32> to vector<1x16xf32>
        tpu.vector_store %arg11[%swap3A_104, %swap3A_105], %swap3A_108 {strides = array<i32>} : memref<80x128xf32, #tpu.memory_space<vmem>>, vector<1x16xf32>,
        %get3A_109 = arith.index_cast %add3A_54 : i32 to index
        %get3A_110 = arith.constant 80 : index
        %get3A_111 = tpu.vector_load %arg11[%get3A_109, %get3A_110] {strides = array<i32>} : memref<80x128xf32, #tpu.memory_space<vmem>>, vector<1x16xf32>,
        %get3A_112 = vector.shape_cast %get3A_111 : vector<1x16xf32> to vector<16xf32>
        %mul3A_113 = vector.broadcast %squeeze3A : f32 to vector<16xf32>
        %mul3A_114 = arith.mulf %get3A_112, %mul3A_113 : vector<16xf32>
        %swap3A_115 = arith.index_cast %add3A_54 : i32 to index
        %swap3A_116 = arith.constant 80 : index
        %swap3A_117 = tpu.vector_load %arg11[%swap3A_115, %swap3A_116] {strides = array<i32>} : memref<80x128xf32, #tpu.memory_space<vmem>>, vector<1x16xf32>,
        %swap3A_118 = vector.shape_cast %swap3A_117 : vector<1x16xf32> to vector<16xf32>
        %swap3A_119 = vector.shape_cast %mul3A_114 : vector<16xf32> to vector<1x16xf32>
        tpu.vector_store %arg11[%swap3A_115, %swap3A_116], %swap3A_119 {strides = array<i32>} : memref<80x128xf32, #tpu.memory_space<vmem>>, vector<1x16xf32>,
        %get3A_120 = arith.index_cast %add3A_54 : i32 to index
        %get3A_121 = arith.constant 96 : index
        %get3A_122 = tpu.vector_load %arg11[%get3A_120, %get3A_121] {strides = array<i32>} : memref<80x128xf32, #tpu.memory_space<vmem>>, vector<1x16xf32>,
        %get3A_123 = vector.shape_cast %get3A_122 : vector<1x16xf32> to vector<16xf32>
        %mul3A_124 = vector.broadcast %squeeze3A : f32 to vector<16xf32>
        %mul3A_125 = arith.mulf %get3A_123, %mul3A_124 : vector<16xf32>
        %swap3A_126 = arith.index_cast %add3A_54 : i32 to index
        %swap3A_127 = arith.constant 96 : index
        %swap3A_128 = tpu.vector_load %arg11[%swap3A_126, %swap3A_127] {strides = array<i32>} : memref<80x128xf32, #tpu.memory_space<vmem>>, vector<1x16xf32>,
        %swap3A_129 = vector.shape_cast %swap3A_128 : vector<1x16xf32> to vector<16xf32>
        %swap3A_130 = vector.shape_cast %mul3A_125 : vector<16xf32> to vector<1x16xf32>
        tpu.vector_store %arg11[%swap3A_126, %swap3A_127], %swap3A_130 {strides = array<i32>} : memref<80x128xf32, #tpu.memory_space<vmem>>, vector<1x16xf32>,
        %get3A_131 = arith.index_cast %add3A_54 : i32 to index
        %get3A_132 = arith.constant 112 : index
        %get3A_133 = tpu.vector_load %arg11[%get3A_131, %get3A_132] {strides = array<i32>} : memref<80x128xf32, #tpu.memory_space<vmem>>, vector<1x16xf32>,
        %get3A_134 = vector.shape_cast %get3A_133 : vector<1x16xf32> to vector<16xf32>
        %mul3A_135 = vector.broadcast %squeeze3A : f32 to vector<16xf32>
        %mul3A_136 = arith.mulf %get3A_134, %mul3A_135 : vector<16xf32>
        %swap3A_137 = arith.index_cast %add3A_54 : i32 to index
        %swap3A_138 = arith.constant 112 : index
        %swap3A_139 = tpu.vector_load %arg11[%swap3A_137, %swap3A_138] {strides = array<i32>} : memref<80x128xf32, #tpu.memory_space<vmem>>, vector<1x16xf32>,
        %swap3A_140 = vector.shape_cast %swap3A_139 : vector<1x16xf32> to vector<16xf32>
        %swap3A_141 = vector.shape_cast %mul3A_136 : vector<16xf32> to vector<1x16xf32>
        tpu.vector_store %arg11[%swap3A_137, %swap3A_138], %swap3A_141 {strides = array<i32>} : memref<80x128xf32, #tpu.memory_space<vmem>>, vector<1x16xf32>,
        %slice3A_142 = vector.extract_strided_slice %get3A_52 {offsets = [1], sizes = [1], strides = [1]} : vector<16xf32> to vector<1xf32>
        %squeeze3A_143 = vector.extract %slice3A_142[0] : f32 from vector<1xf32>
        %add3A_144 = arith.constant 1 : i32
        %add3A_145 = arith.addi %mul3A_50, %add3A_144 : i32
        %get3A_146 = arith.index_cast %add3A_145 : i32 to index
        %get3A_147 = arith.constant 0 : index
        %get3A_148 = tpu.vector_load %arg11[%get3A_146, %get3A_147] {strides = array<i32>} : memref<80x128xf32, #tpu.memory_space<vmem>>, vector<1x16xf32>,
        %get3A_149 = vector.shape_cast %get3A_148 : vector<1x16xf32> to vector<16xf32>
        %mul3A_150 = vector.broadcast %squeeze3A_143 : f32 to vector<16xf32>
        %mul3A_151 = arith.mulf %get3A_149, %mul3A_150 : vector<16xf32>
        %swap3A_152 = arith.index_cast %add3A_145 : i32 to index
        %swap3A_153 = arith.constant 0 : index
        %swap3A_154 = tpu.vector_load %arg11[%swap3A_152, %swap3A_153] {strides = array<i32>} : memref<80x128xf32, #tpu.memory_space<vmem>>, vector<1x16xf32>,
        %swap3A_155 = vector.shape_cast %swap3A_154 : vector<1x16xf32> to vector<16xf32>
        %swap3A_156 = vector.shape_cast %mul3A_151 : vector<16xf32> to vector<1x16xf32>
        tpu.vector_store %arg11[%swap3A_152, %swap3A_153], %swap3A_156 {strides = array<i32>} : memref<80x128xf32, #tpu.memory_space<vmem>>, vector<1x16xf32>,
        %get3A_157 = arith.index_cast %add3A_145 : i32 to index
        %get3A_158 = arith.constant 16 : index
        %get3A_159 = tpu.vector_load %arg11[%get3A_157, %get3A_158] {strides = array<i32>} : memref<80x128xf32, #tpu.memory_space<vmem>>, vector<1x16xf32>,
        %get3A_160 = vector.shape_cast %get3A_159 : vector<1x16xf32> to vector<16xf32>
        %mul3A_161 = vector.broadcast %squeeze3A_143 : f32 to vector<16xf32>
        %mul3A_162 = arith.mulf %get3A_160, %mul3A_161 : vector<16xf32>
        %swap3A_163 = arith.index_cast %add3A_145 : i32 to index
        %swap3A_164 = arith.constant 16 : index
        %swap3A_165 = tpu.vector_load %arg11[%swap3A_163, %swap3A_164] {strides = array<i32>} : memref<80x128xf32, #tpu.memory_space<vmem>>, vector<1x16xf32>,
        %swap3A_166 = vector.shape_cast %swap3A_165 : vector<1x16xf32> to vector<16xf32>
        %swap3A_167 = vector.shape_cast %mul3A_162 : vector<16xf32> to vector<1x16xf32>
        tpu.vector_store %arg11[%swap3A_163, %swap3A_164], %swap3A_167 {strides = array<i32>} : memref<80x128xf32, #tpu.memory_space<vmem>>, vector<1x16xf32>,
        %get3A_168 = arith.index_cast %add3A_145 : i32 to index
        %get3A_169 = arith.constant 32 : index
        %get3A_170 = tpu.vector_load %arg11[%get3A_168, %get3A_169] {strides = array<i32>} : memref<80x128xf32, #tpu.memory_space<vmem>>, vector<1x16xf32>,
        %get3A_171 = vector.shape_cast %get3A_170 : vector<1x16xf32> to vector<16xf32>
        %mul3A_172 = vector.broadcast %squeeze3A_143 : f32 to vector<16xf32>
        %mul3A_173 = arith.mulf %get3A_171, %mul3A_172 : vector<16xf32>
        %swap3A_174 = arith.index_cast %add3A_145 : i32 to index
        %swap3A_175 = arith.constant 32 : index
        %swap3A_176 = tpu.vector_load %arg11[%swap3A_174, %swap3A_175] {strides = array<i32>} : memref<80x128xf32, #tpu.memory_space<vmem>>, vector<1x16xf32>,
        %swap3A_177 = vector.shape_cast %swap3A_176 : vector<1x16xf32> to vector<16xf32>
        %swap3A_178 = vector.shape_cast %mul3A_173 : vector<16xf32> to vector<1x16xf32>
        tpu.vector_store %arg11[%swap3A_174, %swap3A_175], %swap3A_178 {strides = array<i32>} : memref<80x128xf32, #tpu.memory_space<vmem>>, vector<1x16xf32>,
        %get3A_179 = arith.index_cast %add3A_145 : i32 to index
        %get3A_180 = arith.constant 48 : index
        %get3A_181 = tpu.vector_load %arg11[%get3A_179, %get3A_180] {strides = array<i32>} : memref<80x128xf32, #tpu.memory_space<vmem>>, vector<1x16xf32>,
        %get3A_182 = vector.shape_cast %get3A_181 : vector<1x16xf32> to vector<16xf32>
        %mul3A_183 = vector.broadcast %squeeze3A_143 : f32 to vector<16xf32>
        %mul3A_184 = arith.mulf %get3A_182, %mul3A_183 : vector<16xf32>
        %swap3A_185 = arith.index_cast %add3A_145 : i32 to index
        %swap3A_186 = arith.constant 48 : index
        %swap3A_187 = tpu.vector_load %arg11[%swap3A_185, %swap3A_186] {strides = array<i32>} : memref<80x128xf32, #tpu.memory_space<vmem>>, vector<1x16xf32>,
        %swap3A_188 = vector.shape_cast %swap3A_187 : vector<1x16xf32> to vector<16xf32>
        %swap3A_189 = vector.shape_cast %mul3A_184 : vector<16xf32> to vector<1x16xf32>
        tpu.vector_store %arg11[%swap3A_185, %swap3A_186], %swap3A_189 {strides = array<i32>} : memref<80x128xf32, #tpu.memory_space<vmem>>, vector<1x16xf32>,
        %get3A_190 = arith.index_cast %add3A_145 : i32 to index
        %get3A_191 = arith.constant 64 : index
        %get3A_192 = tpu.vector_load %arg11[%get3A_190, %get3A_191] {strides = array<i32>} : memref<80x128xf32, #tpu.memory_space<vmem>>, vector<1x16xf32>,
        %get3A_193 = vector.shape_cast %get3A_192 : vector<1x16xf32> to vector<16xf32>
        %mul3A_194 = vector.broadcast %squeeze3A_143 : f32 to vector<16xf32>
        %mul3A_195 = arith.mulf %get3A_193, %mul3A_194 : vector<16xf32>
        %swap3A_196 = arith.index_cast %add3A_145 : i32 to index
        %swap3A_197 = arith.constant 64 : index
        %swap3A_198 = tpu.vector_load %arg11[%swap3A_196, %swap3A_197] {strides = array<i32>} : memref<80x128xf32, #tpu.memory_space<vmem>>, vector<1x16xf32>,
        %swap3A_199 = vector.shape_cast %swap3A_198 : vector<1x16xf32> to vector<16xf32>
        %swap3A_200 = vector.shape_cast %mul3A_195 : vector<16xf32> to vector<1x16xf32>
        tpu.vector_store %arg11[%swap3A_196, %swap3A_197], %swap3A_200 {strides = array<i32>} : memref<80x128xf32, #tpu.memory_space<vmem>>, vector<1x16xf32>,
        %get3A_201 = arith.index_cast %add3A_145 : i32 to index
        %get3A_202 = arith.constant 80 : index
        %get3A_203 = tpu.vector_load %arg11[%get3A_201, %get3A_202] {strides = array<i32>} : memref<80x128xf32, #tpu.memory_space<vmem>>, vector<1x16xf32>,
        %get3A_204 = vector.shape_cast %get3A_203 : vector<1x16xf32> to vector<16xf32>
        %mul3A_205 = vector.broadcast %squeeze3A_143 : f32 to vector<16xf32>
        %mul3A_206 = arith.mulf %get3A_204, %mul3A_205 : vector<16xf32>
        %swap3A_207 = arith.index_cast %add3A_145 : i32 to index
        %swap3A_208 = arith.constant 80 : index
        %swap3A_209 = tpu.vector_load %arg11[%swap3A_207, %swap3A_208] {strides = array<i32>} : memref<80x128xf32, #tpu.memory_space<vmem>>, vector<1x16xf32>,
        %swap3A_210 = vector.shape_cast %swap3A_209 : vector<1x16xf32> to vector<16xf32>
        %swap3A_211 = vector.shape_cast %mul3A_206 : vector<16xf32> to vector<1x16xf32>
        tpu.vector_store %arg11[%swap3A_207, %swap3A_208], %swap3A_211 {strides = array<i32>} : memref<80x128xf32, #tpu.memory_space<vmem>>, vector<1x16xf32>,
        %get3A_212 = arith.index_cast %add3A_145 : i32 to index
        %get3A_213 = arith.constant 96 : index
        %get3A_214 = tpu.vector_load %arg11[%get3A_212, %get3A_213] {strides = array<i32>} : memref<80x128xf32, #tpu.memory_space<vmem>>, vector<1x16xf32>,
        %get3A_215 = vector.shape_cast %get3A_214 : vector<1x16xf32> to vector<16xf32>
        %mul3A_216 = vector.broadcast %squeeze3A_143 : f32 to vector<16xf32>
        %mul3A_217 = arith.mulf %get3A_215, %mul3A_216 : vector<16xf32>
        %swap3A_218 = arith.index_cast %add3A_145 : i32 to index
        %swap3A_219 = arith.constant 96 : index
        %swap3A_220 = tpu.vector_load %arg11[%swap3A_218, %swap3A_219] {strides = array<i32>} : memref<80x128xf32, #tpu.memory_space<vmem>>, vector<1x16xf32>,
        %swap3A_221 = vector.shape_cast %swap3A_220 : vector<1x16xf32> to vector<16xf32>
        %swap3A_222 = vector.shape_cast %mul3A_217 : vector<16xf32> to vector<1x16xf32>
        tpu.vector_store %arg11[%swap3A_218, %swap3A_219], %swap3A_222 {strides = array<i32>} : memref<80x128xf32, #tpu.memory_space<vmem>>, vector<1x16xf32>,
        %get3A_223 = arith.index_cast %add3A_145 : i32 to index
        %get3A_224 = arith.constant 112 : index
        %get3A_225 = tpu.vector_load %arg11[%get3A_223, %get3A_224] {strides = array<i32>} : memref<80x128xf32, #tpu.memory_space<vmem>>, vector<1x16xf32>,
        %get3A_226 = vector.shape_cast %get3A_225 : vector<1x16xf32> to vector<16xf32>
        %mul3A_227 = vector.broadcast %squeeze3A_143 : f32 to vector<16xf32>
        %mul3A_228 = arith.mulf %get3A_226, %mul3A_227 : vector<16xf32>
        %swap3A_229 = arith.index_cast %add3A_145 : i32 to index
        %swap3A_230 = arith.constant 112 : index
        %swap3A_231 = tpu.vector_load %arg11[%swap3A_229, %swap3A_230] {strides = array<i32>} : memref<80x128xf32, #tpu.memory_space<vmem>>, vector<1x16xf32>,
        %swap3A_232 = vector.shape_cast %swap3A_231 : vector<1x16xf32> to vector<16xf32>
        %swap3A_233 = vector.shape_cast %mul3A_228 : vector<16xf32> to vector<1x16xf32>
        tpu.vector_store %arg11[%swap3A_229, %swap3A_230], %swap3A_233 {strides = array<i32>} : memref<80x128xf32, #tpu.memory_space<vmem>>, vector<1x16xf32>,
        %slice3A_234 = vector.extract_strided_slice %get3A_52 {offsets = [2], sizes = [1], strides = [1]} : vector<16xf32> to vector<1xf32>
        %squeeze3A_235 = vector.extract %slice3A_234[0] : f32 from vector<1xf32>
        %add3A_236 = arith.constant 2 : i32
        %add3A_237 = arith.addi %mul3A_50, %add3A_236 : i32
        %get3A_238 = arith.index_cast %add3A_237 : i32 to index
        %get3A_239 = arith.constant 0 : index
        %get3A_240 = tpu.vector_load %arg11[%get3A_238, %get3A_239] {strides = array<i32>} : memref<80x128xf32, #tpu.memory_space<vmem>>, vector<1x16xf32>,
        %get3A_241 = vector.shape_cast %get3A_240 : vector<1x16xf32> to vector<16xf32>
        %mul3A_242 = vector.broadcast %squeeze3A_235 : f32 to vector<16xf32>
        %mul3A_243 = arith.mulf %get3A_241, %mul3A_242 : vector<16xf32>
        %swap3A_244 = arith.index_cast %add3A_237 : i32 to index
        %swap3A_245 = arith.constant 0 : index
        %swap3A_246 = tpu.vector_load %arg11[%swap3A_244, %swap3A_245] {strides = array<i32>} : memref<80x128xf32, #tpu.memory_space<vmem>>, vector<1x16xf32>,
        %swap3A_247 = vector.shape_cast %swap3A_246 : vector<1x16xf32> to vector<16xf32>
        %swap3A_248 = vector.shape_cast %mul3A_243 : vector<16xf32> to vector<1x16xf32>
        tpu.vector_store %arg11[%swap3A_244, %swap3A_245], %swap3A_248 {strides = array<i32>} : memref<80x128xf32, #tpu.memory_space<vmem>>, vector<1x16xf32>,
        %get3A_249 = arith.index_cast %add3A_237 : i32 to index
        %get3A_250 = arith.constant 16 : index
        %get3A_251 = tpu.vector_load %arg11[%get3A_249, %get3A_250] {strides = array<i32>} : memref<80x128xf32, #tpu.memory_space<vmem>>, vector<1x16xf32>,
        %get3A_252 = vector.shape_cast %get3A_251 : vector<1x16xf32> to vector<16xf32>
        %mul3A_253 = vector.broadcast %squeeze3A_235 : f32 to vector<16xf32>
        %mul3A_254 = arith.mulf %get3A_252, %mul3A_253 : vector<16xf32>
        %swap3A_255 = arith.index_cast %add3A_237 : i32 to index
        %swap3A_256 = arith.constant 16 : index
        %swap3A_257 = tpu.vector_load %arg11[%swap3A_255, %swap3A_256] {strides = array<i32>} : memref<80x128xf32, #tpu.memory_space<vmem>>, vector<1x16xf32>,
        %swap3A_258 = vector.shape_cast %swap3A_257 : vector<1x16xf32> to vector<16xf32>
        %swap3A_259 = vector.shape_cast %mul3A_254 : vector<16xf32> to vector<1x16xf32>
        tpu.vector_store %arg11[%swap3A_255, %swap3A_256], %swap3A_259 {strides = array<i32>} : memref<80x128xf32, #tpu.memory_space<vmem>>, vector<1x16xf32>,
        %get3A_260 = arith.index_cast %add3A_237 : i32 to index
        %get3A_261 = arith.constant 32 : index
        %get3A_262 = tpu.vector_load %arg11[%get3A_260, %get3A_261] {strides = array<i32>} : memref<80x128xf32, #tpu.memory_space<vmem>>, vector<1x16xf32>,
        %get3A_263 = vector.shape_cast %get3A_262 : vector<1x16xf32> to vector<16xf32>
        %mul3A_264 = vector.broadcast %squeeze3A_235 : f32 to vector<16xf32>
        %mul3A_265 = arith.mulf %get3A_263, %mul3A_264 : vector<16xf32>
        %swap3A_266 = arith.index_cast %add3A_237 : i32 to index
        %swap3A_267 = arith.constant 32 : index
        %swap3A_268 = tpu.vector_load %arg11[%swap3A_266, %swap3A_267] {strides = array<i32>} : memref<80x128xf32, #tpu.memory_space<vmem>>, vector<1x16xf32>,
        %swap3A_269 = vector.shape_cast %swap3A_268 : vector<1x16xf32> to vector<16xf32>
        %swap3A_270 = vector.shape_cast %mul3A_265 : vector<16xf32> to vector<1x16xf32>
        tpu.vector_store %arg11[%swap3A_266, %swap3A_267], %swap3A_270 {strides = array<i32>} : memref<80x128xf32, #tpu.memory_space<vmem>>, vector<1x16xf32>,
        %get3A_271 = arith.index_cast %add3A_237 : i32 to index
        %get3A_272 = arith.constant 48 : index
        %get3A_273 = tpu.vector_load %arg11[%get3A_271, %get3A_272] {strides = array<i32>} : memref<80x128xf32, #tpu.memory_space<vmem>>, vector<1x16xf32>,
        %get3A_274 = vector.shape_cast %get3A_273 : vector<1x16xf32> to vector<16xf32>
        %mul3A_275 = vector.broadcast %squeeze3A_235 : f32 to vector<16xf32>
        %mul3A_276 = arith.mulf %get3A_274, %mul3A_275 : vector<16xf32>
        %swap3A_277 = arith.index_cast %add3A_237 : i32 to index
        %swap3A_278 = arith.constant 48 : index
        %swap3A_279 = tpu.vector_load %arg11[%swap3A_277, %swap3A_278] {strides = array<i32>} : memref<80x128xf32, #tpu.memory_space<vmem>>, vector<1x16xf32>,
        %swap3A_280 = vector.shape_cast %swap3A_279 : vector<1x16xf32> to vector<16xf32>
        %swap3A_281 = vector.shape_cast %mul3A_276 : vector<16xf32> to vector<1x16xf32>
        tpu.vector_store %arg11[%swap3A_277, %swap3A_278], %swap3A_281 {strides = array<i32>} : memref<80x128xf32, #tpu.memory_space<vmem>>, vector<1x16xf32>,
        %get3A_282 = arith.index_cast %add3A_237 : i32 to index
        %get3A_283 = arith.constant 64 : index
        %get3A_284 = tpu.vector_load %arg11[%get3A_282, %get3A_283] {strides = array<i32>} : memref<80x128xf32, #tpu.memory_space<vmem>>, vector<1x16xf32>,
        %get3A_285 = vector.shape_cast %get3A_284 : vector<1x16xf32> to vector<16xf32>
        %mul3A_286 = vector.broadcast %squeeze3A_235 : f32 to vector<16xf32>
        %mul3A_287 = arith.mulf %get3A_285, %mul3A_286 : vector<16xf32>
        %swap3A_288 = arith.index_cast %add3A_237 : i32 to index
        %swap3A_289 = arith.constant 64 : index
        %swap3A_290 = tpu.vector_load %arg11[%swap3A_288, %swap3A_289] {strides = array<i32>} : memref<80x128xf32, #tpu.memory_space<vmem>>, vector<1x16xf32>,
        %swap3A_291 = vector.shape_cast %swap3A_290 : vector<1x16xf32> to vector<16xf32>
        %swap3A_292 = vector.shape_cast %mul3A_287 : vector<16xf32> to vector<1x16xf32>
        tpu.vector_store %arg11[%swap3A_288, %swap3A_289], %swap3A_292 {strides = array<i32>} : memref<80x128xf32, #tpu.memory_space<vmem>>, vector<1x16xf32>,
        %get3A_293 = arith.index_cast %add3A_237 : i32 to index
        %get3A_294 = arith.constant 80 : index
        %get3A_295 = tpu.vector_load %arg11[%get3A_293, %get3A_294] {strides = array<i32>} : memref<80x128xf32, #tpu.memory_space<vmem>>, vector<1x16xf32>,
        %get3A_296 = vector.shape_cast %get3A_295 : vector<1x16xf32> to vector<16xf32>
        %mul3A_297 = vector.broadcast %squeeze3A_235 : f32 to vector<16xf32>
        %mul3A_298 = arith.mulf %get3A_296, %mul3A_297 : vector<16xf32>
        %swap3A_299 = arith.index_cast %add3A_237 : i32 to index
        %swap3A_300 = arith.constant 80 : index
        %swap3A_301 = tpu.vector_load %arg11[%swap3A_299, %swap3A_300] {strides = array<i32>} : memref<80x128xf32, #tpu.memory_space<vmem>>, vector<1x16xf32>,
        %swap3A_302 = vector.shape_cast %swap3A_301 : vector<1x16xf32> to vector<16xf32>
        %swap3A_303 = vector.shape_cast %mul3A_298 : vector<16xf32> to vector<1x16xf32>
        tpu.vector_store %arg11[%swap3A_299, %swap3A_300], %swap3A_303 {strides = array<i32>} : memref<80x128xf32, #tpu.memory_space<vmem>>, vector<1x16xf32>,
        %get3A_304 = arith.index_cast %add3A_237 : i32 to index
        %get3A_305 = arith.constant 96 : index
        %get3A_306 = tpu.vector_load %arg11[%get3A_304, %get3A_305] {strides = array<i32>} : memref<80x128xf32, #tpu.memory_space<vmem>>, vector<1x16xf32>,
        %get3A_307 = vector.shape_cast %get3A_306 : vector<1x16xf32> to vector<16xf32>
        %mul3A_308 = vector.broadcast %squeeze3A_235 : f32 to vector<16xf32>
        %mul3A_309 = arith.mulf %get3A_307, %mul3A_308 : vector<16xf32>
        %swap3A_310 = arith.index_cast %add3A_237 : i32 to index
        %swap3A_311 = arith.constant 96 : index
        %swap3A_312 = tpu.vector_load %arg11[%swap3A_310, %swap3A_311] {strides = array<i32>} : memref<80x128xf32, #tpu.memory_space<vmem>>, vector<1x16xf32>,
        %swap3A_313 = vector.shape_cast %swap3A_312 : vector<1x16xf32> to vector<16xf32>
        %swap3A_314 = vector.shape_cast %mul3A_309 : vector<16xf32> to vector<1x16xf32>
        tpu.vector_store %arg11[%swap3A_310, %swap3A_311], %swap3A_314 {strides = array<i32>} : memref<80x128xf32, #tpu.memory_space<vmem>>, vector<1x16xf32>,
        %get3A_315 = arith.index_cast %add3A_237 : i32 to index
        %get3A_316 = arith.constant 112 : index
        %get3A_317 = tpu.vector_load %arg11[%get3A_315, %get3A_316] {strides = array<i32>} : memref<80x128xf32, #tpu.memory_space<vmem>>, vector<1x16xf32>,
        %get3A_318 = vector.shape_cast %get3A_317 : vector<1x16xf32> to vector<16xf32>
        %mul3A_319 = vector.broadcast %squeeze3A_235 : f32 to vector<16xf32>
        %mul3A_320 = arith.mulf %get3A_318, %mul3A_319 : vector<16xf32>
        %swap3A_321 = arith.index_cast %add3A_237 : i32 to index
        %swap3A_322 = arith.constant 112 : index
        %swap3A_323 = tpu.vector_load %arg11[%swap3A_321, %swap3A_322] {strides = array<i32>} : memref<80x128xf32, #tpu.memory_space<vmem>>, vector<1x16xf32>,
        %swap3A_324 = vector.shape_cast %swap3A_323 : vector<1x16xf32> to vector<16xf32>
        %swap3A_325 = vector.shape_cast %mul3A_320 : vector<16xf32> to vector<1x16xf32>
        tpu.vector_store %arg11[%swap3A_321, %swap3A_322], %swap3A_325 {strides = array<i32>} : memref<80x128xf32, #tpu.memory_space<vmem>>, vector<1x16xf32>,
        %slice3A_326 = vector.extract_strided_slice %get3A_52 {offsets = [3], sizes = [1], strides = [1]} : vector<16xf32> to vector<1xf32>
        %squeeze3A_327 = vector.extract %slice3A_326[0] : f32 from vector<1xf32>
        %add3A_328 = arith.constant 3 : i32
        %add3A_329 = arith.addi %mul3A_50, %add3A_328 : i32
        %get3A_330 = arith.index_cast %add3A_329 : i32 to index
        %get3A_331 = arith.constant 0 : index
        %get3A_332 = tpu.vector_load %arg11[%get3A_330, %get3A_331] {strides = array<i32>} : memref<80x128xf32, #tpu.memory_space<vmem>>, vector<1x16xf32>,
        %get3A_333 = vector.shape_cast %get3A_332 : vector<1x16xf32> to vector<16xf32>
        %mul3A_334 = vector.broadcast %squeeze3A_327 : f32 to vector<16xf32>
        %mul3A_335 = arith.mulf %get3A_333, %mul3A_334 : vector<16xf32>
        %swap3A_336 = arith.index_cast %add3A_329 : i32 to index
        %swap3A_337 = arith.constant 0 : index
        %swap3A_338 = tpu.vector_load %arg11[%swap3A_336, %swap3A_337] {strides = array<i32>} : memref<80x128xf32, #tpu.memory_space<vmem>>, vector<1x16xf32>,
        %swap3A_339 = vector.shape_cast %swap3A_338 : vector<1x16xf32> to vector<16xf32>
        %swap3A_340 = vector.shape_cast %mul3A_335 : vector<16xf32> to vector<1x16xf32>
        tpu.vector_store %arg11[%swap3A_336, %swap3A_337], %swap3A_340 {strides = array<i32>} : memref<80x128xf32, #tpu.memory_space<vmem>>, vector<1x16xf32>,
        %get3A_341 = arith.index_cast %add3A_329 : i32 to index
        %get3A_342 = arith.constant 16 : index
        %get3A_343 = tpu.vector_load %arg11[%get3A_341, %get3A_342] {strides = array<i32>} : memref<80x128xf32, #tpu.memory_space<vmem>>, vector<1x16xf32>,
        %get3A_344 = vector.shape_cast %get3A_343 : vector<1x16xf32> to vector<16xf32>
        %mul3A_345 = vector.broadcast %squeeze3A_327 : f32 to vector<16xf32>
        %mul3A_346 = arith.mulf %get3A_344, %mul3A_345 : vector<16xf32>
        %swap3A_347 = arith.index_cast %add3A_329 : i32 to index
        %swap3A_348 = arith.constant 16 : index
        %swap3A_349 = tpu.vector_load %arg11[%swap3A_347, %swap3A_348] {strides = array<i32>} : memref<80x128xf32, #tpu.memory_space<vmem>>, vector<1x16xf32>,
        %swap3A_350 = vector.shape_cast %swap3A_349 : vector<1x16xf32> to vector<16xf32>
        %swap3A_351 = vector.shape_cast %mul3A_346 : vector<16xf32> to vector<1x16xf32>
        tpu.vector_store %arg11[%swap3A_347, %swap3A_348], %swap3A_351 {strides = array<i32>} : memref<80x128xf32, #tpu.memory_space<vmem>>, vector<1x16xf32>,
        %get3A_352 = arith.index_cast %add3A_329 : i32 to index
        %get3A_353 = arith.constant 32 : index
        %get3A_354 = tpu.vector_load %arg11[%get3A_352, %get3A_353] {strides = array<i32>} : memref<80x128xf32, #tpu.memory_space<vmem>>, vector<1x16xf32>,
        %get3A_355 = vector.shape_cast %get3A_354 : vector<1x16xf32> to vector<16xf32>
        %mul3A_356 = vector.broadcast %squeeze3A_327 : f32 to vector<16xf32>
        %mul3A_357 = arith.mulf %get3A_355, %mul3A_356 : vector<16xf32>
        %swap3A_358 = arith.index_cast %add3A_329 : i32 to index
        %swap3A_359 = arith.constant 32 : index
        %swap3A_360 = tpu.vector_load %arg11[%swap3A_358, %swap3A_359] {strides = array<i32>} : memref<80x128xf32, #tpu.memory_space<vmem>>, vector<1x16xf32>,
        %swap3A_361 = vector.shape_cast %swap3A_360 : vector<1x16xf32> to vector<16xf32>
        %swap3A_362 = vector.shape_cast %mul3A_357 : vector<16xf32> to vector<1x16xf32>
        tpu.vector_store %arg11[%swap3A_358, %swap3A_359], %swap3A_362 {strides = array<i32>} : memref<80x128xf32, #tpu.memory_space<vmem>>, vector<1x16xf32>,
        %get3A_363 = arith.index_cast %add3A_329 : i32 to index
        %get3A_364 = arith.constant 48 : index
        %get3A_365 = tpu.vector_load %arg11[%get3A_363, %get3A_364] {strides = array<i32>} : memref<80x128xf32, #tpu.memory_space<vmem>>, vector<1x16xf32>,
        %get3A_366 = vector.shape_cast %get3A_365 : vector<1x16xf32> to vector<16xf32>
        %mul3A_367 = vector.broadcast %squeeze3A_327 : f32 to vector<16xf32>
        %mul3A_368 = arith.mulf %get3A_366, %mul3A_367 : vector<16xf32>
        %swap3A_369 = arith.index_cast %add3A_329 : i32 to index
        %swap3A_370 = arith.constant 48 : index
        %swap3A_371 = tpu.vector_load %arg11[%swap3A_369, %swap3A_370] {strides = array<i32>} : memref<80x128xf32, #tpu.memory_space<vmem>>, vector<1x16xf32>,
        %swap3A_372 = vector.shape_cast %swap3A_371 : vector<1x16xf32> to vector<16xf32>
        %swap3A_373 = vector.shape_cast %mul3A_368 : vector<16xf32> to vector<1x16xf32>
        tpu.vector_store %arg11[%swap3A_369, %swap3A_370], %swap3A_373 {strides = array<i32>} : memref<80x128xf32, #tpu.memory_space<vmem>>, vector<1x16xf32>,
        %get3A_374 = arith.index_cast %add3A_329 : i32 to index
        %get3A_375 = arith.constant 64 : index
        %get3A_376 = tpu.vector_load %arg11[%get3A_374, %get3A_375] {strides = array<i32>} : memref<80x128xf32, #tpu.memory_space<vmem>>, vector<1x16xf32>,
        %get3A_377 = vector.shape_cast %get3A_376 : vector<1x16xf32> to vector<16xf32>
        %mul3A_378 = vector.broadcast %squeeze3A_327 : f32 to vector<16xf32>
        %mul3A_379 = arith.mulf %get3A_377, %mul3A_378 : vector<16xf32>
        %swap3A_380 = arith.index_cast %add3A_329 : i32 to index
        %swap3A_381 = arith.constant 64 : index
        %swap3A_382 = tpu.vector_load %arg11[%swap3A_380, %swap3A_381] {strides = array<i32>} : memref<80x128xf32, #tpu.memory_space<vmem>>, vector<1x16xf32>,
        %swap3A_383 = vector.shape_cast %swap3A_382 : vector<1x16xf32> to vector<16xf32>
        %swap3A_384 = vector.shape_cast %mul3A_379 : vector<16xf32> to vector<1x16xf32>
        tpu.vector_store %arg11[%swap3A_380, %swap3A_381], %swap3A_384 {strides = array<i32>} : memref<80x128xf32, #tpu.memory_space<vmem>>, vector<1x16xf32>,
        %get3A_385 = arith.index_cast %add3A_329 : i32 to index
        %get3A_386 = arith.constant 80 : index
        %get3A_387 = tpu.vector_load %arg11[%get3A_385, %get3A_386] {strides = array<i32>} : memref<80x128xf32, #tpu.memory_space<vmem>>, vector<1x16xf32>,
        %get3A_388 = vector.shape_cast %get3A_387 : vector<1x16xf32> to vector<16xf32>
        %mul3A_389 = vector.broadcast %squeeze3A_327 : f32 to vector<16xf32>
        %mul3A_390 = arith.mulf %get3A_388, %mul3A_389 : vector<16xf32>
        %swap3A_391 = arith.index_cast %add3A_329 : i32 to index
        %swap3A_392 = arith.constant 80 : index
        %swap3A_393 = tpu.vector_load %arg11[%swap3A_391, %swap3A_392] {strides = array<i32>} : memref<80x128xf32, #tpu.memory_space<vmem>>, vector<1x16xf32>,
        %swap3A_394 = vector.shape_cast %swap3A_393 : vector<1x16xf32> to vector<16xf32>
        %swap3A_395 = vector.shape_cast %mul3A_390 : vector<16xf32> to vector<1x16xf32>
        tpu.vector_store %arg11[%swap3A_391, %swap3A_392], %swap3A_395 {strides = array<i32>} : memref<80x128xf32, #tpu.memory_space<vmem>>, vector<1x16xf32>,
        %get3A_396 = arith.index_cast %add3A_329 : i32 to index
        %get3A_397 = arith.constant 96 : index
        %get3A_398 = tpu.vector_load %arg11[%get3A_396, %get3A_397] {strides = array<i32>} : memref<80x128xf32, #tpu.memory_space<vmem>>, vector<1x16xf32>,
        %get3A_399 = vector.shape_cast %get3A_398 : vector<1x16xf32> to vector<16xf32>
        %mul3A_400 = vector.broadcast %squeeze3A_327 : f32 to vector<16xf32>
        %mul3A_401 = arith.mulf %get3A_399, %mul3A_400 : vector<16xf32>
        %swap3A_402 = arith.index_cast %add3A_329 : i32 to index
        %swap3A_403 = arith.constant 96 : index
        %swap3A_404 = tpu.vector_load %arg11[%swap3A_402, %swap3A_403] {strides = array<i32>} : memref<80x128xf32, #tpu.memory_space<vmem>>, vector<1x16xf32>,
        %swap3A_405 = vector.shape_cast %swap3A_404 : vector<1x16xf32> to vector<16xf32>
        %swap3A_406 = vector.shape_cast %mul3A_401 : vector<16xf32> to vector<1x16xf32>
        tpu.vector_store %arg11[%swap3A_402, %swap3A_403], %swap3A_406 {strides = array<i32>} : memref<80x128xf32, #tpu.memory_space<vmem>>, vector<1x16xf32>,
        %get3A_407 = arith.index_cast %add3A_329 : i32 to index
        %get3A_408 = arith.constant 112 : index
        %get3A_409 = tpu.vector_load %arg11[%get3A_407, %get3A_408] {strides = array<i32>} : memref<80x128xf32, #tpu.memory_space<vmem>>, vector<1x16xf32>,
        %get3A_410 = vector.shape_cast %get3A_409 : vector<1x16xf32> to vector<16xf32>
        %mul3A_411 = vector.broadcast %squeeze3A_327 : f32 to vector<16xf32>
        %mul3A_412 = arith.mulf %get3A_410, %mul3A_411 : vector<16xf32>
        %swap3A_413 = arith.index_cast %add3A_329 : i32 to index
        %swap3A_414 = arith.constant 112 : index
        %swap3A_415 = tpu.vector_load %arg11[%swap3A_413, %swap3A_414] {strides = array<i32>} : memref<80x128xf32, #tpu.memory_space<vmem>>, vector<1x16xf32>,
        %swap3A_416 = vector.shape_cast %swap3A_415 : vector<1x16xf32> to vector<16xf32>
        %swap3A_417 = vector.shape_cast %mul3A_412 : vector<16xf32> to vector<1x16xf32>
        tpu.vector_store %arg11[%swap3A_413, %swap3A_414], %swap3A_417 {strides = array<i32>} : memref<80x128xf32, #tpu.memory_space<vmem>>, vector<1x16xf32>,
        %slice3A_418 = vector.extract_strided_slice %get3A_52 {offsets = [4], sizes = [1], strides = [1]} : vector<16xf32> to vector<1xf32>
        %squeeze3A_419 = vector.extract %slice3A_418[0] : f32 from vector<1xf32>
        %add3A_420 = arith.constant 4 : i32
        %add3A_421 = arith.addi %mul3A_50, %add3A_420 : i32
        %get3A_422 = arith.index_cast %add3A_421 : i32 to index
        %get3A_423 = arith.constant 0 : index
        %get3A_424 = tpu.vector_load %arg11[%get3A_422, %get3A_423] {strides = array<i32>} : memref<80x128xf32, #tpu.memory_space<vmem>>, vector<1x16xf32>,
        %get3A_425 = vector.shape_cast %get3A_424 : vector<1x16xf32> to vector<16xf32>
        %mul3A_426 = vector.broadcast %squeeze3A_419 : f32 to vector<16xf32>
        %mul3A_427 = arith.mulf %get3A_425, %mul3A_426 : vector<16xf32>
        %swap3A_428 = arith.index_cast %add3A_421 : i32 to index
        %swap3A_429 = arith.constant 0 : index
        %swap3A_430 = tpu.vector_load %arg11[%swap3A_428, %swap3A_429] {strides = array<i32>} : memref<80x128xf32, #tpu.memory_space<vmem>>, vector<1x16xf32>,
        %swap3A_431 = vector.shape_cast %swap3A_430 : vector<1x16xf32> to vector<16xf32>
        %swap3A_432 = vector.shape_cast %mul3A_427 : vector<16xf32> to vector<1x16xf32>
        tpu.vector_store %arg11[%swap3A_428, %swap3A_429], %swap3A_432 {strides = array<i32>} : memref<80x128xf32, #tpu.memory_space<vmem>>, vector<1x16xf32>,
        %get3A_433 = arith.index_cast %add3A_421 : i32 to index
        %get3A_434 = arith.constant 16 : index
        %get3A_435 = tpu.vector_load %arg11[%get3A_433, %get3A_434] {strides = array<i32>} : memref<80x128xf32, #tpu.memory_space<vmem>>, vector<1x16xf32>,
        %get3A_436 = vector.shape_cast %get3A_435 : vector<1x16xf32> to vector<16xf32>
        %mul3A_437 = vector.broadcast %squeeze3A_419 : f32 to vector<16xf32>
        %mul3A_438 = arith.mulf %get3A_436, %mul3A_437 : vector<16xf32>
        %swap3A_439 = arith.index_cast %add3A_421 : i32 to index
        %swap3A_440 = arith.constant 16 : index
        %swap3A_441 = tpu.vector_load %arg11[%swap3A_439, %swap3A_440] {strides = array<i32>} : memref<80x128xf32, #tpu.memory_space<vmem>>, vector<1x16xf32>,
        %swap3A_442 = vector.shape_cast %swap3A_441 : vector<1x16xf32> to vector<16xf32>
        %swap3A_443 = vector.shape_cast %mul3A_438 : vector<16xf32> to vector<1x16xf32>
        tpu.vector_store %arg11[%swap3A_439, %swap3A_440], %swap3A_443 {strides = array<i32>} : memref<80x128xf32, #tpu.memory_space<vmem>>, vector<1x16xf32>,
        %get3A_444 = arith.index_cast %add3A_421 : i32 to index
        %get3A_445 = arith.constant 32 : index
        %get3A_446 = tpu.vector_load %arg11[%get3A_444, %get3A_445] {strides = array<i32>} : memref<80x128xf32, #tpu.memory_space<vmem>>, vector<1x16xf32>,
        %get3A_447 = vector.shape_cast %get3A_446 : vector<1x16xf32> to vector<16xf32>
        %mul3A_448 = vector.broadcast %squeeze3A_419 : f32 to vector<16xf32>
        %mul3A_449 = arith.mulf %get3A_447, %mul3A_448 : vector<16xf32>
        %swap3A_450 = arith.index_cast %add3A_421 : i32 to index
        %swap3A_451 = arith.constant 32 : index
        %swap3A_452 = tpu.vector_load %arg11[%swap3A_450, %swap3A_451] {strides = array<i32>} : memref<80x128xf32, #tpu.memory_space<vmem>>, vector<1x16xf32>,
        %swap3A_453 = vector.shape_cast %swap3A_452 : vector<1x16xf32> to vector<16xf32>
        %swap3A_454 = vector.shape_cast %mul3A_449 : vector<16xf32> to vector<1x16xf32>
        tpu.vector_store %arg11[%swap3A_450, %swap3A_451], %swap3A_454 {strides = array<i32>} : memref<80x128xf32, #tpu.memory_space<vmem>>, vector<1x16xf32>,
        %get3A_455 = arith.index_cast %add3A_421 : i32 to index
        %get3A_456 = arith.constant 48 : index
        %get3A_457 = tpu.vector_load %arg11[%get3A_455, %get3A_456] {strides = array<i32>} : memref<80x128xf32, #tpu.memory_space<vmem>>, vector<1x16xf32>,
        %get3A_458 = vector.shape_cast %get3A_457 : vector<1x16xf32> to vector<16xf32>
        %mul3A_459 = vector.broadcast %squeeze3A_419 : f32 to vector<16xf32>
        %mul3A_460 = arith.mulf %get3A_458, %mul3A_459 : vector<16xf32>
        %swap3A_461 = arith.index_cast %add3A_421 : i32 to index
        %swap3A_462 = arith.constant 48 : index
        %swap3A_463 = tpu.vector_load %arg11[%swap3A_461, %swap3A_462] {strides = array<i32>} : memref<80x128xf32, #tpu.memory_space<vmem>>, vector<1x16xf32>,
        %swap3A_464 = vector.shape_cast %swap3A_463 : vector<1x16xf32> to vector<16xf32>
        %swap3A_465 = vector.shape_cast %mul3A_460 : vector<16xf32> to vector<1x16xf32>
        tpu.vector_store %arg11[%swap3A_461, %swap3A_462], %swap3A_465 {strides = array<i32>} : memref<80x128xf32, #tpu.memory_space<vmem>>, vector<1x16xf32>,
        %get3A_466 = arith.index_cast %add3A_421 : i32 to index
        %get3A_467 = arith.constant 64 : index
        %get3A_468 = tpu.vector_load %arg11[%get3A_466, %get3A_467] {strides = array<i32>} : memref<80x128xf32, #tpu.memory_space<vmem>>, vector<1x16xf32>,
        %get3A_469 = vector.shape_cast %get3A_468 : vector<1x16xf32> to vector<16xf32>
        %mul3A_470 = vector.broadcast %squeeze3A_419 : f32 to vector<16xf32>
        %mul3A_471 = arith.mulf %get3A_469, %mul3A_470 : vector<16xf32>
        %swap3A_472 = arith.index_cast %add3A_421 : i32 to index
        %swap3A_473 = arith.constant 64 : index
        %swap3A_474 = tpu.vector_load %arg11[%swap3A_472, %swap3A_473] {strides = array<i32>} : memref<80x128xf32, #tpu.memory_space<vmem>>, vector<1x16xf32>,
        %swap3A_475 = vector.shape_cast %swap3A_474 : vector<1x16xf32> to vector<16xf32>
        %swap3A_476 = vector.shape_cast %mul3A_471 : vector<16xf32> to vector<1x16xf32>
        tpu.vector_store %arg11[%swap3A_472, %swap3A_473], %swap3A_476 {strides = array<i32>} : memref<80x128xf32, #tpu.memory_space<vmem>>, vector<1x16xf32>,
        %get3A_477 = arith.index_cast %add3A_421 : i32 to index
        %get3A_478 = arith.constant 80 : index
        %get3A_479 = tpu.vector_load %arg11[%get3A_477, %get3A_478] {strides = array<i32>} : memref<80x128xf32, #tpu.memory_space<vmem>>, vector<1x16xf32>,
        %get3A_480 = vector.shape_cast %get3A_479 : vector<1x16xf32> to vector<16xf32>
        %mul3A_481 = vector.broadcast %squeeze3A_419 : f32 to vector<16xf32>
        %mul3A_482 = arith.mulf %get3A_480, %mul3A_481 : vector<16xf32>
        %swap3A_483 = arith.index_cast %add3A_421 : i32 to index
        %swap3A_484 = arith.constant 80 : index
        %swap3A_485 = tpu.vector_load %arg11[%swap3A_483, %swap3A_484] {strides = array<i32>} : memref<80x128xf32, #tpu.memory_space<vmem>>, vector<1x16xf32>,
        %swap3A_486 = vector.shape_cast %swap3A_485 : vector<1x16xf32> to vector<16xf32>
        %swap3A_487 = vector.shape_cast %mul3A_482 : vector<16xf32> to vector<1x16xf32>
        tpu.vector_store %arg11[%swap3A_483, %swap3A_484], %swap3A_487 {strides = array<i32>} : memref<80x128xf32, #tpu.memory_space<vmem>>, vector<1x16xf32>,
        %get3A_488 = arith.index_cast %add3A_421 : i32 to index
        %get3A_489 = arith.constant 96 : index
        %get3A_490 = tpu.vector_load %arg11[%get3A_488, %get3A_489] {strides = array<i32>} : memref<80x128xf32, #tpu.memory_space<vmem>>, vector<1x16xf32>,
        %get3A_491 = vector.shape_cast %get3A_490 : vector<1x16xf32> to vector<16xf32>
        %mul3A_492 = vector.broadcast %squeeze3A_419 : f32 to vector<16xf32>
        %mul3A_493 = arith.mulf %get3A_491, %mul3A_492 : vector<16xf32>
        %swap3A_494 = arith.index_cast %add3A_421 : i32 to index
        %swap3A_495 = arith.constant 96 : index
        %swap3A_496 = tpu.vector_load %arg11[%swap3A_494, %swap3A_495] {strides = array<i32>} : memref<80x128xf32, #tpu.memory_space<vmem>>, vector<1x16xf32>,
        %swap3A_497 = vector.shape_cast %swap3A_496 : vector<1x16xf32> to vector<16xf32>
        %swap3A_498 = vector.shape_cast %mul3A_493 : vector<16xf32> to vector<1x16xf32>
        tpu.vector_store %arg11[%swap3A_494, %swap3A_495], %swap3A_498 {strides = array<i32>} : memref<80x128xf32, #tpu.memory_space<vmem>>, vector<1x16xf32>,
        %get3A_499 = arith.index_cast %add3A_421 : i32 to index
        %get3A_500 = arith.constant 112 : index
        %get3A_501 = tpu.vector_load %arg11[%get3A_499, %get3A_500] {strides = array<i32>} : memref<80x128xf32, #tpu.memory_space<vmem>>, vector<1x16xf32>,
        %get3A_502 = vector.shape_cast %get3A_501 : vector<1x16xf32> to vector<16xf32>
        %mul3A_503 = vector.broadcast %squeeze3A_419 : f32 to vector<16xf32>
        %mul3A_504 = arith.mulf %get3A_502, %mul3A_503 : vector<16xf32>
        %swap3A_505 = arith.index_cast %add3A_421 : i32 to index
        %swap3A_506 = arith.constant 112 : index
        %swap3A_507 = tpu.vector_load %arg11[%swap3A_505, %swap3A_506] {strides = array<i32>} : memref<80x128xf32, #tpu.memory_space<vmem>>, vector<1x16xf32>,
        %swap3A_508 = vector.shape_cast %swap3A_507 : vector<1x16xf32> to vector<16xf32>
        %swap3A_509 = vector.shape_cast %mul3A_504 : vector<16xf32> to vector<1x16xf32>
        tpu.vector_store %arg11[%swap3A_505, %swap3A_506], %swap3A_509 {strides = array<i32>} : memref<80x128xf32, #tpu.memory_space<vmem>>, vector<1x16xf32>,
        %slice3A_510 = vector.extract_strided_slice %get3A_52 {offsets = [5], sizes = [1], strides = [1]} : vector<16xf32> to vector<1xf32>
        %squeeze3A_511 = vector.extract %slice3A_510[0] : f32 from vector<1xf32>
        %add3A_512 = arith.constant 5 : i32
        %add3A_513 = arith.addi %mul3A_50, %add3A_512 : i32
        %get3A_514 = arith.index_cast %add3A_513 : i32 to index
        %get3A_515 = arith.constant 0 : index
        %get3A_516 = tpu.vector_load %arg11[%get3A_514, %get3A_515] {strides = array<i32>} : memref<80x128xf32, #tpu.memory_space<vmem>>, vector<1x16xf32>,
        %get3A_517 = vector.shape_cast %get3A_516 : vector<1x16xf32> to vector<16xf32>
        %mul3A_518 = vector.broadcast %squeeze3A_511 : f32 to vector<16xf32>
        %mul3A_519 = arith.mulf %get3A_517, %mul3A_518 : vector<16xf32>
        %swap3A_520 = arith.index_cast %add3A_513 : i32 to index
        %swap3A_521 = arith.constant 0 : index
        %swap3A_522 = tpu.vector_load %arg11[%swap3A_520, %swap3A_521] {strides = array<i32>} : memref<80x128xf32, #tpu.memory_space<vmem>>, vector<1x16xf32>,
        %swap3A_523 = vector.shape_cast %swap3A_522 : vector<1x16xf32> to vector<16xf32>
        %swap3A_524 = vector.shape_cast %mul3A_519 : vector<16xf32> to vector<1x16xf32>
        tpu.vector_store %arg11[%swap3A_520, %swap3A_521], %swap3A_524 {strides = array<i32>} : memref<80x128xf32, #tpu.memory_space<vmem>>, vector<1x16xf32>,
        %get3A_525 = arith.index_cast %add3A_513 : i32 to index
        %get3A_526 = arith.constant 16 : index
        %get3A_527 = tpu.vector_load %arg11[%get3A_525, %get3A_526] {strides = array<i32>} : memref<80x128xf32, #tpu.memory_space<vmem>>, vector<1x16xf32>,
        %get3A_528 = vector.shape_cast %get3A_527 : vector<1x16xf32> to vector<16xf32>
        %mul3A_529 = vector.broadcast %squeeze3A_511 : f32 to vector<16xf32>
        %mul3A_530 = arith.mulf %get3A_528, %mul3A_529 : vector<16xf32>
        %swap3A_531 = arith.index_cast %add3A_513 : i32 to index
        %swap3A_532 = arith.constant 16 : index
        %swap3A_533 = tpu.vector_load %arg11[%swap3A_531, %swap3A_532] {strides = array<i32>} : memref<80x128xf32, #tpu.memory_space<vmem>>, vector<1x16xf32>,
        %swap3A_534 = vector.shape_cast %swap3A_533 : vector<1x16xf32> to vector<16xf32>
        %swap3A_535 = vector.shape_cast %mul3A_530 : vector<16xf32> to vector<1x16xf32>
        tpu.vector_store %arg11[%swap3A_531, %swap3A_532], %swap3A_535 {strides = array<i32>} : memref<80x128xf32, #tpu.memory_space<vmem>>, vector<1x16xf32>,
        %get3A_536 = arith.index_cast %add3A_513 : i32 to index
        %get3A_537 = arith.constant 32 : index
        %get3A_538 = tpu.vector_load %arg11[%get3A_536, %get3A_537] {strides = array<i32>} : memref<80x128xf32, #tpu.memory_space<vmem>>, vector<1x16xf32>,
        %get3A_539 = vector.shape_cast %get3A_538 : vector<1x16xf32> to vector<16xf32>
        %mul3A_540 = vector.broadcast %squeeze3A_511 : f32 to vector<16xf32>
        %mul3A_541 = arith.mulf %get3A_539, %mul3A_540 : vector<16xf32>
        %swap3A_542 = arith.index_cast %add3A_513 : i32 to index
        %swap3A_543 = arith.constant 32 : index
        %swap3A_544 = tpu.vector_load %arg11[%swap3A_542, %swap3A_543] {strides = array<i32>} : memref<80x128xf32, #tpu.memory_space<vmem>>, vector<1x16xf32>,
        %swap3A_545 = vector.shape_cast %swap3A_544 : vector<1x16xf32> to vector<16xf32>
        %swap3A_546 = vector.shape_cast %mul3A_541 : vector<16xf32> to vector<1x16xf32>
        tpu.vector_store %arg11[%swap3A_542, %swap3A_543], %swap3A_546 {strides = array<i32>} : memref<80x128xf32, #tpu.memory_space<vmem>>, vector<1x16xf32>,
        %get3A_547 = arith.index_cast %add3A_513 : i32 to index
        %get3A_548 = arith.constant 48 : index
        %get3A_549 = tpu.vector_load %arg11[%get3A_547, %get3A_548] {strides = array<i32>} : memref<80x128xf32, #tpu.memory_space<vmem>>, vector<1x16xf32>,
        %get3A_550 = vector.shape_cast %get3A_549 : vector<1x16xf32> to vector<16xf32>
        %mul3A_551 = vector.broadcast %squeeze3A_511 : f32 to vector<16xf32>
        %mul3A_552 = arith.mulf %get3A_550, %mul3A_551 : vector<16xf32>
        %swap3A_553 = arith.index_cast %add3A_513 : i32 to index
        %swap3A_554 = arith.constant 48 : index
        %swap3A_555 = tpu.vector_load %arg11[%swap3A_553, %swap3A_554] {strides = array<i32>} : memref<80x128xf32, #tpu.memory_space<vmem>>, vector<1x16xf32>,
        %swap3A_556 = vector.shape_cast %swap3A_555 : vector<1x16xf32> to vector<16xf32>
        %swap3A_557 = vector.shape_cast %mul3A_552 : vector<16xf32> to vector<1x16xf32>
        tpu.vector_store %arg11[%swap3A_553, %swap3A_554], %swap3A_557 {strides = array<i32>} : memref<80x128xf32, #tpu.memory_space<vmem>>, vector<1x16xf32>,
        %get3A_558 = arith.index_cast %add3A_513 : i32 to index
        %get3A_559 = arith.constant 64 : index
        %get3A_560 = tpu.vector_load %arg11[%get3A_558, %get3A_559] {strides = array<i32>} : memref<80x128xf32, #tpu.memory_space<vmem>>, vector<1x16xf32>,
        %get3A_561 = vector.shape_cast %get3A_560 : vector<1x16xf32> to vector<16xf32>
        %mul3A_562 = vector.broadcast %squeeze3A_511 : f32 to vector<16xf32>
        %mul3A_563 = arith.mulf %get3A_561, %mul3A_562 : vector<16xf32>
        %swap3A_564 = arith.index_cast %add3A_513 : i32 to index
        %swap3A_565 = arith.constant 64 : index
        %swap3A_566 = tpu.vector_load %arg11[%swap3A_564, %swap3A_565] {strides = array<i32>} : memref<80x128xf32, #tpu.memory_space<vmem>>, vector<1x16xf32>,
        %swap3A_567 = vector.shape_cast %swap3A_566 : vector<1x16xf32> to vector<16xf32>
        %swap3A_568 = vector.shape_cast %mul3A_563 : vector<16xf32> to vector<1x16xf32>
        tpu.vector_store %arg11[%swap3A_564, %swap3A_565], %swap3A_568 {strides = array<i32>} : memref<80x128xf32, #tpu.memory_space<vmem>>, vector<1x16xf32>,
        %get3A_569 = arith.index_cast %add3A_513 : i32 to index
        %get3A_570 = arith.constant 80 : index
        %get3A_571 = tpu.vector_load %arg11[%get3A_569, %get3A_570] {strides = array<i32>} : memref<80x128xf32, #tpu.memory_space<vmem>>, vector<1x16xf32>,
        %get3A_572 = vector.shape_cast %get3A_571 : vector<1x16xf32> to vector<16xf32>
        %mul3A_573 = vector.broadcast %squeeze3A_511 : f32 to vector<16xf32>
        %mul3A_574 = arith.mulf %get3A_572, %mul3A_573 : vector<16xf32>
        %swap3A_575 = arith.index_cast %add3A_513 : i32 to index
        %swap3A_576 = arith.constant 80 : index
        %swap3A_577 = tpu.vector_load %arg11[%swap3A_575, %swap3A_576] {strides = array<i32>} : memref<80x128xf32, #tpu.memory_space<vmem>>, vector<1x16xf32>,
        %swap3A_578 = vector.shape_cast %swap3A_577 : vector<1x16xf32> to vector<16xf32>
        %swap3A_579 = vector.shape_cast %mul3A_574 : vector<16xf32> to vector<1x16xf32>
        tpu.vector_store %arg11[%swap3A_575, %swap3A_576], %swap3A_579 {strides = array<i32>} : memref<80x128xf32, #tpu.memory_space<vmem>>, vector<1x16xf32>,
        %get3A_580 = arith.index_cast %add3A_513 : i32 to index
        %get3A_581 = arith.constant 96 : index
        %get3A_582 = tpu.vector_load %arg11[%get3A_580, %get3A_581] {strides = array<i32>} : memref<80x128xf32, #tpu.memory_space<vmem>>, vector<1x16xf32>,
        %get3A_583 = vector.shape_cast %get3A_582 : vector<1x16xf32> to vector<16xf32>
        %mul3A_584 = vector.broadcast %squeeze3A_511 : f32 to vector<16xf32>
        %mul3A_585 = arith.mulf %get3A_583, %mul3A_584 : vector<16xf32>
        %swap3A_586 = arith.index_cast %add3A_513 : i32 to index
        %swap3A_587 = arith.constant 96 : index
        %swap3A_588 = tpu.vector_load %arg11[%swap3A_586, %swap3A_587] {strides = array<i32>} : memref<80x128xf32, #tpu.memory_space<vmem>>, vector<1x16xf32>,
        %swap3A_589 = vector.shape_cast %swap3A_588 : vector<1x16xf32> to vector<16xf32>
        %swap3A_590 = vector.shape_cast %mul3A_585 : vector<16xf32> to vector<1x16xf32>
        tpu.vector_store %arg11[%swap3A_586, %swap3A_587], %swap3A_590 {strides = array<i32>} : memref<80x128xf32, #tpu.memory_space<vmem>>, vector<1x16xf32>,
        %get3A_591 = arith.index_cast %add3A_513 : i32 to index
        %get3A_592 = arith.constant 112 : index
        %get3A_593 = tpu.vector_load %arg11[%get3A_591, %get3A_592] {strides = array<i32>} : memref<80x128xf32, #tpu.memory_space<vmem>>, vector<1x16xf32>,
        %get3A_594 = vector.shape_cast %get3A_593 : vector<1x16xf32> to vector<16xf32>
        %mul3A_595 = vector.broadcast %squeeze3A_511 : f32 to vector<16xf32>
        %mul3A_596 = arith.mulf %get3A_594, %mul3A_595 : vector<16xf32>
        %swap3A_597 = arith.index_cast %add3A_513 : i32 to index
        %swap3A_598 = arith.constant 112 : index
        %swap3A_599 = tpu.vector_load %arg11[%swap3A_597, %swap3A_598] {strides = array<i32>} : memref<80x128xf32, #tpu.memory_space<vmem>>, vector<1x16xf32>,
        %swap3A_600 = vector.shape_cast %swap3A_599 : vector<1x16xf32> to vector<16xf32>
        %swap3A_601 = vector.shape_cast %mul3A_596 : vector<16xf32> to vector<1x16xf32>
        tpu.vector_store %arg11[%swap3A_597, %swap3A_598], %swap3A_601 {strides = array<i32>} : memref<80x128xf32, #tpu.memory_space<vmem>>, vector<1x16xf32>,
        %slice3A_602 = vector.extract_strided_slice %get3A_52 {offsets = [6], sizes = [1], strides = [1]} : vector<16xf32> to vector<1xf32>
        %squeeze3A_603 = vector.extract %slice3A_602[0] : f32 from vector<1xf32>
        %add3A_604 = arith.constant 6 : i32
        %add3A_605 = arith.addi %mul3A_50, %add3A_604 : i32
        %get3A_606 = arith.index_cast %add3A_605 : i32 to index
        %get3A_607 = arith.constant 0 : index
        %get3A_608 = tpu.vector_load %arg11[%get3A_606, %get3A_607] {strides = array<i32>} : memref<80x128xf32, #tpu.memory_space<vmem>>, vector<1x16xf32>,
        %get3A_609 = vector.shape_cast %get3A_608 : vector<1x16xf32> to vector<16xf32>
        %mul3A_610 = vector.broadcast %squeeze3A_603 : f32 to vector<16xf32>
        %mul3A_611 = arith.mulf %get3A_609, %mul3A_610 : vector<16xf32>
        %swap3A_612 = arith.index_cast %add3A_605 : i32 to index
        %swap3A_613 = arith.constant 0 : index
        %swap3A_614 = tpu.vector_load %arg11[%swap3A_612, %swap3A_613] {strides = array<i32>} : memref<80x128xf32, #tpu.memory_space<vmem>>, vector<1x16xf32>,
        %swap3A_615 = vector.shape_cast %swap3A_614 : vector<1x16xf32> to vector<16xf32>
        %swap3A_616 = vector.shape_cast %mul3A_611 : vector<16xf32> to vector<1x16xf32>
        tpu.vector_store %arg11[%swap3A_612, %swap3A_613], %swap3A_616 {strides = array<i32>} : memref<80x128xf32, #tpu.memory_space<vmem>>, vector<1x16xf32>,
        %get3A_617 = arith.index_cast %add3A_605 : i32 to index
        %get3A_618 = arith.constant 16 : index
        %get3A_619 = tpu.vector_load %arg11[%get3A_617, %get3A_618] {strides = array<i32>} : memref<80x128xf32, #tpu.memory_space<vmem>>, vector<1x16xf32>,
        %get3A_620 = vector.shape_cast %get3A_619 : vector<1x16xf32> to vector<16xf32>
        %mul3A_621 = vector.broadcast %squeeze3A_603 : f32 to vector<16xf32>
        %mul3A_622 = arith.mulf %get3A_620, %mul3A_621 : vector<16xf32>
        %swap3A_623 = arith.index_cast %add3A_605 : i32 to index
        %swap3A_624 = arith.constant 16 : index
        %swap3A_625 = tpu.vector_load %arg11[%swap3A_623, %swap3A_624] {strides = array<i32>} : memref<80x128xf32, #tpu.memory_space<vmem>>, vector<1x16xf32>,
        %swap3A_626 = vector.shape_cast %swap3A_625 : vector<1x16xf32> to vector<16xf32>
        %swap3A_627 = vector.shape_cast %mul3A_622 : vector<16xf32> to vector<1x16xf32>
        tpu.vector_store %arg11[%swap3A_623, %swap3A_624], %swap3A_627 {strides = array<i32>} : memref<80x128xf32, #tpu.memory_space<vmem>>, vector<1x16xf32>,
        %get3A_628 = arith.index_cast %add3A_605 : i32 to index
        %get3A_629 = arith.constant 32 : index
        %get3A_630 = tpu.vector_load %arg11[%get3A_628, %get3A_629] {strides = array<i32>} : memref<80x128xf32, #tpu.memory_space<vmem>>, vector<1x16xf32>,
        %get3A_631 = vector.shape_cast %get3A_630 : vector<1x16xf32> to vector<16xf32>
        %mul3A_632 = vector.broadcast %squeeze3A_603 : f32 to vector<16xf32>
        %mul3A_633 = arith.mulf %get3A_631, %mul3A_632 : vector<16xf32>
        %swap3A_634 = arith.index_cast %add3A_605 : i32 to index
        %swap3A_635 = arith.constant 32 : index
        %swap3A_636 = tpu.vector_load %arg11[%swap3A_634, %swap3A_635] {strides = array<i32>} : memref<80x128xf32, #tpu.memory_space<vmem>>, vector<1x16xf32>,
        %swap3A_637 = vector.shape_cast %swap3A_636 : vector<1x16xf32> to vector<16xf32>
        %swap3A_638 = vector.shape_cast %mul3A_633 : vector<16xf32> to vector<1x16xf32>
        tpu.vector_store %arg11[%swap3A_634, %swap3A_635], %swap3A_638 {strides = array<i32>} : memref<80x128xf32, #tpu.memory_space<vmem>>, vector<1x16xf32>,
        %get3A_639 = arith.index_cast %add3A_605 : i32 to index
        %get3A_640 = arith.constant 48 : index
        %get3A_641 = tpu.vector_load %arg11[%get3A_639, %get3A_640] {strides = array<i32>} : memref<80x128xf32, #tpu.memory_space<vmem>>, vector<1x16xf32>,
        %get3A_642 = vector.shape_cast %get3A_641 : vector<1x16xf32> to vector<16xf32>
        %mul3A_643 = vector.broadcast %squeeze3A_603 : f32 to vector<16xf32>
        %mul3A_644 = arith.mulf %get3A_642, %mul3A_643 : vector<16xf32>
        %swap3A_645 = arith.index_cast %add3A_605 : i32 to index
        %swap3A_646 = arith.constant 48 : index
        %swap3A_647 = tpu.vector_load %arg11[%swap3A_645, %swap3A_646] {strides = array<i32>} : memref<80x128xf32, #tpu.memory_space<vmem>>, vector<1x16xf32>,
        %swap3A_648 = vector.shape_cast %swap3A_647 : vector<1x16xf32> to vector<16xf32>
        %swap3A_649 = vector.shape_cast %mul3A_644 : vector<16xf32> to vector<1x16xf32>
        tpu.vector_store %arg11[%swap3A_645, %swap3A_646], %swap3A_649 {strides = array<i32>} : memref<80x128xf32, #tpu.memory_space<vmem>>, vector<1x16xf32>,
        %get3A_650 = arith.index_cast %add3A_605 : i32 to index
        %get3A_651 = arith.constant 64 : index
        %get3A_652 = tpu.vector_load %arg11[%get3A_650, %get3A_651] {strides = array<i32>} : memref<80x128xf32, #tpu.memory_space<vmem>>, vector<1x16xf32>,
        %get3A_653 = vector.shape_cast %get3A_652 : vector<1x16xf32> to vector<16xf32>
        %mul3A_654 = vector.broadcast %squeeze3A_603 : f32 to vector<16xf32>
        %mul3A_655 = arith.mulf %get3A_653, %mul3A_654 : vector<16xf32>
        %swap3A_656 = arith.index_cast %add3A_605 : i32 to index
        %swap3A_657 = arith.constant 64 : index
        %swap3A_658 = tpu.vector_load %arg11[%swap3A_656, %swap3A_657] {strides = array<i32>} : memref<80x128xf32, #tpu.memory_space<vmem>>, vector<1x16xf32>,
        %swap3A_659 = vector.shape_cast %swap3A_658 : vector<1x16xf32> to vector<16xf32>
        %swap3A_660 = vector.shape_cast %mul3A_655 : vector<16xf32> to vector<1x16xf32>
        tpu.vector_store %arg11[%swap3A_656, %swap3A_657], %swap3A_660 {strides = array<i32>} : memref<80x128xf32, #tpu.memory_space<vmem>>, vector<1x16xf32>,
        %get3A_661 = arith.index_cast %add3A_605 : i32 to index
        %get3A_662 = arith.constant 80 : index
        %get3A_663 = tpu.vector_load %arg11[%get3A_661, %get3A_662] {strides = array<i32>} : memref<80x128xf32, #tpu.memory_space<vmem>>, vector<1x16xf32>,
        %get3A_664 = vector.shape_cast %get3A_663 : vector<1x16xf32> to vector<16xf32>
        %mul3A_665 = vector.broadcast %squeeze3A_603 : f32 to vector<16xf32>
        %mul3A_666 = arith.mulf %get3A_664, %mul3A_665 : vector<16xf32>
        %swap3A_667 = arith.index_cast %add3A_605 : i32 to index
        %swap3A_668 = arith.constant 80 : index
        %swap3A_669 = tpu.vector_load %arg11[%swap3A_667, %swap3A_668] {strides = array<i32>} : memref<80x128xf32, #tpu.memory_space<vmem>>, vector<1x16xf32>,
        %swap3A_670 = vector.shape_cast %swap3A_669 : vector<1x16xf32> to vector<16xf32>
        %swap3A_671 = vector.shape_cast %mul3A_666 : vector<16xf32> to vector<1x16xf32>
        tpu.vector_store %arg11[%swap3A_667, %swap3A_668], %swap3A_671 {strides = array<i32>} : memref<80x128xf32, #tpu.memory_space<vmem>>, vector<1x16xf32>,
        %get3A_672 = arith.index_cast %add3A_605 : i32 to index
        %get3A_673 = arith.constant 96 : index
        %get3A_674 = tpu.vector_load %arg11[%get3A_672, %get3A_673] {strides = array<i32>} : memref<80x128xf32, #tpu.memory_space<vmem>>, vector<1x16xf32>,
        %get3A_675 = vector.shape_cast %get3A_674 : vector<1x16xf32> to vector<16xf32>
        %mul3A_676 = vector.broadcast %squeeze3A_603 : f32 to vector<16xf32>
        %mul3A_677 = arith.mulf %get3A_675, %mul3A_676 : vector<16xf32>
        %swap3A_678 = arith.index_cast %add3A_605 : i32 to index
        %swap3A_679 = arith.constant 96 : index
        %swap3A_680 = tpu.vector_load %arg11[%swap3A_678, %swap3A_679] {strides = array<i32>} : memref<80x128xf32, #tpu.memory_space<vmem>>, vector<1x16xf32>,
        %swap3A_681 = vector.shape_cast %swap3A_680 : vector<1x16xf32> to vector<16xf32>
        %swap3A_682 = vector.shape_cast %mul3A_677 : vector<16xf32> to vector<1x16xf32>
        tpu.vector_store %arg11[%swap3A_678, %swap3A_679], %swap3A_682 {strides = array<i32>} : memref<80x128xf32, #tpu.memory_space<vmem>>, vector<1x16xf32>,
        %get3A_683 = arith.index_cast %add3A_605 : i32 to index
        %get3A_684 = arith.constant 112 : index
        %get3A_685 = tpu.vector_load %arg11[%get3A_683, %get3A_684] {strides = array<i32>} : memref<80x128xf32, #tpu.memory_space<vmem>>, vector<1x16xf32>,
        %get3A_686 = vector.shape_cast %get3A_685 : vector<1x16xf32> to vector<16xf32>
        %mul3A_687 = vector.broadcast %squeeze3A_603 : f32 to vector<16xf32>
        %mul3A_688 = arith.mulf %get3A_686, %mul3A_687 : vector<16xf32>
        %swap3A_689 = arith.index_cast %add3A_605 : i32 to index
        %swap3A_690 = arith.constant 112 : index
        %swap3A_691 = tpu.vector_load %arg11[%swap3A_689, %swap3A_690] {strides = array<i32>} : memref<80x128xf32, #tpu.memory_space<vmem>>, vector<1x16xf32>,
        %swap3A_692 = vector.shape_cast %swap3A_691 : vector<1x16xf32> to vector<16xf32>
        %swap3A_693 = vector.shape_cast %mul3A_688 : vector<16xf32> to vector<1x16xf32>
        tpu.vector_store %arg11[%swap3A_689, %swap3A_690], %swap3A_693 {strides = array<i32>} : memref<80x128xf32, #tpu.memory_space<vmem>>, vector<1x16xf32>,
        %slice3A_694 = vector.extract_strided_slice %get3A_52 {offsets = [7], sizes = [1], strides = [1]} : vector<16xf32> to vector<1xf32>
        %squeeze3A_695 = vector.extract %slice3A_694[0] : f32 from vector<1xf32>
        %add3A_696 = arith.constant 7 : i32
        %add3A_697 = arith.addi %mul3A_50, %add3A_696 : i32
        %get3A_698 = arith.index_cast %add3A_697 : i32 to index
        %get3A_699 = arith.constant 0 : index
        %get3A_700 = tpu.vector_load %arg11[%get3A_698, %get3A_699] {strides = array<i32>} : memref<80x128xf32, #tpu.memory_space<vmem>>, vector<1x16xf32>,
        %get3A_701 = vector.shape_cast %get3A_700 : vector<1x16xf32> to vector<16xf32>
        %mul3A_702 = vector.broadcast %squeeze3A_695 : f32 to vector<16xf32>
        %mul3A_703 = arith.mulf %get3A_701, %mul3A_702 : vector<16xf32>
        %swap3A_704 = arith.index_cast %add3A_697 : i32 to index
        %swap3A_705 = arith.constant 0 : index
        %swap3A_706 = tpu.vector_load %arg11[%swap3A_704, %swap3A_705] {strides = array<i32>} : memref<80x128xf32, #tpu.memory_space<vmem>>, vector<1x16xf32>,
        %swap3A_707 = vector.shape_cast %swap3A_706 : vector<1x16xf32> to vector<16xf32>
        %swap3A_708 = vector.shape_cast %mul3A_703 : vector<16xf32> to vector<1x16xf32>
        tpu.vector_store %arg11[%swap3A_704, %swap3A_705], %swap3A_708 {strides = array<i32>} : memref<80x128xf32, #tpu.memory_space<vmem>>, vector<1x16xf32>,
        %get3A_709 = arith.index_cast %add3A_697 : i32 to index
        %get3A_710 = arith.constant 16 : index
        %get3A_711 = tpu.vector_load %arg11[%get3A_709, %get3A_710] {strides = array<i32>} : memref<80x128xf32, #tpu.memory_space<vmem>>, vector<1x16xf32>,
        %get3A_712 = vector.shape_cast %get3A_711 : vector<1x16xf32> to vector<16xf32>
        %mul3A_713 = vector.broadcast %squeeze3A_695 : f32 to vector<16xf32>
        %mul3A_714 = arith.mulf %get3A_712, %mul3A_713 : vector<16xf32>
        %swap3A_715 = arith.index_cast %add3A_697 : i32 to index
        %swap3A_716 = arith.constant 16 : index
        %swap3A_717 = tpu.vector_load %arg11[%swap3A_715, %swap3A_716] {strides = array<i32>} : memref<80x128xf32, #tpu.memory_space<vmem>>, vector<1x16xf32>,
        %swap3A_718 = vector.shape_cast %swap3A_717 : vector<1x16xf32> to vector<16xf32>
        %swap3A_719 = vector.shape_cast %mul3A_714 : vector<16xf32> to vector<1x16xf32>
        tpu.vector_store %arg11[%swap3A_715, %swap3A_716], %swap3A_719 {strides = array<i32>} : memref<80x128xf32, #tpu.memory_space<vmem>>, vector<1x16xf32>,
        %get3A_720 = arith.index_cast %add3A_697 : i32 to index
        %get3A_721 = arith.constant 32 : index
        %get3A_722 = tpu.vector_load %arg11[%get3A_720, %get3A_721] {strides = array<i32>} : memref<80x128xf32, #tpu.memory_space<vmem>>, vector<1x16xf32>,
        %get3A_723 = vector.shape_cast %get3A_722 : vector<1x16xf32> to vector<16xf32>
        %mul3A_724 = vector.broadcast %squeeze3A_695 : f32 to vector<16xf32>
        %mul3A_725 = arith.mulf %get3A_723, %mul3A_724 : vector<16xf32>
        %swap3A_726 = arith.index_cast %add3A_697 : i32 to index
        %swap3A_727 = arith.constant 32 : index
        %swap3A_728 = tpu.vector_load %arg11[%swap3A_726, %swap3A_727] {strides = array<i32>} : memref<80x128xf32, #tpu.memory_space<vmem>>, vector<1x16xf32>,
        %swap3A_729 = vector.shape_cast %swap3A_728 : vector<1x16xf32> to vector<16xf32>
        %swap3A_730 = vector.shape_cast %mul3A_725 : vector<16xf32> to vector<1x16xf32>
        tpu.vector_store %arg11[%swap3A_726, %swap3A_727], %swap3A_730 {strides = array<i32>} : memref<80x128xf32, #tpu.memory_space<vmem>>, vector<1x16xf32>,
        %get3A_731 = arith.index_cast %add3A_697 : i32 to index
        %get3A_732 = arith.constant 48 : index
        %get3A_733 = tpu.vector_load %arg11[%get3A_731, %get3A_732] {strides = array<i32>} : memref<80x128xf32, #tpu.memory_space<vmem>>, vector<1x16xf32>,
        %get3A_734 = vector.shape_cast %get3A_733 : vector<1x16xf32> to vector<16xf32>
        %mul3A_735 = vector.broadcast %squeeze3A_695 : f32 to vector<16xf32>
        %mul3A_736 = arith.mulf %get3A_734, %mul3A_735 : vector<16xf32>
        %swap3A_737 = arith.index_cast %add3A_697 : i32 to index
        %swap3A_738 = arith.constant 48 : index
        %swap3A_739 = tpu.vector_load %arg11[%swap3A_737, %swap3A_738] {strides = array<i32>} : memref<80x128xf32, #tpu.memory_space<vmem>>, vector<1x16xf32>,
        %swap3A_740 = vector.shape_cast %swap3A_739 : vector<1x16xf32> to vector<16xf32>
        %swap3A_741 = vector.shape_cast %mul3A_736 : vector<16xf32> to vector<1x16xf32>
        tpu.vector_store %arg11[%swap3A_737, %swap3A_738], %swap3A_741 {strides = array<i32>} : memref<80x128xf32, #tpu.memory_space<vmem>>, vector<1x16xf32>,
        %get3A_742 = arith.index_cast %add3A_697 : i32 to index
        %get3A_743 = arith.constant 64 : index
        %get3A_744 = tpu.vector_load %arg11[%get3A_742, %get3A_743] {strides = array<i32>} : memref<80x128xf32, #tpu.memory_space<vmem>>, vector<1x16xf32>,
        %get3A_745 = vector.shape_cast %get3A_744 : vector<1x16xf32> to vector<16xf32>
        %mul3A_746 = vector.broadcast %squeeze3A_695 : f32 to vector<16xf32>
        %mul3A_747 = arith.mulf %get3A_745, %mul3A_746 : vector<16xf32>
        %swap3A_748 = arith.index_cast %add3A_697 : i32 to index
        %swap3A_749 = arith.constant 64 : index
        %swap3A_750 = tpu.vector_load %arg11[%swap3A_748, %swap3A_749] {strides = array<i32>} : memref<80x128xf32, #tpu.memory_space<vmem>>, vector<1x16xf32>,
        %swap3A_751 = vector.shape_cast %swap3A_750 : vector<1x16xf32> to vector<16xf32>
        %swap3A_752 = vector.shape_cast %mul3A_747 : vector<16xf32> to vector<1x16xf32>
        tpu.vector_store %arg11[%swap3A_748, %swap3A_749], %swap3A_752 {strides = array<i32>} : memref<80x128xf32, #tpu.memory_space<vmem>>, vector<1x16xf32>,
        %get3A_753 = arith.index_cast %add3A_697 : i32 to index
        %get3A_754 = arith.constant 80 : index
        %get3A_755 = tpu.vector_load %arg11[%get3A_753, %get3A_754] {strides = array<i32>} : memref<80x128xf32, #tpu.memory_space<vmem>>, vector<1x16xf32>,
        %get3A_756 = vector.shape_cast %get3A_755 : vector<1x16xf32> to vector<16xf32>
        %mul3A_757 = vector.broadcast %squeeze3A_695 : f32 to vector<16xf32>
        %mul3A_758 = arith.mulf %get3A_756, %mul3A_757 : vector<16xf32>
        %swap3A_759 = arith.index_cast %add3A_697 : i32 to index
        %swap3A_760 = arith.constant 80 : index
        %swap3A_761 = tpu.vector_load %arg11[%swap3A_759, %swap3A_760] {strides = array<i32>} : memref<80x128xf32, #tpu.memory_space<vmem>>, vector<1x16xf32>,
        %swap3A_762 = vector.shape_cast %swap3A_761 : vector<1x16xf32> to vector<16xf32>
        %swap3A_763 = vector.shape_cast %mul3A_758 : vector<16xf32> to vector<1x16xf32>
        tpu.vector_store %arg11[%swap3A_759, %swap3A_760], %swap3A_763 {strides = array<i32>} : memref<80x128xf32, #tpu.memory_space<vmem>>, vector<1x16xf32>,
        %get3A_764 = arith.index_cast %add3A_697 : i32 to index
        %get3A_765 = arith.constant 96 : index
        %get3A_766 = tpu.vector_load %arg11[%get3A_764, %get3A_765] {strides = array<i32>} : memref<80x128xf32, #tpu.memory_space<vmem>>, vector<1x16xf32>,
        %get3A_767 = vector.shape_cast %get3A_766 : vector<1x16xf32> to vector<16xf32>
        %mul3A_768 = vector.broadcast %squeeze3A_695 : f32 to vector<16xf32>
        %mul3A_769 = arith.mulf %get3A_767, %mul3A_768 : vector<16xf32>
        %swap3A_770 = arith.index_cast %add3A_697 : i32 to index
        %swap3A_771 = arith.constant 96 : index
        %swap3A_772 = tpu.vector_load %arg11[%swap3A_770, %swap3A_771] {strides = array<i32>} : memref<80x128xf32, #tpu.memory_space<vmem>>, vector<1x16xf32>,
        %swap3A_773 = vector.shape_cast %swap3A_772 : vector<1x16xf32> to vector<16xf32>
        %swap3A_774 = vector.shape_cast %mul3A_769 : vector<16xf32> to vector<1x16xf32>
        tpu.vector_store %arg11[%swap3A_770, %swap3A_771], %swap3A_774 {strides = array<i32>} : memref<80x128xf32, #tpu.memory_space<vmem>>, vector<1x16xf32>,
        %get3A_775 = arith.index_cast %add3A_697 : i32 to index
        %get3A_776 = arith.constant 112 : index
        %get3A_777 = tpu.vector_load %arg11[%get3A_775, %get3A_776] {strides = array<i32>} : memref<80x128xf32, #tpu.memory_space<vmem>>, vector<1x16xf32>,
        %get3A_778 = vector.shape_cast %get3A_777 : vector<1x16xf32> to vector<16xf32>
        %mul3A_779 = vector.broadcast %squeeze3A_695 : f32 to vector<16xf32>
        %mul3A_780 = arith.mulf %get3A_778, %mul3A_779 : vector<16xf32>
        %swap3A_781 = arith.index_cast %add3A_697 : i32 to index
        %swap3A_782 = arith.constant 112 : index
        %swap3A_783 = tpu.vector_load %arg11[%swap3A_781, %swap3A_782] {strides = array<i32>} : memref<80x128xf32, #tpu.memory_space<vmem>>, vector<1x16xf32>,
        %swap3A_784 = vector.shape_cast %swap3A_783 : vector<1x16xf32> to vector<16xf32>
        %swap3A_785 = vector.shape_cast %mul3A_780 : vector<16xf32> to vector<1x16xf32>
        tpu.vector_store %arg11[%swap3A_781, %swap3A_782], %swap3A_785 {strides = array<i32>} : memref<80x128xf32, #tpu.memory_space<vmem>>, vector<1x16xf32>,
        %slice3A_786 = vector.extract_strided_slice %get3A_52 {offsets = [8], sizes = [1], strides = [1]} : vector<16xf32> to vector<1xf32>
        %squeeze3A_787 = vector.extract %slice3A_786[0] : f32 from vector<1xf32>
        %add3A_788 = arith.constant 8 : i32
        %add3A_789 = arith.addi %mul3A_50, %add3A_788 : i32
        %get3A_790 = arith.index_cast %add3A_789 : i32 to index
        %get3A_791 = arith.constant 0 : index
        %get3A_792 = tpu.vector_load %arg11[%get3A_790, %get3A_791] {strides = array<i32>} : memref<80x128xf32, #tpu.memory_space<vmem>>, vector<1x16xf32>,
        %get3A_793 = vector.shape_cast %get3A_792 : vector<1x16xf32> to vector<16xf32>
        %mul3A_794 = vector.broadcast %squeeze3A_787 : f32 to vector<16xf32>
        %mul3A_795 = arith.mulf %get3A_793, %mul3A_794 : vector<16xf32>
        %swap3A_796 = arith.index_cast %add3A_789 : i32 to index
        %swap3A_797 = arith.constant 0 : index
        %swap3A_798 = tpu.vector_load %arg11[%swap3A_796, %swap3A_797] {strides = array<i32>} : memref<80x128xf32, #tpu.memory_space<vmem>>, vector<1x16xf32>,
        %swap3A_799 = vector.shape_cast %swap3A_798 : vector<1x16xf32> to vector<16xf32>
        %swap3A_800 = vector.shape_cast %mul3A_795 : vector<16xf32> to vector<1x16xf32>
        tpu.vector_store %arg11[%swap3A_796, %swap3A_797], %swap3A_800 {strides = array<i32>} : memref<80x128xf32, #tpu.memory_space<vmem>>, vector<1x16xf32>,
        %get3A_801 = arith.index_cast %add3A_789 : i32 to index
        %get3A_802 = arith.constant 16 : index
        %get3A_803 = tpu.vector_load %arg11[%get3A_801, %get3A_802] {strides = array<i32>} : memref<80x128xf32, #tpu.memory_space<vmem>>, vector<1x16xf32>,
        %get3A_804 = vector.shape_cast %get3A_803 : vector<1x16xf32> to vector<16xf32>
        %mul3A_805 = vector.broadcast %squeeze3A_787 : f32 to vector<16xf32>
        %mul3A_806 = arith.mulf %get3A_804, %mul3A_805 : vector<16xf32>
        %swap3A_807 = arith.index_cast %add3A_789 : i32 to index
        %swap3A_808 = arith.constant 16 : index
        %swap3A_809 = tpu.vector_load %arg11[%swap3A_807, %swap3A_808] {strides = array<i32>} : memref<80x128xf32, #tpu.memory_space<vmem>>, vector<1x16xf32>,
        %swap3A_810 = vector.shape_cast %swap3A_809 : vector<1x16xf32> to vector<16xf32>
        %swap3A_811 = vector.shape_cast %mul3A_806 : vector<16xf32> to vector<1x16xf32>
        tpu.vector_store %arg11[%swap3A_807, %swap3A_808], %swap3A_811 {strides = array<i32>} : memref<80x128xf32, #tpu.memory_space<vmem>>, vector<1x16xf32>,
        %get3A_812 = arith.index_cast %add3A_789 : i32 to index
        %get3A_813 = arith.constant 32 : index
        %get3A_814 = tpu.vector_load %arg11[%get3A_812, %get3A_813] {strides = array<i32>} : memref<80x128xf32, #tpu.memory_space<vmem>>, vector<1x16xf32>,
        %get3A_815 = vector.shape_cast %get3A_814 : vector<1x16xf32> to vector<16xf32>
        %mul3A_816 = vector.broadcast %squeeze3A_787 : f32 to vector<16xf32>
        %mul3A_817 = arith.mulf %get3A_815, %mul3A_816 : vector<16xf32>
        %swap3A_818 = arith.index_cast %add3A_789 : i32 to index
        %swap3A_819 = arith.constant 32 : index
        %swap3A_820 = tpu.vector_load %arg11[%swap3A_818, %swap3A_819] {strides = array<i32>} : memref<80x128xf32, #tpu.memory_space<vmem>>, vector<1x16xf32>,
        %swap3A_821 = vector.shape_cast %swap3A_820 : vector<1x16xf32> to vector<16xf32>
        %swap3A_822 = vector.shape_cast %mul3A_817 : vector<16xf32> to vector<1x16xf32>
        tpu.vector_store %arg11[%swap3A_818, %swap3A_819], %swap3A_822 {strides = array<i32>} : memref<80x128xf32, #tpu.memory_space<vmem>>, vector<1x16xf32>,
        %get3A_823 = arith.index_cast %add3A_789 : i32 to index
        %get3A_824 = arith.constant 48 : index
        %get3A_825 = tpu.vector_load %arg11[%get3A_823, %get3A_824] {strides = array<i32>} : memref<80x128xf32, #tpu.memory_space<vmem>>, vector<1x16xf32>,
        %get3A_826 = vector.shape_cast %get3A_825 : vector<1x16xf32> to vector<16xf32>
        %mul3A_827 = vector.broadcast %squeeze3A_787 : f32 to vector<16xf32>
        %mul3A_828 = arith.mulf %get3A_826, %mul3A_827 : vector<16xf32>
        %swap3A_829 = arith.index_cast %add3A_789 : i32 to index
        %swap3A_830 = arith.constant 48 : index
        %swap3A_831 = tpu.vector_load %arg11[%swap3A_829, %swap3A_830] {strides = array<i32>} : memref<80x128xf32, #tpu.memory_space<vmem>>, vector<1x16xf32>,
        %swap3A_832 = vector.shape_cast %swap3A_831 : vector<1x16xf32> to vector<16xf32>
        %swap3A_833 = vector.shape_cast %mul3A_828 : vector<16xf32> to vector<1x16xf32>
        tpu.vector_store %arg11[%swap3A_829, %swap3A_830], %swap3A_833 {strides = array<i32>} : memref<80x128xf32, #tpu.memory_space<vmem>>, vector<1x16xf32>,
        %get3A_834 = arith.index_cast %add3A_789 : i32 to index
        %get3A_835 = arith.constant 64 : index
        %get3A_836 = tpu.vector_load %arg11[%get3A_834, %get3A_835] {strides = array<i32>} : memref<80x128xf32, #tpu.memory_space<vmem>>, vector<1x16xf32>,
        %get3A_837 = vector.shape_cast %get3A_836 : vector<1x16xf32> to vector<16xf32>
        %mul3A_838 = vector.broadcast %squeeze3A_787 : f32 to vector<16xf32>
        %mul3A_839 = arith.mulf %get3A_837, %mul3A_838 : vector<16xf32>
        %swap3A_840 = arith.index_cast %add3A_789 : i32 to index
        %swap3A_841 = arith.constant 64 : index
        %swap3A_842 = tpu.vector_load %arg11[%swap3A_840, %swap3A_841] {strides = array<i32>} : memref<80x128xf32, #tpu.memory_space<vmem>>, vector<1x16xf32>,
        %swap3A_843 = vector.shape_cast %swap3A_842 : vector<1x16xf32> to vector<16xf32>
        %swap3A_844 = vector.shape_cast %mul3A_839 : vector<16xf32> to vector<1x16xf32>
        tpu.vector_store %arg11[%swap3A_840, %swap3A_841], %swap3A_844 {strides = array<i32>} : memref<80x128xf32, #tpu.memory_space<vmem>>, vector<1x16xf32>,
        %get3A_845 = arith.index_cast %add3A_789 : i32 to index
        %get3A_846 = arith.constant 80 : index
        %get3A_847 = tpu.vector_load %arg11[%get3A_845, %get3A_846] {strides = array<i32>} : memref<80x128xf32, #tpu.memory_space<vmem>>, vector<1x16xf32>,
        %get3A_848 = vector.shape_cast %get3A_847 : vector<1x16xf32> to vector<16xf32>
        %mul3A_849 = vector.broadcast %squeeze3A_787 : f32 to vector<16xf32>
        %mul3A_850 = arith.mulf %get3A_848, %mul3A_849 : vector<16xf32>
        %swap3A_851 = arith.index_cast %add3A_789 : i32 to index
        %swap3A_852 = arith.constant 80 : index
        %swap3A_853 = tpu.vector_load %arg11[%swap3A_851, %swap3A_852] {strides = array<i32>} : memref<80x128xf32, #tpu.memory_space<vmem>>, vector<1x16xf32>,
        %swap3A_854 = vector.shape_cast %swap3A_853 : vector<1x16xf32> to vector<16xf32>
        %swap3A_855 = vector.shape_cast %mul3A_850 : vector<16xf32> to vector<1x16xf32>
        tpu.vector_store %arg11[%swap3A_851, %swap3A_852], %swap3A_855 {strides = array<i32>} : memref<80x128xf32, #tpu.memory_space<vmem>>, vector<1x16xf32>,
        %get3A_856 = arith.index_cast %add3A_789 : i32 to index
        %get3A_857 = arith.constant 96 : index
        %get3A_858 = tpu.vector_load %arg11[%get3A_856, %get3A_857] {strides = array<i32>} : memref<80x128xf32, #tpu.memory_space<vmem>>, vector<1x16xf32>,
        %get3A_859 = vector.shape_cast %get3A_858 : vector<1x16xf32> to vector<16xf32>
        %mul3A_860 = vector.broadcast %squeeze3A_787 : f32 to vector<16xf32>
        %mul3A_861 = arith.mulf %get3A_859, %mul3A_860 : vector<16xf32>
        %swap3A_862 = arith.index_cast %add3A_789 : i32 to index
        %swap3A_863 = arith.constant 96 : index
        %swap3A_864 = tpu.vector_load %arg11[%swap3A_862, %swap3A_863] {strides = array<i32>} : memref<80x128xf32, #tpu.memory_space<vmem>>, vector<1x16xf32>,
        %swap3A_865 = vector.shape_cast %swap3A_864 : vector<1x16xf32> to vector<16xf32>
        %swap3A_866 = vector.shape_cast %mul3A_861 : vector<16xf32> to vector<1x16xf32>
        tpu.vector_store %arg11[%swap3A_862, %swap3A_863], %swap3A_866 {strides = array<i32>} : memref<80x128xf32, #tpu.memory_space<vmem>>, vector<1x16xf32>,
        %get3A_867 = arith.index_cast %add3A_789 : i32 to index
        %get3A_868 = arith.constant 112 : index
        %get3A_869 = tpu.vector_load %arg11[%get3A_867, %get3A_868] {strides = array<i32>} : memref<80x128xf32, #tpu.memory_space<vmem>>, vector<1x16xf32>,
        %get3A_870 = vector.shape_cast %get3A_869 : vector<1x16xf32> to vector<16xf32>
        %mul3A_871 = vector.broadcast %squeeze3A_787 : f32 to vector<16xf32>
        %mul3A_872 = arith.mulf %get3A_870, %mul3A_871 : vector<16xf32>
        %swap3A_873 = arith.index_cast %add3A_789 : i32 to index
        %swap3A_874 = arith.constant 112 : index
        %swap3A_875 = tpu.vector_load %arg11[%swap3A_873, %swap3A_874] {strides = array<i32>} : memref<80x128xf32, #tpu.memory_space<vmem>>, vector<1x16xf32>,
        %swap3A_876 = vector.shape_cast %swap3A_875 : vector<1x16xf32> to vector<16xf32>
        %swap3A_877 = vector.shape_cast %mul3A_872 : vector<16xf32> to vector<1x16xf32>
        tpu.vector_store %arg11[%swap3A_873, %swap3A_874], %swap3A_877 {strides = array<i32>} : memref<80x128xf32, #tpu.memory_space<vmem>>, vector<1x16xf32>,
        %slice3A_878 = vector.extract_strided_slice %get3A_52 {offsets = [9], sizes = [1], strides = [1]} : vector<16xf32> to vector<1xf32>
        %squeeze3A_879 = vector.extract %slice3A_878[0] : f32 from vector<1xf32>
        %add3A_880 = arith.constant 9 : i32
        %add3A_881 = arith.addi %mul3A_50, %add3A_880 : i32
        %get3A_882 = arith.index_cast %add3A_881 : i32 to index
        %get3A_883 = arith.constant 0 : index
        %get3A_884 = tpu.vector_load %arg11[%get3A_882, %get3A_883] {strides = array<i32>} : memref<80x128xf32, #tpu.memory_space<vmem>>, vector<1x16xf32>,
        %get3A_885 = vector.shape_cast %get3A_884 : vector<1x16xf32> to vector<16xf32>
        %mul3A_886 = vector.broadcast %squeeze3A_879 : f32 to vector<16xf32>
        %mul3A_887 = arith.mulf %get3A_885, %mul3A_886 : vector<16xf32>
        %swap3A_888 = arith.index_cast %add3A_881 : i32 to index
        %swap3A_889 = arith.constant 0 : index
        %swap3A_890 = tpu.vector_load %arg11[%swap3A_888, %swap3A_889] {strides = array<i32>} : memref<80x128xf32, #tpu.memory_space<vmem>>, vector<1x16xf32>,
        %swap3A_891 = vector.shape_cast %swap3A_890 : vector<1x16xf32> to vector<16xf32>
        %swap3A_892 = vector.shape_cast %mul3A_887 : vector<16xf32> to vector<1x16xf32>
        tpu.vector_store %arg11[%swap3A_888, %swap3A_889], %swap3A_892 {strides = array<i32>} : memref<80x128xf32, #tpu.memory_space<vmem>>, vector<1x16xf32>,
        %get3A_893 = arith.index_cast %add3A_881 : i32 to index
        %get3A_894 = arith.constant 16 : index
        %get3A_895 = tpu.vector_load %arg11[%get3A_893, %get3A_894] {strides = array<i32>} : memref<80x128xf32, #tpu.memory_space<vmem>>, vector<1x16xf32>,
        %get3A_896 = vector.shape_cast %get3A_895 : vector<1x16xf32> to vector<16xf32>
        %mul3A_897 = vector.broadcast %squeeze3A_879 : f32 to vector<16xf32>
        %mul3A_898 = arith.mulf %get3A_896, %mul3A_897 : vector<16xf32>
        %swap3A_899 = arith.index_cast %add3A_881 : i32 to index
        %swap3A_900 = arith.constant 16 : index
        %swap3A_901 = tpu.vector_load %arg11[%swap3A_899, %swap3A_900] {strides = array<i32>} : memref<80x128xf32, #tpu.memory_space<vmem>>, vector<1x16xf32>,
        %swap3A_902 = vector.shape_cast %swap3A_901 : vector<1x16xf32> to vector<16xf32>
        %swap3A_903 = vector.shape_cast %mul3A_898 : vector<16xf32> to vector<1x16xf32>
        tpu.vector_store %arg11[%swap3A_899, %swap3A_900], %swap3A_903 {strides = array<i32>} : memref<80x128xf32, #tpu.memory_space<vmem>>, vector<1x16xf32>,
        %get3A_904 = arith.index_cast %add3A_881 : i32 to index
        %get3A_905 = arith.constant 32 : index
        %get3A_906 = tpu.vector_load %arg11[%get3A_904, %get3A_905] {strides = array<i32>} : memref<80x128xf32, #tpu.memory_space<vmem>>, vector<1x16xf32>,
        %get3A_907 = vector.shape_cast %get3A_906 : vector<1x16xf32> to vector<16xf32>
        %mul3A_908 = vector.broadcast %squeeze3A_879 : f32 to vector<16xf32>
        %mul3A_909 = arith.mulf %get3A_907, %mul3A_908 : vector<16xf32>
        %swap3A_910 = arith.index_cast %add3A_881 : i32 to index
        %swap3A_911 = arith.constant 32 : index
        %swap3A_912 = tpu.vector_load %arg11[%swap3A_910, %swap3A_911] {strides = array<i32>} : memref<80x128xf32, #tpu.memory_space<vmem>>, vector<1x16xf32>,
        %swap3A_913 = vector.shape_cast %swap3A_912 : vector<1x16xf32> to vector<16xf32>
        %swap3A_914 = vector.shape_cast %mul3A_909 : vector<16xf32> to vector<1x16xf32>
        tpu.vector_store %arg11[%swap3A_910, %swap3A_911], %swap3A_914 {strides = array<i32>} : memref<80x128xf32, #tpu.memory_space<vmem>>, vector<1x16xf32>,
        %get3A_915 = arith.index_cast %add3A_881 : i32 to index
        %get3A_916 = arith.constant 48 : index
        %get3A_917 = tpu.vector_load %arg11[%get3A_915, %get3A_916] {strides = array<i32>} : memref<80x128xf32, #tpu.memory_space<vmem>>, vector<1x16xf32>,
        %get3A_918 = vector.shape_cast %get3A_917 : vector<1x16xf32> to vector<16xf32>
        %mul3A_919 = vector.broadcast %squeeze3A_879 : f32 to vector<16xf32>
        %mul3A_920 = arith.mulf %get3A_918, %mul3A_919 : vector<16xf32>
        %swap3A_921 = arith.index_cast %add3A_881 : i32 to index
        %swap3A_922 = arith.constant 48 : index
        %swap3A_923 = tpu.vector_load %arg11[%swap3A_921, %swap3A_922] {strides = array<i32>} : memref<80x128xf32, #tpu.memory_space<vmem>>, vector<1x16xf32>,
        %swap3A_924 = vector.shape_cast %swap3A_923 : vector<1x16xf32> to vector<16xf32>
        %swap3A_925 = vector.shape_cast %mul3A_920 : vector<16xf32> to vector<1x16xf32>
        tpu.vector_store %arg11[%swap3A_921, %swap3A_922], %swap3A_925 {strides = array<i32>} : memref<80x128xf32, #tpu.memory_space<vmem>>, vector<1x16xf32>,
        %get3A_926 = arith.index_cast %add3A_881 : i32 to index
        %get3A_927 = arith.constant 64 : index
        %get3A_928 = tpu.vector_load %arg11[%get3A_926, %get3A_927] {strides = array<i32>} : memref<80x128xf32, #tpu.memory_space<vmem>>, vector<1x16xf32>,
        %get3A_929 = vector.shape_cast %get3A_928 : vector<1x16xf32> to vector<16xf32>
        %mul3A_930 = vector.broadcast %squeeze3A_879 : f32 to vector<16xf32>
        %mul3A_931 = arith.mulf %get3A_929, %mul3A_930 : vector<16xf32>
        %swap3A_932 = arith.index_cast %add3A_881 : i32 to index
        %swap3A_933 = arith.constant 64 : index
        %swap3A_934 = tpu.vector_load %arg11[%swap3A_932, %swap3A_933] {strides = array<i32>} : memref<80x128xf32, #tpu.memory_space<vmem>>, vector<1x16xf32>,
        %swap3A_935 = vector.shape_cast %swap3A_934 : vector<1x16xf32> to vector<16xf32>
        %swap3A_936 = vector.shape_cast %mul3A_931 : vector<16xf32> to vector<1x16xf32>
        tpu.vector_store %arg11[%swap3A_932, %swap3A_933], %swap3A_936 {strides = array<i32>} : memref<80x128xf32, #tpu.memory_space<vmem>>, vector<1x16xf32>,
        %get3A_937 = arith.index_cast %add3A_881 : i32 to index
        %get3A_938 = arith.constant 80 : index
        %get3A_939 = tpu.vector_load %arg11[%get3A_937, %get3A_938] {strides = array<i32>} : memref<80x128xf32, #tpu.memory_space<vmem>>, vector<1x16xf32>,
        %get3A_940 = vector.shape_cast %get3A_939 : vector<1x16xf32> to vector<16xf32>
        %mul3A_941 = vector.broadcast %squeeze3A_879 : f32 to vector<16xf32>
        %mul3A_942 = arith.mulf %get3A_940, %mul3A_941 : vector<16xf32>
        %swap3A_943 = arith.index_cast %add3A_881 : i32 to index
        %swap3A_944 = arith.constant 80 : index
        %swap3A_945 = tpu.vector_load %arg11[%swap3A_943, %swap3A_944] {strides = array<i32>} : memref<80x128xf32, #tpu.memory_space<vmem>>, vector<1x16xf32>,
        %swap3A_946 = vector.shape_cast %swap3A_945 : vector<1x16xf32> to vector<16xf32>
        %swap3A_947 = vector.shape_cast %mul3A_942 : vector<16xf32> to vector<1x16xf32>
        tpu.vector_store %arg11[%swap3A_943, %swap3A_944], %swap3A_947 {strides = array<i32>} : memref<80x128xf32, #tpu.memory_space<vmem>>, vector<1x16xf32>,
        %get3A_948 = arith.index_cast %add3A_881 : i32 to index
        %get3A_949 = arith.constant 96 : index
        %get3A_950 = tpu.vector_load %arg11[%get3A_948, %get3A_949] {strides = array<i32>} : memref<80x128xf32, #tpu.memory_space<vmem>>, vector<1x16xf32>,
        %get3A_951 = vector.shape_cast %get3A_950 : vector<1x16xf32> to vector<16xf32>
        %mul3A_952 = vector.broadcast %squeeze3A_879 : f32 to vector<16xf32>
        %mul3A_953 = arith.mulf %get3A_951, %mul3A_952 : vector<16xf32>
        %swap3A_954 = arith.index_cast %add3A_881 : i32 to index
        %swap3A_955 = arith.constant 96 : index
        %swap3A_956 = tpu.vector_load %arg11[%swap3A_954, %swap3A_955] {strides = array<i32>} : memref<80x128xf32, #tpu.memory_space<vmem>>, vector<1x16xf32>,
        %swap3A_957 = vector.shape_cast %swap3A_956 : vector<1x16xf32> to vector<16xf32>
        %swap3A_958 = vector.shape_cast %mul3A_953 : vector<16xf32> to vector<1x16xf32>
        tpu.vector_store %arg11[%swap3A_954, %swap3A_955], %swap3A_958 {strides = array<i32>} : memref<80x128xf32, #tpu.memory_space<vmem>>, vector<1x16xf32>,
        %get3A_959 = arith.index_cast %add3A_881 : i32 to index
        %get3A_960 = arith.constant 112 : index
        %get3A_961 = tpu.vector_load %arg11[%get3A_959, %get3A_960] {strides = array<i32>} : memref<80x128xf32, #tpu.memory_space<vmem>>, vector<1x16xf32>,
        %get3A_962 = vector.shape_cast %get3A_961 : vector<1x16xf32> to vector<16xf32>
        %mul3A_963 = vector.broadcast %squeeze3A_879 : f32 to vector<16xf32>
        %mul3A_964 = arith.mulf %get3A_962, %mul3A_963 : vector<16xf32>
        %swap3A_965 = arith.index_cast %add3A_881 : i32 to index
        %swap3A_966 = arith.constant 112 : index
        %swap3A_967 = tpu.vector_load %arg11[%swap3A_965, %swap3A_966] {strides = array<i32>} : memref<80x128xf32, #tpu.memory_space<vmem>>, vector<1x16xf32>,
        %swap3A_968 = vector.shape_cast %swap3A_967 : vector<1x16xf32> to vector<16xf32>
        %swap3A_969 = vector.shape_cast %mul3A_964 : vector<16xf32> to vector<1x16xf32>
        tpu.vector_store %arg11[%swap3A_965, %swap3A_966], %swap3A_969 {strides = array<i32>} : memref<80x128xf32, #tpu.memory_space<vmem>>, vector<1x16xf32>,
        %slice3A_970 = vector.extract_strided_slice %get3A_52 {offsets = [10], sizes = [1], strides = [1]} : vector<16xf32> to vector<1xf32>
        %squeeze3A_971 = vector.extract %slice3A_970[0] : f32 from vector<1xf32>
        %add3A_972 = arith.constant 10 : i32
        %add3A_973 = arith.addi %mul3A_50, %add3A_972 : i32
        %get3A_974 = arith.index_cast %add3A_973 : i32 to index
        %get3A_975 = arith.constant 0 : index
        %get3A_976 = tpu.vector_load %arg11[%get3A_974, %get3A_975] {strides = array<i32>} : memref<80x128xf32, #tpu.memory_space<vmem>>, vector<1x16xf32>,
        %get3A_977 = vector.shape_cast %get3A_976 : vector<1x16xf32> to vector<16xf32>
        %mul3A_978 = vector.broadcast %squeeze3A_971 : f32 to vector<16xf32>
        %mul3A_979 = arith.mulf %get3A_977, %mul3A_978 : vector<16xf32>
        %swap3A_980 = arith.index_cast %add3A_973 : i32 to index
        %swap3A_981 = arith.constant 0 : index
        %swap3A_982 = tpu.vector_load %arg11[%swap3A_980, %swap3A_981] {strides = array<i32>} : memref<80x128xf32, #tpu.memory_space<vmem>>, vector<1x16xf32>,
        %swap3A_983 = vector.shape_cast %swap3A_982 : vector<1x16xf32> to vector<16xf32>
        %swap3A_984 = vector.shape_cast %mul3A_979 : vector<16xf32> to vector<1x16xf32>
        tpu.vector_store %arg11[%swap3A_980, %swap3A_981], %swap3A_984 {strides = array<i32>} : memref<80x128xf32, #tpu.memory_space<vmem>>, vector<1x16xf32>,
        %get3A_985 = arith.index_cast %add3A_973 : i32 to index
        %get3A_986 = arith.constant 16 : index
        %get3A_987 = tpu.vector_load %arg11[%get3A_985, %get3A_986] {strides = array<i32>} : memref<80x128xf32, #tpu.memory_space<vmem>>, vector<1x16xf32>,
        %get3A_988 = vector.shape_cast %get3A_987 : vector<1x16xf32> to vector<16xf32>
        %mul3A_989 = vector.broadcast %squeeze3A_971 : f32 to vector<16xf32>
        %mul3A_990 = arith.mulf %get3A_988, %mul3A_989 : vector<16xf32>
        %swap3A_991 = arith.index_cast %add3A_973 : i32 to index
        %swap3A_992 = arith.constant 16 : index
        %swap3A_993 = tpu.vector_load %arg11[%swap3A_991, %swap3A_992] {strides = array<i32>} : memref<80x128xf32, #tpu.memory_space<vmem>>, vector<1x16xf32>,
        %swap3A_994 = vector.shape_cast %swap3A_993 : vector<1x16xf32> to vector<16xf32>
        %swap3A_995 = vector.shape_cast %mul3A_990 : vector<16xf32> to vector<1x16xf32>
        tpu.vector_store %arg11[%swap3A_991, %swap3A_992], %swap3A_995 {strides = array<i32>} : memref<80x128xf32, #tpu.memory_space<vmem>>, vector<1x16xf32>,
        %get3A_996 = arith.index_cast %add3A_973 : i32 to index
        %get3A_997 = arith.constant 32 : index
        %get3A_998 = tpu.vector_load %arg11[%get3A_996, %get3A_997] {strides = array<i32>} : memref<80x128xf32, #tpu.memory_space<vmem>>, vector<1x16xf32>,
        %get3A_999 = vector.shape_cast %get3A_998 : vector<1x16xf32> to vector<16xf32>
        %mul3A_1000 = vector.broadcast %squeeze3A_971 : f32 to vector<16xf32>
        %mul3A_1001 = arith.mulf %get3A_999, %mul3A_1000 : vector<16xf32>
        %swap3A_1002 = arith.index_cast %add3A_973 : i32 to index
        %swap3A_1003 = arith.constant 32 : index
        %swap3A_1004 = tpu.vector_load %arg11[%swap3A_1002, %swap3A_1003] {strides = array<i32>} : memref<80x128xf32, #tpu.memory_space<vmem>>, vector<1x16xf32>,
        %swap3A_1005 = vector.shape_cast %swap3A_1004 : vector<1x16xf32> to vector<16xf32>
        %swap3A_1006 = vector.shape_cast %mul3A_1001 : vector<16xf32> to vector<1x16xf32>
        tpu.vector_store %arg11[%swap3A_1002, %swap3A_1003], %swap3A_1006 {strides = array<i32>} : memref<80x128xf32, #tpu.memory_space<vmem>>, vector<1x16xf32>,
        %get3A_1007 = arith.index_cast %add3A_973 : i32 to index
        %get3A_1008 = arith.constant 48 : index
        %get3A_1009 = tpu.vector_load %arg11[%get3A_1007, %get3A_1008] {strides = array<i32>} : memref<80x128xf32, #tpu.memory_space<vmem>>, vector<1x16xf32>,
        %get3A_1010 = vector.shape_cast %get3A_1009 : vector<1x16xf32> to vector<16xf32>
        %mul3A_1011 = vector.broadcast %squeeze3A_971 : f32 to vector<16xf32>
        %mul3A_1012 = arith.mulf %get3A_1010, %mul3A_1011 : vector<16xf32>
        %swap3A_1013 = arith.index_cast %add3A_973 : i32 to index
        %swap3A_1014 = arith.constant 48 : index
        %swap3A_1015 = tpu.vector_load %arg11[%swap3A_1013, %swap3A_1014] {strides = array<i32>} : memref<80x128xf32, #tpu.memory_space<vmem>>, vector<1x16xf32>,
        %swap3A_1016 = vector.shape_cast %swap3A_1015 : vector<1x16xf32> to vector<16xf32>
        %swap3A_1017 = vector.shape_cast %mul3A_1012 : vector<16xf32> to vector<1x16xf32>
        tpu.vector_store %arg11[%swap3A_1013, %swap3A_1014], %swap3A_1017 {strides = array<i32>} : memref<80x128xf32, #tpu.memory_space<vmem>>, vector<1x16xf32>,
        %get3A_1018 = arith.index_cast %add3A_973 : i32 to index
        %get3A_1019 = arith.constant 64 : index
        %get3A_1020 = tpu.vector_load %arg11[%get3A_1018, %get3A_1019] {strides = array<i32>} : memref<80x128xf32, #tpu.memory_space<vmem>>, vector<1x16xf32>,
        %get3A_1021 = vector.shape_cast %get3A_1020 : vector<1x16xf32> to vector<16xf32>
        %mul3A_1022 = vector.broadcast %squeeze3A_971 : f32 to vector<16xf32>
        %mul3A_1023 = arith.mulf %get3A_1021, %mul3A_1022 : vector<16xf32>
        %swap3A_1024 = arith.index_cast %add3A_973 : i32 to index
        %swap3A_1025 = arith.constant 64 : index
        %swap3A_1026 = tpu.vector_load %arg11[%swap3A_1024, %swap3A_1025] {strides = array<i32>} : memref<80x128xf32, #tpu.memory_space<vmem>>, vector<1x16xf32>,
        %swap3A_1027 = vector.shape_cast %swap3A_1026 : vector<1x16xf32> to vector<16xf32>
        %swap3A_1028 = vector.shape_cast %mul3A_1023 : vector<16xf32> to vector<1x16xf32>
        tpu.vector_store %arg11[%swap3A_1024, %swap3A_1025], %swap3A_1028 {strides = array<i32>} : memref<80x128xf32, #tpu.memory_space<vmem>>, vector<1x16xf32>,
        %get3A_1029 = arith.index_cast %add3A_973 : i32 to index
        %get3A_1030 = arith.constant 80 : index
        %get3A_1031 = tpu.vector_load %arg11[%get3A_1029, %get3A_1030] {strides = array<i32>} : memref<80x128xf32, #tpu.memory_space<vmem>>, vector<1x16xf32>,
        %get3A_1032 = vector.shape_cast %get3A_1031 : vector<1x16xf32> to vector<16xf32>
        %mul3A_1033 = vector.broadcast %squeeze3A_971 : f32 to vector<16xf32>
        %mul3A_1034 = arith.mulf %get3A_1032, %mul3A_1033 : vector<16xf32>
        %swap3A_1035 = arith.index_cast %add3A_973 : i32 to index
        %swap3A_1036 = arith.constant 80 : index
        %swap3A_1037 = tpu.vector_load %arg11[%swap3A_1035, %swap3A_1036] {strides = array<i32>} : memref<80x128xf32, #tpu.memory_space<vmem>>, vector<1x16xf32>,
        %swap3A_1038 = vector.shape_cast %swap3A_1037 : vector<1x16xf32> to vector<16xf32>
        %swap3A_1039 = vector.shape_cast %mul3A_1034 : vector<16xf32> to vector<1x16xf32>
        tpu.vector_store %arg11[%swap3A_1035, %swap3A_1036], %swap3A_1039 {strides = array<i32>} : memref<80x128xf32, #tpu.memory_space<vmem>>, vector<1x16xf32>,
        %get3A_1040 = arith.index_cast %add3A_973 : i32 to index
        %get3A_1041 = arith.constant 96 : index
        %get3A_1042 = tpu.vector_load %arg11[%get3A_1040, %get3A_1041] {strides = array<i32>} : memref<80x128xf32, #tpu.memory_space<vmem>>, vector<1x16xf32>,
        %get3A_1043 = vector.shape_cast %get3A_1042 : vector<1x16xf32> to vector<16xf32>
        %mul3A_1044 = vector.broadcast %squeeze3A_971 : f32 to vector<16xf32>
        %mul3A_1045 = arith.mulf %get3A_1043, %mul3A_1044 : vector<16xf32>
        %swap3A_1046 = arith.index_cast %add3A_973 : i32 to index
        %swap3A_1047 = arith.constant 96 : index
        %swap3A_1048 = tpu.vector_load %arg11[%swap3A_1046, %swap3A_1047] {strides = array<i32>} : memref<80x128xf32, #tpu.memory_space<vmem>>, vector<1x16xf32>,
        %swap3A_1049 = vector.shape_cast %swap3A_1048 : vector<1x16xf32> to vector<16xf32>
        %swap3A_1050 = vector.shape_cast %mul3A_1045 : vector<16xf32> to vector<1x16xf32>
        tpu.vector_store %arg11[%swap3A_1046, %swap3A_1047], %swap3A_1050 {strides = array<i32>} : memref<80x128xf32, #tpu.memory_space<vmem>>, vector<1x16xf32>,
        %get3A_1051 = arith.index_cast %add3A_973 : i32 to index
        %get3A_1052 = arith.constant 112 : index
        %get3A_1053 = tpu.vector_load %arg11[%get3A_1051, %get3A_1052] {strides = array<i32>} : memref<80x128xf32, #tpu.memory_space<vmem>>, vector<1x16xf32>,
        %get3A_1054 = vector.shape_cast %get3A_1053 : vector<1x16xf32> to vector<16xf32>
        %mul3A_1055 = vector.broadcast %squeeze3A_971 : f32 to vector<16xf32>
        %mul3A_1056 = arith.mulf %get3A_1054, %mul3A_1055 : vector<16xf32>
        %swap3A_1057 = arith.index_cast %add3A_973 : i32 to index
        %swap3A_1058 = arith.constant 112 : index
        %swap3A_1059 = tpu.vector_load %arg11[%swap3A_1057, %swap3A_1058] {strides = array<i32>} : memref<80x128xf32, #tpu.memory_space<vmem>>, vector<1x16xf32>,
        %swap3A_1060 = vector.shape_cast %swap3A_1059 : vector<1x16xf32> to vector<16xf32>
        %swap3A_1061 = vector.shape_cast %mul3A_1056 : vector<16xf32> to vector<1x16xf32>
        tpu.vector_store %arg11[%swap3A_1057, %swap3A_1058], %swap3A_1061 {strides = array<i32>} : memref<80x128xf32, #tpu.memory_space<vmem>>, vector<1x16xf32>,
        %slice3A_1062 = vector.extract_strided_slice %get3A_52 {offsets = [11], sizes = [1], strides = [1]} : vector<16xf32> to vector<1xf32>
        %squeeze3A_1063 = vector.extract %slice3A_1062[0] : f32 from vector<1xf32>
        %add3A_1064 = arith.constant 11 : i32
        %add3A_1065 = arith.addi %mul3A_50, %add3A_1064 : i32
        %get3A_1066 = arith.index_cast %add3A_1065 : i32 to index
        %get3A_1067 = arith.constant 0 : index
        %get3A_1068 = tpu.vector_load %arg11[%get3A_1066, %get3A_1067] {strides = array<i32>} : memref<80x128xf32, #tpu.memory_space<vmem>>, vector<1x16xf32>,
        %get3A_1069 = vector.shape_cast %get3A_1068 : vector<1x16xf32> to vector<16xf32>
        %mul3A_1070 = vector.broadcast %squeeze3A_1063 : f32 to vector<16xf32>
        %mul3A_1071 = arith.mulf %get3A_1069, %mul3A_1070 : vector<16xf32>
        %swap3A_1072 = arith.index_cast %add3A_1065 : i32 to index
        %swap3A_1073 = arith.constant 0 : index
        %swap3A_1074 = tpu.vector_load %arg11[%swap3A_1072, %swap3A_1073] {strides = array<i32>} : memref<80x128xf32, #tpu.memory_space<vmem>>, vector<1x16xf32>,
        %swap3A_1075 = vector.shape_cast %swap3A_1074 : vector<1x16xf32> to vector<16xf32>
        %swap3A_1076 = vector.shape_cast %mul3A_1071 : vector<16xf32> to vector<1x16xf32>
        tpu.vector_store %arg11[%swap3A_1072, %swap3A_1073], %swap3A_1076 {strides = array<i32>} : memref<80x128xf32, #tpu.memory_space<vmem>>, vector<1x16xf32>,
        %get3A_1077 = arith.index_cast %add3A_1065 : i32 to index
        %get3A_1078 = arith.constant 16 : index
        %get3A_1079 = tpu.vector_load %arg11[%get3A_1077, %get3A_1078] {strides = array<i32>} : memref<80x128xf32, #tpu.memory_space<vmem>>, vector<1x16xf32>,
        %get3A_1080 = vector.shape_cast %get3A_1079 : vector<1x16xf32> to vector<16xf32>
        %mul3A_1081 = vector.broadcast %squeeze3A_1063 : f32 to vector<16xf32>
        %mul3A_1082 = arith.mulf %get3A_1080, %mul3A_1081 : vector<16xf32>
        %swap3A_1083 = arith.index_cast %add3A_1065 : i32 to index
        %swap3A_1084 = arith.constant 16 : index
        %swap3A_1085 = tpu.vector_load %arg11[%swap3A_1083, %swap3A_1084] {strides = array<i32>} : memref<80x128xf32, #tpu.memory_space<vmem>>, vector<1x16xf32>,
        %swap3A_1086 = vector.shape_cast %swap3A_1085 : vector<1x16xf32> to vector<16xf32>
        %swap3A_1087 = vector.shape_cast %mul3A_1082 : vector<16xf32> to vector<1x16xf32>
        tpu.vector_store %arg11[%swap3A_1083, %swap3A_1084], %swap3A_1087 {strides = array<i32>} : memref<80x128xf32, #tpu.memory_space<vmem>>, vector<1x16xf32>,
        %get3A_1088 = arith.index_cast %add3A_1065 : i32 to index
        %get3A_1089 = arith.constant 32 : index
        %get3A_1090 = tpu.vector_load %arg11[%get3A_1088, %get3A_1089] {strides = array<i32>} : memref<80x128xf32, #tpu.memory_space<vmem>>, vector<1x16xf32>,
        %get3A_1091 = vector.shape_cast %get3A_1090 : vector<1x16xf32> to vector<16xf32>
        %mul3A_1092 = vector.broadcast %squeeze3A_1063 : f32 to vector<16xf32>
        %mul3A_1093 = arith.mulf %get3A_1091, %mul3A_1092 : vector<16xf32>
        %swap3A_1094 = arith.index_cast %add3A_1065 : i32 to index
        %swap3A_1095 = arith.constant 32 : index
        %swap3A_1096 = tpu.vector_load %arg11[%swap3A_1094, %swap3A_1095] {strides = array<i32>} : memref<80x128xf32, #tpu.memory_space<vmem>>, vector<1x16xf32>,
        %swap3A_1097 = vector.shape_cast %swap3A_1096 : vector<1x16xf32> to vector<16xf32>
        %swap3A_1098 = vector.shape_cast %mul3A_1093 : vector<16xf32> to vector<1x16xf32>
        tpu.vector_store %arg11[%swap3A_1094, %swap3A_1095], %swap3A_1098 {strides = array<i32>} : memref<80x128xf32, #tpu.memory_space<vmem>>, vector<1x16xf32>,
        %get3A_1099 = arith.index_cast %add3A_1065 : i32 to index
        %get3A_1100 = arith.constant 48 : index
        %get3A_1101 = tpu.vector_load %arg11[%get3A_1099, %get3A_1100] {strides = array<i32>} : memref<80x128xf32, #tpu.memory_space<vmem>>, vector<1x16xf32>,
        %get3A_1102 = vector.shape_cast %get3A_1101 : vector<1x16xf32> to vector<16xf32>
        %mul3A_1103 = vector.broadcast %squeeze3A_1063 : f32 to vector<16xf32>
        %mul3A_1104 = arith.mulf %get3A_1102, %mul3A_1103 : vector<16xf32>
        %swap3A_1105 = arith.index_cast %add3A_1065 : i32 to index
        %swap3A_1106 = arith.constant 48 : index
        %swap3A_1107 = tpu.vector_load %arg11[%swap3A_1105, %swap3A_1106] {strides = array<i32>} : memref<80x128xf32, #tpu.memory_space<vmem>>, vector<1x16xf32>,
        %swap3A_1108 = vector.shape_cast %swap3A_1107 : vector<1x16xf32> to vector<16xf32>
        %swap3A_1109 = vector.shape_cast %mul3A_1104 : vector<16xf32> to vector<1x16xf32>
        tpu.vector_store %arg11[%swap3A_1105, %swap3A_1106], %swap3A_1109 {strides = array<i32>} : memref<80x128xf32, #tpu.memory_space<vmem>>, vector<1x16xf32>,
        %get3A_1110 = arith.index_cast %add3A_1065 : i32 to index
        %get3A_1111 = arith.constant 64 : index
        %get3A_1112 = tpu.vector_load %arg11[%get3A_1110, %get3A_1111] {strides = array<i32>} : memref<80x128xf32, #tpu.memory_space<vmem>>, vector<1x16xf32>,
        %get3A_1113 = vector.shape_cast %get3A_1112 : vector<1x16xf32> to vector<16xf32>
        %mul3A_1114 = vector.broadcast %squeeze3A_1063 : f32 to vector<16xf32>
        %mul3A_1115 = arith.mulf %get3A_1113, %mul3A_1114 : vector<16xf32>
        %swap3A_1116 = arith.index_cast %add3A_1065 : i32 to index
        %swap3A_1117 = arith.constant 64 : index
        %swap3A_1118 = tpu.vector_load %arg11[%swap3A_1116, %swap3A_1117] {strides = array<i32>} : memref<80x128xf32, #tpu.memory_space<vmem>>, vector<1x16xf32>,
        %swap3A_1119 = vector.shape_cast %swap3A_1118 : vector<1x16xf32> to vector<16xf32>
        %swap3A_1120 = vector.shape_cast %mul3A_1115 : vector<16xf32> to vector<1x16xf32>
        tpu.vector_store %arg11[%swap3A_1116, %swap3A_1117], %swap3A_1120 {strides = array<i32>} : memref<80x128xf32, #tpu.memory_space<vmem>>, vector<1x16xf32>,
        %get3A_1121 = arith.index_cast %add3A_1065 : i32 to index
        %get3A_1122 = arith.constant 80 : index
        %get3A_1123 = tpu.vector_load %arg11[%get3A_1121, %get3A_1122] {strides = array<i32>} : memref<80x128xf32, #tpu.memory_space<vmem>>, vector<1x16xf32>,
        %get3A_1124 = vector.shape_cast %get3A_1123 : vector<1x16xf32> to vector<16xf32>
        %mul3A_1125 = vector.broadcast %squeeze3A_1063 : f32 to vector<16xf32>
        %mul3A_1126 = arith.mulf %get3A_1124, %mul3A_1125 : vector<16xf32>
        %swap3A_1127 = arith.index_cast %add3A_1065 : i32 to index
        %swap3A_1128 = arith.constant 80 : index
        %swap3A_1129 = tpu.vector_load %arg11[%swap3A_1127, %swap3A_1128] {strides = array<i32>} : memref<80x128xf32, #tpu.memory_space<vmem>>, vector<1x16xf32>,
        %swap3A_1130 = vector.shape_cast %swap3A_1129 : vector<1x16xf32> to vector<16xf32>
        %swap3A_1131 = vector.shape_cast %mul3A_1126 : vector<16xf32> to vector<1x16xf32>
        tpu.vector_store %arg11[%swap3A_1127, %swap3A_1128], %swap3A_1131 {strides = array<i32>} : memref<80x128xf32, #tpu.memory_space<vmem>>, vector<1x16xf32>,
        %get3A_1132 = arith.index_cast %add3A_1065 : i32 to index
        %get3A_1133 = arith.constant 96 : index
        %get3A_1134 = tpu.vector_load %arg11[%get3A_1132, %get3A_1133] {strides = array<i32>} : memref<80x128xf32, #tpu.memory_space<vmem>>, vector<1x16xf32>,
        %get3A_1135 = vector.shape_cast %get3A_1134 : vector<1x16xf32> to vector<16xf32>
        %mul3A_1136 = vector.broadcast %squeeze3A_1063 : f32 to vector<16xf32>
        %mul3A_1137 = arith.mulf %get3A_1135, %mul3A_1136 : vector<16xf32>
        %swap3A_1138 = arith.index_cast %add3A_1065 : i32 to index
        %swap3A_1139 = arith.constant 96 : index
        %swap3A_1140 = tpu.vector_load %arg11[%swap3A_1138, %swap3A_1139] {strides = array<i32>} : memref<80x128xf32, #tpu.memory_space<vmem>>, vector<1x16xf32>,
        %swap3A_1141 = vector.shape_cast %swap3A_1140 : vector<1x16xf32> to vector<16xf32>
        %swap3A_1142 = vector.shape_cast %mul3A_1137 : vector<16xf32> to vector<1x16xf32>
        tpu.vector_store %arg11[%swap3A_1138, %swap3A_1139], %swap3A_1142 {strides = array<i32>} : memref<80x128xf32, #tpu.memory_space<vmem>>, vector<1x16xf32>,
        %get3A_1143 = arith.index_cast %add3A_1065 : i32 to index
        %get3A_1144 = arith.constant 112 : index
        %get3A_1145 = tpu.vector_load %arg11[%get3A_1143, %get3A_1144] {strides = array<i32>} : memref<80x128xf32, #tpu.memory_space<vmem>>, vector<1x16xf32>,
        %get3A_1146 = vector.shape_cast %get3A_1145 : vector<1x16xf32> to vector<16xf32>
        %mul3A_1147 = vector.broadcast %squeeze3A_1063 : f32 to vector<16xf32>
        %mul3A_1148 = arith.mulf %get3A_1146, %mul3A_1147 : vector<16xf32>
        %swap3A_1149 = arith.index_cast %add3A_1065 : i32 to index
        %swap3A_1150 = arith.constant 112 : index
        %swap3A_1151 = tpu.vector_load %arg11[%swap3A_1149, %swap3A_1150] {strides = array<i32>} : memref<80x128xf32, #tpu.memory_space<vmem>>, vector<1x16xf32>,
        %swap3A_1152 = vector.shape_cast %swap3A_1151 : vector<1x16xf32> to vector<16xf32>
        %swap3A_1153 = vector.shape_cast %mul3A_1148 : vector<16xf32> to vector<1x16xf32>
        tpu.vector_store %arg11[%swap3A_1149, %swap3A_1150], %swap3A_1153 {strides = array<i32>} : memref<80x128xf32, #tpu.memory_space<vmem>>, vector<1x16xf32>,
        %slice3A_1154 = vector.extract_strided_slice %get3A_52 {offsets = [12], sizes = [1], strides = [1]} : vector<16xf32> to vector<1xf32>
        %squeeze3A_1155 = vector.extract %slice3A_1154[0] : f32 from vector<1xf32>
        %add3A_1156 = arith.constant 12 : i32
        %add3A_1157 = arith.addi %mul3A_50, %add3A_1156 : i32
        %get3A_1158 = arith.index_cast %add3A_1157 : i32 to index
        %get3A_1159 = arith.constant 0 : index
        %get3A_1160 = tpu.vector_load %arg11[%get3A_1158, %get3A_1159] {strides = array<i32>} : memref<80x128xf32, #tpu.memory_space<vmem>>, vector<1x16xf32>,
        %get3A_1161 = vector.shape_cast %get3A_1160 : vector<1x16xf32> to vector<16xf32>
        %mul3A_1162 = vector.broadcast %squeeze3A_1155 : f32 to vector<16xf32>
        %mul3A_1163 = arith.mulf %get3A_1161, %mul3A_1162 : vector<16xf32>
        %swap3A_1164 = arith.index_cast %add3A_1157 : i32 to index
        %swap3A_1165 = arith.constant 0 : index
        %swap3A_1166 = tpu.vector_load %arg11[%swap3A_1164, %swap3A_1165] {strides = array<i32>} : memref<80x128xf32, #tpu.memory_space<vmem>>, vector<1x16xf32>,
        %swap3A_1167 = vector.shape_cast %swap3A_1166 : vector<1x16xf32> to vector<16xf32>
        %swap3A_1168 = vector.shape_cast %mul3A_1163 : vector<16xf32> to vector<1x16xf32>
        tpu.vector_store %arg11[%swap3A_1164, %swap3A_1165], %swap3A_1168 {strides = array<i32>} : memref<80x128xf32, #tpu.memory_space<vmem>>, vector<1x16xf32>,
        %get3A_1169 = arith.index_cast %add3A_1157 : i32 to index
        %get3A_1170 = arith.constant 16 : index
        %get3A_1171 = tpu.vector_load %arg11[%get3A_1169, %get3A_1170] {strides = array<i32>} : memref<80x128xf32, #tpu.memory_space<vmem>>, vector<1x16xf32>,
        %get3A_1172 = vector.shape_cast %get3A_1171 : vector<1x16xf32> to vector<16xf32>
        %mul3A_1173 = vector.broadcast %squeeze3A_1155 : f32 to vector<16xf32>
        %mul3A_1174 = arith.mulf %get3A_1172, %mul3A_1173 : vector<16xf32>
        %swap3A_1175 = arith.index_cast %add3A_1157 : i32 to index
        %swap3A_1176 = arith.constant 16 : index
        %swap3A_1177 = tpu.vector_load %arg11[%swap3A_1175, %swap3A_1176] {strides = array<i32>} : memref<80x128xf32, #tpu.memory_space<vmem>>, vector<1x16xf32>,
        %swap3A_1178 = vector.shape_cast %swap3A_1177 : vector<1x16xf32> to vector<16xf32>
        %swap3A_1179 = vector.shape_cast %mul3A_1174 : vector<16xf32> to vector<1x16xf32>
        tpu.vector_store %arg11[%swap3A_1175, %swap3A_1176], %swap3A_1179 {strides = array<i32>} : memref<80x128xf32, #tpu.memory_space<vmem>>, vector<1x16xf32>,
        %get3A_1180 = arith.index_cast %add3A_1157 : i32 to index
        %get3A_1181 = arith.constant 32 : index
        %get3A_1182 = tpu.vector_load %arg11[%get3A_1180, %get3A_1181] {strides = array<i32>} : memref<80x128xf32, #tpu.memory_space<vmem>>, vector<1x16xf32>,
        %get3A_1183 = vector.shape_cast %get3A_1182 : vector<1x16xf32> to vector<16xf32>
        %mul3A_1184 = vector.broadcast %squeeze3A_1155 : f32 to vector<16xf32>
        %mul3A_1185 = arith.mulf %get3A_1183, %mul3A_1184 : vector<16xf32>
        %swap3A_1186 = arith.index_cast %add3A_1157 : i32 to index
        %swap3A_1187 = arith.constant 32 : index
        %swap3A_1188 = tpu.vector_load %arg11[%swap3A_1186, %swap3A_1187] {strides = array<i32>} : memref<80x128xf32, #tpu.memory_space<vmem>>, vector<1x16xf32>,
        %swap3A_1189 = vector.shape_cast %swap3A_1188 : vector<1x16xf32> to vector<16xf32>
        %swap3A_1190 = vector.shape_cast %mul3A_1185 : vector<16xf32> to vector<1x16xf32>
        tpu.vector_store %arg11[%swap3A_1186, %swap3A_1187], %swap3A_1190 {strides = array<i32>} : memref<80x128xf32, #tpu.memory_space<vmem>>, vector<1x16xf32>,
        %get3A_1191 = arith.index_cast %add3A_1157 : i32 to index
        %get3A_1192 = arith.constant 48 : index
        %get3A_1193 = tpu.vector_load %arg11[%get3A_1191, %get3A_1192] {strides = array<i32>} : memref<80x128xf32, #tpu.memory_space<vmem>>, vector<1x16xf32>,
        %get3A_1194 = vector.shape_cast %get3A_1193 : vector<1x16xf32> to vector<16xf32>
        %mul3A_1195 = vector.broadcast %squeeze3A_1155 : f32 to vector<16xf32>
        %mul3A_1196 = arith.mulf %get3A_1194, %mul3A_1195 : vector<16xf32>
        %swap3A_1197 = arith.index_cast %add3A_1157 : i32 to index
        %swap3A_1198 = arith.constant 48 : index
        %swap3A_1199 = tpu.vector_load %arg11[%swap3A_1197, %swap3A_1198] {strides = array<i32>} : memref<80x128xf32, #tpu.memory_space<vmem>>, vector<1x16xf32>,
        %swap3A_1200 = vector.shape_cast %swap3A_1199 : vector<1x16xf32> to vector<16xf32>
        %swap3A_1201 = vector.shape_cast %mul3A_1196 : vector<16xf32> to vector<1x16xf32>
        tpu.vector_store %arg11[%swap3A_1197, %swap3A_1198], %swap3A_1201 {strides = array<i32>} : memref<80x128xf32, #tpu.memory_space<vmem>>, vector<1x16xf32>,
        %get3A_1202 = arith.index_cast %add3A_1157 : i32 to index
        %get3A_1203 = arith.constant 64 : index
        %get3A_1204 = tpu.vector_load %arg11[%get3A_1202, %get3A_1203] {strides = array<i32>} : memref<80x128xf32, #tpu.memory_space<vmem>>, vector<1x16xf32>,
        %get3A_1205 = vector.shape_cast %get3A_1204 : vector<1x16xf32> to vector<16xf32>
        %mul3A_1206 = vector.broadcast %squeeze3A_1155 : f32 to vector<16xf32>
        %mul3A_1207 = arith.mulf %get3A_1205, %mul3A_1206 : vector<16xf32>
        %swap3A_1208 = arith.index_cast %add3A_1157 : i32 to index
        %swap3A_1209 = arith.constant 64 : index
        %swap3A_1210 = tpu.vector_load %arg11[%swap3A_1208, %swap3A_1209] {strides = array<i32>} : memref<80x128xf32, #tpu.memory_space<vmem>>, vector<1x16xf32>,
        %swap3A_1211 = vector.shape_cast %swap3A_1210 : vector<1x16xf32> to vector<16xf32>
        %swap3A_1212 = vector.shape_cast %mul3A_1207 : vector<16xf32> to vector<1x16xf32>
        tpu.vector_store %arg11[%swap3A_1208, %swap3A_1209], %swap3A_1212 {strides = array<i32>} : memref<80x128xf32, #tpu.memory_space<vmem>>, vector<1x16xf32>,
        %get3A_1213 = arith.index_cast %add3A_1157 : i32 to index
        %get3A_1214 = arith.constant 80 : index
        %get3A_1215 = tpu.vector_load %arg11[%get3A_1213, %get3A_1214] {strides = array<i32>} : memref<80x128xf32, #tpu.memory_space<vmem>>, vector<1x16xf32>,
        %get3A_1216 = vector.shape_cast %get3A_1215 : vector<1x16xf32> to vector<16xf32>
        %mul3A_1217 = vector.broadcast %squeeze3A_1155 : f32 to vector<16xf32>
        %mul3A_1218 = arith.mulf %get3A_1216, %mul3A_1217 : vector<16xf32>
        %swap3A_1219 = arith.index_cast %add3A_1157 : i32 to index
        %swap3A_1220 = arith.constant 80 : index
        %swap3A_1221 = tpu.vector_load %arg11[%swap3A_1219, %swap3A_1220] {strides = array<i32>} : memref<80x128xf32, #tpu.memory_space<vmem>>, vector<1x16xf32>,
        %swap3A_1222 = vector.shape_cast %swap3A_1221 : vector<1x16xf32> to vector<16xf32>
        %swap3A_1223 = vector.shape_cast %mul3A_1218 : vector<16xf32> to vector<1x16xf32>
        tpu.vector_store %arg11[%swap3A_1219, %swap3A_1220], %swap3A_1223 {strides = array<i32>} : memref<80x128xf32, #tpu.memory_space<vmem>>, vector<1x16xf32>,
        %get3A_1224 = arith.index_cast %add3A_1157 : i32 to index
        %get3A_1225 = arith.constant 96 : index
        %get3A_1226 = tpu.vector_load %arg11[%get3A_1224, %get3A_1225] {strides = array<i32>} : memref<80x128xf32, #tpu.memory_space<vmem>>, vector<1x16xf32>,
        %get3A_1227 = vector.shape_cast %get3A_1226 : vector<1x16xf32> to vector<16xf32>
        %mul3A_1228 = vector.broadcast %squeeze3A_1155 : f32 to vector<16xf32>
        %mul3A_1229 = arith.mulf %get3A_1227, %mul3A_1228 : vector<16xf32>
        %swap3A_1230 = arith.index_cast %add3A_1157 : i32 to index
        %swap3A_1231 = arith.constant 96 : index
        %swap3A_1232 = tpu.vector_load %arg11[%swap3A_1230, %swap3A_1231] {strides = array<i32>} : memref<80x128xf32, #tpu.memory_space<vmem>>, vector<1x16xf32>,
        %swap3A_1233 = vector.shape_cast %swap3A_1232 : vector<1x16xf32> to vector<16xf32>
        %swap3A_1234 = vector.shape_cast %mul3A_1229 : vector<16xf32> to vector<1x16xf32>
        tpu.vector_store %arg11[%swap3A_1230, %swap3A_1231], %swap3A_1234 {strides = array<i32>} : memref<80x128xf32, #tpu.memory_space<vmem>>, vector<1x16xf32>,
        %get3A_1235 = arith.index_cast %add3A_1157 : i32 to index
        %get3A_1236 = arith.constant 112 : index
        %get3A_1237 = tpu.vector_load %arg11[%get3A_1235, %get3A_1236] {strides = array<i32>} : memref<80x128xf32, #tpu.memory_space<vmem>>, vector<1x16xf32>,
        %get3A_1238 = vector.shape_cast %get3A_1237 : vector<1x16xf32> to vector<16xf32>
        %mul3A_1239 = vector.broadcast %squeeze3A_1155 : f32 to vector<16xf32>
        %mul3A_1240 = arith.mulf %get3A_1238, %mul3A_1239 : vector<16xf32>
        %swap3A_1241 = arith.index_cast %add3A_1157 : i32 to index
        %swap3A_1242 = arith.constant 112 : index
        %swap3A_1243 = tpu.vector_load %arg11[%swap3A_1241, %swap3A_1242] {strides = array<i32>} : memref<80x128xf32, #tpu.memory_space<vmem>>, vector<1x16xf32>,
        %swap3A_1244 = vector.shape_cast %swap3A_1243 : vector<1x16xf32> to vector<16xf32>
        %swap3A_1245 = vector.shape_cast %mul3A_1240 : vector<16xf32> to vector<1x16xf32>
        tpu.vector_store %arg11[%swap3A_1241, %swap3A_1242], %swap3A_1245 {strides = array<i32>} : memref<80x128xf32, #tpu.memory_space<vmem>>, vector<1x16xf32>,
        %slice3A_1246 = vector.extract_strided_slice %get3A_52 {offsets = [13], sizes = [1], strides = [1]} : vector<16xf32> to vector<1xf32>
        %squeeze3A_1247 = vector.extract %slice3A_1246[0] : f32 from vector<1xf32>
        %add3A_1248 = arith.constant 13 : i32
        %add3A_1249 = arith.addi %mul3A_50, %add3A_1248 : i32
        %get3A_1250 = arith.index_cast %add3A_1249 : i32 to index
        %get3A_1251 = arith.constant 0 : index
        %get3A_1252 = tpu.vector_load %arg11[%get3A_1250, %get3A_1251] {strides = array<i32>} : memref<80x128xf32, #tpu.memory_space<vmem>>, vector<1x16xf32>,
        %get3A_1253 = vector.shape_cast %get3A_1252 : vector<1x16xf32> to vector<16xf32>
        %mul3A_1254 = vector.broadcast %squeeze3A_1247 : f32 to vector<16xf32>
        %mul3A_1255 = arith.mulf %get3A_1253, %mul3A_1254 : vector<16xf32>
        %swap3A_1256 = arith.index_cast %add3A_1249 : i32 to index
        %swap3A_1257 = arith.constant 0 : index
        %swap3A_1258 = tpu.vector_load %arg11[%swap3A_1256, %swap3A_1257] {strides = array<i32>} : memref<80x128xf32, #tpu.memory_space<vmem>>, vector<1x16xf32>,
        %swap3A_1259 = vector.shape_cast %swap3A_1258 : vector<1x16xf32> to vector<16xf32>
        %swap3A_1260 = vector.shape_cast %mul3A_1255 : vector<16xf32> to vector<1x16xf32>
        tpu.vector_store %arg11[%swap3A_1256, %swap3A_1257], %swap3A_1260 {strides = array<i32>} : memref<80x128xf32, #tpu.memory_space<vmem>>, vector<1x16xf32>,
        %get3A_1261 = arith.index_cast %add3A_1249 : i32 to index
        %get3A_1262 = arith.constant 16 : index
        %get3A_1263 = tpu.vector_load %arg11[%get3A_1261, %get3A_1262] {strides = array<i32>} : memref<80x128xf32, #tpu.memory_space<vmem>>, vector<1x16xf32>,
        %get3A_1264 = vector.shape_cast %get3A_1263 : vector<1x16xf32> to vector<16xf32>
        %mul3A_1265 = vector.broadcast %squeeze3A_1247 : f32 to vector<16xf32>
        %mul3A_1266 = arith.mulf %get3A_1264, %mul3A_1265 : vector<16xf32>
        %swap3A_1267 = arith.index_cast %add3A_1249 : i32 to index
        %swap3A_1268 = arith.constant 16 : index
        %swap3A_1269 = tpu.vector_load %arg11[%swap3A_1267, %swap3A_1268] {strides = array<i32>} : memref<80x128xf32, #tpu.memory_space<vmem>>, vector<1x16xf32>,
        %swap3A_1270 = vector.shape_cast %swap3A_1269 : vector<1x16xf32> to vector<16xf32>
        %swap3A_1271 = vector.shape_cast %mul3A_1266 : vector<16xf32> to vector<1x16xf32>
        tpu.vector_store %arg11[%swap3A_1267, %swap3A_1268], %swap3A_1271 {strides = array<i32>} : memref<80x128xf32, #tpu.memory_space<vmem>>, vector<1x16xf32>,
        %get3A_1272 = arith.index_cast %add3A_1249 : i32 to index
        %get3A_1273 = arith.constant 32 : index
        %get3A_1274 = tpu.vector_load %arg11[%get3A_1272, %get3A_1273] {strides = array<i32>} : memref<80x128xf32, #tpu.memory_space<vmem>>, vector<1x16xf32>,
        %get3A_1275 = vector.shape_cast %get3A_1274 : vector<1x16xf32> to vector<16xf32>
        %mul3A_1276 = vector.broadcast %squeeze3A_1247 : f32 to vector<16xf32>
        %mul3A_1277 = arith.mulf %get3A_1275, %mul3A_1276 : vector<16xf32>
        %swap3A_1278 = arith.index_cast %add3A_1249 : i32 to index
        %swap3A_1279 = arith.constant 32 : index
        %swap3A_1280 = tpu.vector_load %arg11[%swap3A_1278, %swap3A_1279] {strides = array<i32>} : memref<80x128xf32, #tpu.memory_space<vmem>>, vector<1x16xf32>,
        %swap3A_1281 = vector.shape_cast %swap3A_1280 : vector<1x16xf32> to vector<16xf32>
        %swap3A_1282 = vector.shape_cast %mul3A_1277 : vector<16xf32> to vector<1x16xf32>
        tpu.vector_store %arg11[%swap3A_1278, %swap3A_1279], %swap3A_1282 {strides = array<i32>} : memref<80x128xf32, #tpu.memory_space<vmem>>, vector<1x16xf32>,
        %get3A_1283 = arith.index_cast %add3A_1249 : i32 to index
        %get3A_1284 = arith.constant 48 : index
        %get3A_1285 = tpu.vector_load %arg11[%get3A_1283, %get3A_1284] {strides = array<i32>} : memref<80x128xf32, #tpu.memory_space<vmem>>, vector<1x16xf32>,
        %get3A_1286 = vector.shape_cast %get3A_1285 : vector<1x16xf32> to vector<16xf32>
        %mul3A_1287 = vector.broadcast %squeeze3A_1247 : f32 to vector<16xf32>
        %mul3A_1288 = arith.mulf %get3A_1286, %mul3A_1287 : vector<16xf32>
        %swap3A_1289 = arith.index_cast %add3A_1249 : i32 to index
        %swap3A_1290 = arith.constant 48 : index
        %swap3A_1291 = tpu.vector_load %arg11[%swap3A_1289, %swap3A_1290] {strides = array<i32>} : memref<80x128xf32, #tpu.memory_space<vmem>>, vector<1x16xf32>,
        %swap3A_1292 = vector.shape_cast %swap3A_1291 : vector<1x16xf32> to vector<16xf32>
        %swap3A_1293 = vector.shape_cast %mul3A_1288 : vector<16xf32> to vector<1x16xf32>
        tpu.vector_store %arg11[%swap3A_1289, %swap3A_1290], %swap3A_1293 {strides = array<i32>} : memref<80x128xf32, #tpu.memory_space<vmem>>, vector<1x16xf32>,
        %get3A_1294 = arith.index_cast %add3A_1249 : i32 to index
        %get3A_1295 = arith.constant 64 : index
        %get3A_1296 = tpu.vector_load %arg11[%get3A_1294, %get3A_1295] {strides = array<i32>} : memref<80x128xf32, #tpu.memory_space<vmem>>, vector<1x16xf32>,
        %get3A_1297 = vector.shape_cast %get3A_1296 : vector<1x16xf32> to vector<16xf32>
        %mul3A_1298 = vector.broadcast %squeeze3A_1247 : f32 to vector<16xf32>
        %mul3A_1299 = arith.mulf %get3A_1297, %mul3A_1298 : vector<16xf32>
        %swap3A_1300 = arith.index_cast %add3A_1249 : i32 to index
        %swap3A_1301 = arith.constant 64 : index
        %swap3A_1302 = tpu.vector_load %arg11[%swap3A_1300, %swap3A_1301] {strides = array<i32>} : memref<80x128xf32, #tpu.memory_space<vmem>>, vector<1x16xf32>,
        %swap3A_1303 = vector.shape_cast %swap3A_1302 : vector<1x16xf32> to vector<16xf32>
        %swap3A_1304 = vector.shape_cast %mul3A_1299 : vector<16xf32> to vector<1x16xf32>
        tpu.vector_store %arg11[%swap3A_1300, %swap3A_1301], %swap3A_1304 {strides = array<i32>} : memref<80x128xf32, #tpu.memory_space<vmem>>, vector<1x16xf32>,
        %get3A_1305 = arith.index_cast %add3A_1249 : i32 to index
        %get3A_1306 = arith.constant 80 : index
        %get3A_1307 = tpu.vector_load %arg11[%get3A_1305, %get3A_1306] {strides = array<i32>} : memref<80x128xf32, #tpu.memory_space<vmem>>, vector<1x16xf32>,
        %get3A_1308 = vector.shape_cast %get3A_1307 : vector<1x16xf32> to vector<16xf32>
        %mul3A_1309 = vector.broadcast %squeeze3A_1247 : f32 to vector<16xf32>
        %mul3A_1310 = arith.mulf %get3A_1308, %mul3A_1309 : vector<16xf32>
        %swap3A_1311 = arith.index_cast %add3A_1249 : i32 to index
        %swap3A_1312 = arith.constant 80 : index
        %swap3A_1313 = tpu.vector_load %arg11[%swap3A_1311, %swap3A_1312] {strides = array<i32>} : memref<80x128xf32, #tpu.memory_space<vmem>>, vector<1x16xf32>,
        %swap3A_1314 = vector.shape_cast %swap3A_1313 : vector<1x16xf32> to vector<16xf32>
        %swap3A_1315 = vector.shape_cast %mul3A_1310 : vector<16xf32> to vector<1x16xf32>
        tpu.vector_store %arg11[%swap3A_1311, %swap3A_1312], %swap3A_1315 {strides = array<i32>} : memref<80x128xf32, #tpu.memory_space<vmem>>, vector<1x16xf32>,
        %get3A_1316 = arith.index_cast %add3A_1249 : i32 to index
        %get3A_1317 = arith.constant 96 : index
        %get3A_1318 = tpu.vector_load %arg11[%get3A_1316, %get3A_1317] {strides = array<i32>} : memref<80x128xf32, #tpu.memory_space<vmem>>, vector<1x16xf32>,
        %get3A_1319 = vector.shape_cast %get3A_1318 : vector<1x16xf32> to vector<16xf32>
        %mul3A_1320 = vector.broadcast %squeeze3A_1247 : f32 to vector<16xf32>
        %mul3A_1321 = arith.mulf %get3A_1319, %mul3A_1320 : vector<16xf32>
        %swap3A_1322 = arith.index_cast %add3A_1249 : i32 to index
        %swap3A_1323 = arith.constant 96 : index
        %swap3A_1324 = tpu.vector_load %arg11[%swap3A_1322, %swap3A_1323] {strides = array<i32>} : memref<80x128xf32, #tpu.memory_space<vmem>>, vector<1x16xf32>,
        %swap3A_1325 = vector.shape_cast %swap3A_1324 : vector<1x16xf32> to vector<16xf32>
        %swap3A_1326 = vector.shape_cast %mul3A_1321 : vector<16xf32> to vector<1x16xf32>
        tpu.vector_store %arg11[%swap3A_1322, %swap3A_1323], %swap3A_1326 {strides = array<i32>} : memref<80x128xf32, #tpu.memory_space<vmem>>, vector<1x16xf32>,
        %get3A_1327 = arith.index_cast %add3A_1249 : i32 to index
        %get3A_1328 = arith.constant 112 : index
        %get3A_1329 = tpu.vector_load %arg11[%get3A_1327, %get3A_1328] {strides = array<i32>} : memref<80x128xf32, #tpu.memory_space<vmem>>, vector<1x16xf32>,
        %get3A_1330 = vector.shape_cast %get3A_1329 : vector<1x16xf32> to vector<16xf32>
        %mul3A_1331 = vector.broadcast %squeeze3A_1247 : f32 to vector<16xf32>
        %mul3A_1332 = arith.mulf %get3A_1330, %mul3A_1331 : vector<16xf32>
        %swap3A_1333 = arith.index_cast %add3A_1249 : i32 to index
        %swap3A_1334 = arith.constant 112 : index
        %swap3A_1335 = tpu.vector_load %arg11[%swap3A_1333, %swap3A_1334] {strides = array<i32>} : memref<80x128xf32, #tpu.memory_space<vmem>>, vector<1x16xf32>,
        %swap3A_1336 = vector.shape_cast %swap3A_1335 : vector<1x16xf32> to vector<16xf32>
        %swap3A_1337 = vector.shape_cast %mul3A_1332 : vector<16xf32> to vector<1x16xf32>
        tpu.vector_store %arg11[%swap3A_1333, %swap3A_1334], %swap3A_1337 {strides = array<i32>} : memref<80x128xf32, #tpu.memory_space<vmem>>, vector<1x16xf32>,
        %slice3A_1338 = vector.extract_strided_slice %get3A_52 {offsets = [14], sizes = [1], strides = [1]} : vector<16xf32> to vector<1xf32>
        %squeeze3A_1339 = vector.extract %slice3A_1338[0] : f32 from vector<1xf32>
        %add3A_1340 = arith.constant 14 : i32
        %add3A_1341 = arith.addi %mul3A_50, %add3A_1340 : i32
        %get3A_1342 = arith.index_cast %add3A_1341 : i32 to index
        %get3A_1343 = arith.constant 0 : index
        %get3A_1344 = tpu.vector_load %arg11[%get3A_1342, %get3A_1343] {strides = array<i32>} : memref<80x128xf32, #tpu.memory_space<vmem>>, vector<1x16xf32>,
        %get3A_1345 = vector.shape_cast %get3A_1344 : vector<1x16xf32> to vector<16xf32>
        %mul3A_1346 = vector.broadcast %squeeze3A_1339 : f32 to vector<16xf32>
        %mul3A_1347 = arith.mulf %get3A_1345, %mul3A_1346 : vector<16xf32>
        %swap3A_1348 = arith.index_cast %add3A_1341 : i32 to index
        %swap3A_1349 = arith.constant 0 : index
        %swap3A_1350 = tpu.vector_load %arg11[%swap3A_1348, %swap3A_1349] {strides = array<i32>} : memref<80x128xf32, #tpu.memory_space<vmem>>, vector<1x16xf32>,
        %swap3A_1351 = vector.shape_cast %swap3A_1350 : vector<1x16xf32> to vector<16xf32>
        %swap3A_1352 = vector.shape_cast %mul3A_1347 : vector<16xf32> to vector<1x16xf32>
        tpu.vector_store %arg11[%swap3A_1348, %swap3A_1349], %swap3A_1352 {strides = array<i32>} : memref<80x128xf32, #tpu.memory_space<vmem>>, vector<1x16xf32>,
        %get3A_1353 = arith.index_cast %add3A_1341 : i32 to index
        %get3A_1354 = arith.constant 16 : index
        %get3A_1355 = tpu.vector_load %arg11[%get3A_1353, %get3A_1354] {strides = array<i32>} : memref<80x128xf32, #tpu.memory_space<vmem>>, vector<1x16xf32>,
        %get3A_1356 = vector.shape_cast %get3A_1355 : vector<1x16xf32> to vector<16xf32>
        %mul3A_1357 = vector.broadcast %squeeze3A_1339 : f32 to vector<16xf32>
        %mul3A_1358 = arith.mulf %get3A_1356, %mul3A_1357 : vector<16xf32>
        %swap3A_1359 = arith.index_cast %add3A_1341 : i32 to index
        %swap3A_1360 = arith.constant 16 : index
        %swap3A_1361 = tpu.vector_load %arg11[%swap3A_1359, %swap3A_1360] {strides = array<i32>} : memref<80x128xf32, #tpu.memory_space<vmem>>, vector<1x16xf32>,
        %swap3A_1362 = vector.shape_cast %swap3A_1361 : vector<1x16xf32> to vector<16xf32>
        %swap3A_1363 = vector.shape_cast %mul3A_1358 : vector<16xf32> to vector<1x16xf32>
        tpu.vector_store %arg11[%swap3A_1359, %swap3A_1360], %swap3A_1363 {strides = array<i32>} : memref<80x128xf32, #tpu.memory_space<vmem>>, vector<1x16xf32>,
        %get3A_1364 = arith.index_cast %add3A_1341 : i32 to index
        %get3A_1365 = arith.constant 32 : index
        %get3A_1366 = tpu.vector_load %arg11[%get3A_1364, %get3A_1365] {strides = array<i32>} : memref<80x128xf32, #tpu.memory_space<vmem>>, vector<1x16xf32>,
        %get3A_1367 = vector.shape_cast %get3A_1366 : vector<1x16xf32> to vector<16xf32>
        %mul3A_1368 = vector.broadcast %squeeze3A_1339 : f32 to vector<16xf32>
        %mul3A_1369 = arith.mulf %get3A_1367, %mul3A_1368 : vector<16xf32>
        %swap3A_1370 = arith.index_cast %add3A_1341 : i32 to index
        %swap3A_1371 = arith.constant 32 : index
        %swap3A_1372 = tpu.vector_load %arg11[%swap3A_1370, %swap3A_1371] {strides = array<i32>} : memref<80x128xf32, #tpu.memory_space<vmem>>, vector<1x16xf32>,
        %swap3A_1373 = vector.shape_cast %swap3A_1372 : vector<1x16xf32> to vector<16xf32>
        %swap3A_1374 = vector.shape_cast %mul3A_1369 : vector<16xf32> to vector<1x16xf32>
        tpu.vector_store %arg11[%swap3A_1370, %swap3A_1371], %swap3A_1374 {strides = array<i32>} : memref<80x128xf32, #tpu.memory_space<vmem>>, vector<1x16xf32>,
        %get3A_1375 = arith.index_cast %add3A_1341 : i32 to index
        %get3A_1376 = arith.constant 48 : index
        %get3A_1377 = tpu.vector_load %arg11[%get3A_1375, %get3A_1376] {strides = array<i32>} : memref<80x128xf32, #tpu.memory_space<vmem>>, vector<1x16xf32>,
        %get3A_1378 = vector.shape_cast %get3A_1377 : vector<1x16xf32> to vector<16xf32>
        %mul3A_1379 = vector.broadcast %squeeze3A_1339 : f32 to vector<16xf32>
        %mul3A_1380 = arith.mulf %get3A_1378, %mul3A_1379 : vector<16xf32>
        %swap3A_1381 = arith.index_cast %add3A_1341 : i32 to index
        %swap3A_1382 = arith.constant 48 : index
        %swap3A_1383 = tpu.vector_load %arg11[%swap3A_1381, %swap3A_1382] {strides = array<i32>} : memref<80x128xf32, #tpu.memory_space<vmem>>, vector<1x16xf32>,
        %swap3A_1384 = vector.shape_cast %swap3A_1383 : vector<1x16xf32> to vector<16xf32>
        %swap3A_1385 = vector.shape_cast %mul3A_1380 : vector<16xf32> to vector<1x16xf32>
        tpu.vector_store %arg11[%swap3A_1381, %swap3A_1382], %swap3A_1385 {strides = array<i32>} : memref<80x128xf32, #tpu.memory_space<vmem>>, vector<1x16xf32>,
        %get3A_1386 = arith.index_cast %add3A_1341 : i32 to index
        %get3A_1387 = arith.constant 64 : index
        %get3A_1388 = tpu.vector_load %arg11[%get3A_1386, %get3A_1387] {strides = array<i32>} : memref<80x128xf32, #tpu.memory_space<vmem>>, vector<1x16xf32>,
        %get3A_1389 = vector.shape_cast %get3A_1388 : vector<1x16xf32> to vector<16xf32>
        %mul3A_1390 = vector.broadcast %squeeze3A_1339 : f32 to vector<16xf32>
        %mul3A_1391 = arith.mulf %get3A_1389, %mul3A_1390 : vector<16xf32>
        %swap3A_1392 = arith.index_cast %add3A_1341 : i32 to index
        %swap3A_1393 = arith.constant 64 : index
        %swap3A_1394 = tpu.vector_load %arg11[%swap3A_1392, %swap3A_1393] {strides = array<i32>} : memref<80x128xf32, #tpu.memory_space<vmem>>, vector<1x16xf32>,
        %swap3A_1395 = vector.shape_cast %swap3A_1394 : vector<1x16xf32> to vector<16xf32>
        %swap3A_1396 = vector.shape_cast %mul3A_1391 : vector<16xf32> to vector<1x16xf32>
        tpu.vector_store %arg11[%swap3A_1392, %swap3A_1393], %swap3A_1396 {strides = array<i32>} : memref<80x128xf32, #tpu.memory_space<vmem>>, vector<1x16xf32>,
        %get3A_1397 = arith.index_cast %add3A_1341 : i32 to index
        %get3A_1398 = arith.constant 80 : index
        %get3A_1399 = tpu.vector_load %arg11[%get3A_1397, %get3A_1398] {strides = array<i32>} : memref<80x128xf32, #tpu.memory_space<vmem>>, vector<1x16xf32>,
        %get3A_1400 = vector.shape_cast %get3A_1399 : vector<1x16xf32> to vector<16xf32>
        %mul3A_1401 = vector.broadcast %squeeze3A_1339 : f32 to vector<16xf32>
        %mul3A_1402 = arith.mulf %get3A_1400, %mul3A_1401 : vector<16xf32>
        %swap3A_1403 = arith.index_cast %add3A_1341 : i32 to index
        %swap3A_1404 = arith.constant 80 : index
        %swap3A_1405 = tpu.vector_load %arg11[%swap3A_1403, %swap3A_1404] {strides = array<i32>} : memref<80x128xf32, #tpu.memory_space<vmem>>, vector<1x16xf32>,
        %swap3A_1406 = vector.shape_cast %swap3A_1405 : vector<1x16xf32> to vector<16xf32>
        %swap3A_1407 = vector.shape_cast %mul3A_1402 : vector<16xf32> to vector<1x16xf32>
        tpu.vector_store %arg11[%swap3A_1403, %swap3A_1404], %swap3A_1407 {strides = array<i32>} : memref<80x128xf32, #tpu.memory_space<vmem>>, vector<1x16xf32>,
        %get3A_1408 = arith.index_cast %add3A_1341 : i32 to index
        %get3A_1409 = arith.constant 96 : index
        %get3A_1410 = tpu.vector_load %arg11[%get3A_1408, %get3A_1409] {strides = array<i32>} : memref<80x128xf32, #tpu.memory_space<vmem>>, vector<1x16xf32>,
        %get3A_1411 = vector.shape_cast %get3A_1410 : vector<1x16xf32> to vector<16xf32>
        %mul3A_1412 = vector.broadcast %squeeze3A_1339 : f32 to vector<16xf32>
        %mul3A_1413 = arith.mulf %get3A_1411, %mul3A_1412 : vector<16xf32>
        %swap3A_1414 = arith.index_cast %add3A_1341 : i32 to index
        %swap3A_1415 = arith.constant 96 : index
        %swap3A_1416 = tpu.vector_load %arg11[%swap3A_1414, %swap3A_1415] {strides = array<i32>} : memref<80x128xf32, #tpu.memory_space<vmem>>, vector<1x16xf32>,
        %swap3A_1417 = vector.shape_cast %swap3A_1416 : vector<1x16xf32> to vector<16xf32>
        %swap3A_1418 = vector.shape_cast %mul3A_1413 : vector<16xf32> to vector<1x16xf32>
        tpu.vector_store %arg11[%swap3A_1414, %swap3A_1415], %swap3A_1418 {strides = array<i32>} : memref<80x128xf32, #tpu.memory_space<vmem>>, vector<1x16xf32>,
        %get3A_1419 = arith.index_cast %add3A_1341 : i32 to index
        %get3A_1420 = arith.constant 112 : index
        %get3A_1421 = tpu.vector_load %arg11[%get3A_1419, %get3A_1420] {strides = array<i32>} : memref<80x128xf32, #tpu.memory_space<vmem>>, vector<1x16xf32>,
        %get3A_1422 = vector.shape_cast %get3A_1421 : vector<1x16xf32> to vector<16xf32>
        %mul3A_1423 = vector.broadcast %squeeze3A_1339 : f32 to vector<16xf32>
        %mul3A_1424 = arith.mulf %get3A_1422, %mul3A_1423 : vector<16xf32>
        %swap3A_1425 = arith.index_cast %add3A_1341 : i32 to index
        %swap3A_1426 = arith.constant 112 : index
        %swap3A_1427 = tpu.vector_load %arg11[%swap3A_1425, %swap3A_1426] {strides = array<i32>} : memref<80x128xf32, #tpu.memory_space<vmem>>, vector<1x16xf32>,
        %swap3A_1428 = vector.shape_cast %swap3A_1427 : vector<1x16xf32> to vector<16xf32>
        %swap3A_1429 = vector.shape_cast %mul3A_1424 : vector<16xf32> to vector<1x16xf32>
        tpu.vector_store %arg11[%swap3A_1425, %swap3A_1426], %swap3A_1429 {strides = array<i32>} : memref<80x128xf32, #tpu.memory_space<vmem>>, vector<1x16xf32>,
        %slice3A_1430 = vector.extract_strided_slice %get3A_52 {offsets = [15], sizes = [1], strides = [1]} : vector<16xf32> to vector<1xf32>
        %squeeze3A_1431 = vector.extract %slice3A_1430[0] : f32 from vector<1xf32>
        %add3A_1432 = arith.constant 15 : i32
        %add3A_1433 = arith.addi %mul3A_50, %add3A_1432 : i32
        %get3A_1434 = arith.index_cast %add3A_1433 : i32 to index
        %get3A_1435 = arith.constant 0 : index
        %get3A_1436 = tpu.vector_load %arg11[%get3A_1434, %get3A_1435] {strides = array<i32>} : memref<80x128xf32, #tpu.memory_space<vmem>>, vector<1x16xf32>,
        %get3A_1437 = vector.shape_cast %get3A_1436 : vector<1x16xf32> to vector<16xf32>
        %mul3A_1438 = vector.broadcast %squeeze3A_1431 : f32 to vector<16xf32>
        %mul3A_1439 = arith.mulf %get3A_1437, %mul3A_1438 : vector<16xf32>
        %swap3A_1440 = arith.index_cast %add3A_1433 : i32 to index
        %swap3A_1441 = arith.constant 0 : index
        %swap3A_1442 = tpu.vector_load %arg11[%swap3A_1440, %swap3A_1441] {strides = array<i32>} : memref<80x128xf32, #tpu.memory_space<vmem>>, vector<1x16xf32>,
        %swap3A_1443 = vector.shape_cast %swap3A_1442 : vector<1x16xf32> to vector<16xf32>
        %swap3A_1444 = vector.shape_cast %mul3A_1439 : vector<16xf32> to vector<1x16xf32>
        tpu.vector_store %arg11[%swap3A_1440, %swap3A_1441], %swap3A_1444 {strides = array<i32>} : memref<80x128xf32, #tpu.memory_space<vmem>>, vector<1x16xf32>,
        %get3A_1445 = arith.index_cast %add3A_1433 : i32 to index
        %get3A_1446 = arith.constant 16 : index
        %get3A_1447 = tpu.vector_load %arg11[%get3A_1445, %get3A_1446] {strides = array<i32>} : memref<80x128xf32, #tpu.memory_space<vmem>>, vector<1x16xf32>,
        %get3A_1448 = vector.shape_cast %get3A_1447 : vector<1x16xf32> to vector<16xf32>
        %mul3A_1449 = vector.broadcast %squeeze3A_1431 : f32 to vector<16xf32>
        %mul3A_1450 = arith.mulf %get3A_1448, %mul3A_1449 : vector<16xf32>
        %swap3A_1451 = arith.index_cast %add3A_1433 : i32 to index
        %swap3A_1452 = arith.constant 16 : index
        %swap3A_1453 = tpu.vector_load %arg11[%swap3A_1451, %swap3A_1452] {strides = array<i32>} : memref<80x128xf32, #tpu.memory_space<vmem>>, vector<1x16xf32>,
        %swap3A_1454 = vector.shape_cast %swap3A_1453 : vector<1x16xf32> to vector<16xf32>
        %swap3A_1455 = vector.shape_cast %mul3A_1450 : vector<16xf32> to vector<1x16xf32>
        tpu.vector_store %arg11[%swap3A_1451, %swap3A_1452], %swap3A_1455 {strides = array<i32>} : memref<80x128xf32, #tpu.memory_space<vmem>>, vector<1x16xf32>,
        %get3A_1456 = arith.index_cast %add3A_1433 : i32 to index
        %get3A_1457 = arith.constant 32 : index
        %get3A_1458 = tpu.vector_load %arg11[%get3A_1456, %get3A_1457] {strides = array<i32>} : memref<80x128xf32, #tpu.memory_space<vmem>>, vector<1x16xf32>,
        %get3A_1459 = vector.shape_cast %get3A_1458 : vector<1x16xf32> to vector<16xf32>
        %mul3A_1460 = vector.broadcast %squeeze3A_1431 : f32 to vector<16xf32>
        %mul3A_1461 = arith.mulf %get3A_1459, %mul3A_1460 : vector<16xf32>
        %swap3A_1462 = arith.index_cast %add3A_1433 : i32 to index
        %swap3A_1463 = arith.constant 32 : index
        %swap3A_1464 = tpu.vector_load %arg11[%swap3A_1462, %swap3A_1463] {strides = array<i32>} : memref<80x128xf32, #tpu.memory_space<vmem>>, vector<1x16xf32>,
        %swap3A_1465 = vector.shape_cast %swap3A_1464 : vector<1x16xf32> to vector<16xf32>
        %swap3A_1466 = vector.shape_cast %mul3A_1461 : vector<16xf32> to vector<1x16xf32>
        tpu.vector_store %arg11[%swap3A_1462, %swap3A_1463], %swap3A_1466 {strides = array<i32>} : memref<80x128xf32, #tpu.memory_space<vmem>>, vector<1x16xf32>,
        %get3A_1467 = arith.index_cast %add3A_1433 : i32 to index
        %get3A_1468 = arith.constant 48 : index
        %get3A_1469 = tpu.vector_load %arg11[%get3A_1467, %get3A_1468] {strides = array<i32>} : memref<80x128xf32, #tpu.memory_space<vmem>>, vector<1x16xf32>,
        %get3A_1470 = vector.shape_cast %get3A_1469 : vector<1x16xf32> to vector<16xf32>
        %mul3A_1471 = vector.broadcast %squeeze3A_1431 : f32 to vector<16xf32>
        %mul3A_1472 = arith.mulf %get3A_1470, %mul3A_1471 : vector<16xf32>
        %swap3A_1473 = arith.index_cast %add3A_1433 : i32 to index
        %swap3A_1474 = arith.constant 48 : index
        %swap3A_1475 = tpu.vector_load %arg11[%swap3A_1473, %swap3A_1474] {strides = array<i32>} : memref<80x128xf32, #tpu.memory_space<vmem>>, vector<1x16xf32>,
        %swap3A_1476 = vector.shape_cast %swap3A_1475 : vector<1x16xf32> to vector<16xf32>
        %swap3A_1477 = vector.shape_cast %mul3A_1472 : vector<16xf32> to vector<1x16xf32>
        tpu.vector_store %arg11[%swap3A_1473, %swap3A_1474], %swap3A_1477 {strides = array<i32>} : memref<80x128xf32, #tpu.memory_space<vmem>>, vector<1x16xf32>,
        %get3A_1478 = arith.index_cast %add3A_1433 : i32 to index
        %get3A_1479 = arith.constant 64 : index
        %get3A_1480 = tpu.vector_load %arg11[%get3A_1478, %get3A_1479] {strides = array<i32>} : memref<80x128xf32, #tpu.memory_space<vmem>>, vector<1x16xf32>,
        %get3A_1481 = vector.shape_cast %get3A_1480 : vector<1x16xf32> to vector<16xf32>
        %mul3A_1482 = vector.broadcast %squeeze3A_1431 : f32 to vector<16xf32>
        %mul3A_1483 = arith.mulf %get3A_1481, %mul3A_1482 : vector<16xf32>
        %swap3A_1484 = arith.index_cast %add3A_1433 : i32 to index
        %swap3A_1485 = arith.constant 64 : index
        %swap3A_1486 = tpu.vector_load %arg11[%swap3A_1484, %swap3A_1485] {strides = array<i32>} : memref<80x128xf32, #tpu.memory_space<vmem>>, vector<1x16xf32>,
        %swap3A_1487 = vector.shape_cast %swap3A_1486 : vector<1x16xf32> to vector<16xf32>
        %swap3A_1488 = vector.shape_cast %mul3A_1483 : vector<16xf32> to vector<1x16xf32>
        tpu.vector_store %arg11[%swap3A_1484, %swap3A_1485], %swap3A_1488 {strides = array<i32>} : memref<80x128xf32, #tpu.memory_space<vmem>>, vector<1x16xf32>,
        %get3A_1489 = arith.index_cast %add3A_1433 : i32 to index
        %get3A_1490 = arith.constant 80 : index
        %get3A_1491 = tpu.vector_load %arg11[%get3A_1489, %get3A_1490] {strides = array<i32>} : memref<80x128xf32, #tpu.memory_space<vmem>>, vector<1x16xf32>,
        %get3A_1492 = vector.shape_cast %get3A_1491 : vector<1x16xf32> to vector<16xf32>
        %mul3A_1493 = vector.broadcast %squeeze3A_1431 : f32 to vector<16xf32>
        %mul3A_1494 = arith.mulf %get3A_1492, %mul3A_1493 : vector<16xf32>
        %swap3A_1495 = arith.index_cast %add3A_1433 : i32 to index
        %swap3A_1496 = arith.constant 80 : index
        %swap3A_1497 = tpu.vector_load %arg11[%swap3A_1495, %swap3A_1496] {strides = array<i32>} : memref<80x128xf32, #tpu.memory_space<vmem>>, vector<1x16xf32>,
        %swap3A_1498 = vector.shape_cast %swap3A_1497 : vector<1x16xf32> to vector<16xf32>
        %swap3A_1499 = vector.shape_cast %mul3A_1494 : vector<16xf32> to vector<1x16xf32>
        tpu.vector_store %arg11[%swap3A_1495, %swap3A_1496], %swap3A_1499 {strides = array<i32>} : memref<80x128xf32, #tpu.memory_space<vmem>>, vector<1x16xf32>,
        %get3A_1500 = arith.index_cast %add3A_1433 : i32 to index
        %get3A_1501 = arith.constant 96 : index
        %get3A_1502 = tpu.vector_load %arg11[%get3A_1500, %get3A_1501] {strides = array<i32>} : memref<80x128xf32, #tpu.memory_space<vmem>>, vector<1x16xf32>,
        %get3A_1503 = vector.shape_cast %get3A_1502 : vector<1x16xf32> to vector<16xf32>
        %mul3A_1504 = vector.broadcast %squeeze3A_1431 : f32 to vector<16xf32>
        %mul3A_1505 = arith.mulf %get3A_1503, %mul3A_1504 : vector<16xf32>
        %swap3A_1506 = arith.index_cast %add3A_1433 : i32 to index
        %swap3A_1507 = arith.constant 96 : index
        %swap3A_1508 = tpu.vector_load %arg11[%swap3A_1506, %swap3A_1507] {strides = array<i32>} : memref<80x128xf32, #tpu.memory_space<vmem>>, vector<1x16xf32>,
        %swap3A_1509 = vector.shape_cast %swap3A_1508 : vector<1x16xf32> to vector<16xf32>
        %swap3A_1510 = vector.shape_cast %mul3A_1505 : vector<16xf32> to vector<1x16xf32>
        tpu.vector_store %arg11[%swap3A_1506, %swap3A_1507], %swap3A_1510 {strides = array<i32>} : memref<80x128xf32, #tpu.memory_space<vmem>>, vector<1x16xf32>,
        %get3A_1511 = arith.index_cast %add3A_1433 : i32 to index
        %get3A_1512 = arith.constant 112 : index
        %get3A_1513 = tpu.vector_load %arg11[%get3A_1511, %get3A_1512] {strides = array<i32>} : memref<80x128xf32, #tpu.memory_space<vmem>>, vector<1x16xf32>,
        %get3A_1514 = vector.shape_cast %get3A_1513 : vector<1x16xf32> to vector<16xf32>
        %mul3A_1515 = vector.broadcast %squeeze3A_1431 : f32 to vector<16xf32>
        %mul3A_1516 = arith.mulf %get3A_1514, %mul3A_1515 : vector<16xf32>
        %swap3A_1517 = arith.index_cast %add3A_1433 : i32 to index
        %swap3A_1518 = arith.constant 112 : index
        %swap3A_1519 = tpu.vector_load %arg11[%swap3A_1517, %swap3A_1518] {strides = array<i32>} : memref<80x128xf32, #tpu.memory_space<vmem>>, vector<1x16xf32>,
        %swap3A_1520 = vector.shape_cast %swap3A_1519 : vector<1x16xf32> to vector<16xf32>
        %swap3A_1521 = vector.shape_cast %mul3A_1516 : vector<16xf32> to vector<1x16xf32>
        tpu.vector_store %arg11[%swap3A_1517, %swap3A_1518], %swap3A_1521 {strides = array<i32>} : memref<80x128xf32, #tpu.memory_space<vmem>>, vector<1x16xf32>,
        %scan3A_1522 = arith.constant 0 : i32
        scf.yield %scan3A_1522 : i32
      }
      %scan3A_45 = arith.constant 5 : i32
      "tpu.region"() ({
        %run_scoped3A = tpu.sem_alloc : memref<!tpu.dma_semaphore, #tpu.memory_space<semaphore_mem>>
        %dma_start3A_47 = arith.constant 0 : i32
        %dma_start3A_48 = arith.constant 0 : i32
        %dma_start3A_49 = tpu.memref_slice %arg7[%dma_start3A_47, %dma_start3A_48] : memref<10240x128xf32, #tpu.memory_space<vmem_shared>> -> memref<10240x128xf32, #tpu.memory_space<vmem_shared>>
        tpu.enqueue_indirect_dma source(%arg11 : memref<80x128xf32, #tpu.memory_space<vmem>>) target(%dma_start3A_49 : memref<10240x128xf32, #tpu.memory_space<vmem_shared>>) offsets(%arg9 : memref<80xi32, #tpu.memory_space<vmem>>) semaphore(%run_scoped3A : memref<!tpu.dma_semaphore, #tpu.memory_space<semaphore_mem>>) {add = true}
        %dma_wait3A_50 = arith.constant 0 : i32
        %dma_wait3A_51 = arith.constant 0 : i32
        %dma_wait3A_52 = tpu.memref_slice %arg7[%dma_wait3A_50, %dma_wait3A_51] : memref<10240x128xf32, #tpu.memory_space<vmem_shared>> -> memref<10240x128xf32, #tpu.memory_space<vmem_shared>>
        tpu.wait_indirect_dma semaphore(%run_scoped3A : memref<!tpu.dma_semaphore, #tpu.memory_space<semaphore_mem>>) src(%arg11 : memref<80x128xf32, #tpu.memory_space<vmem>>) dst(%dma_wait3A_52 : memref<10240x128xf32, #tpu.memory_space<vmem_shared>>)
        tpu.yield
      }) : () -> ()
      %scan3A_46 = arith.constant 0 : i32
      scf.yield %scan3A_46 : i32
    }
    %scan3A_28 = arith.constant 125 : i32
    %barrier3A_29 = arith.constant 0 : index
    tpu.barrier barrier_id(%barrier3A_29)
    "tpu.region"() ({
      %run_scoped3A = tpu.sem_alloc : memref<!tpu.dma_semaphore, #tpu.memory_space<semaphore_mem>>
      %dma_start3A = arith.constant 0 : i32
      %dma_start3A_30 = tpu.memref_slice %arg6[%arg0, %mul3A_9, %dma_start3A] : memref<2x10240x128xf32, #tpu.memory_space<hbm>> -> memref<1x640x128xf32, #tpu.memory_space<hbm>>
      %dma_start3A_31 = tpu.memref_squeeze %dma_start3A_30 : memref<1x640x128xf32, #tpu.memory_space<hbm>> -> memref<640x128xf32, #tpu.memory_space<hbm>>
      %dma_start3A_32 = arith.constant 0 : i32
      %dma_start3A_33 = tpu.memref_slice %arg7[%mul3A_9, %dma_start3A_32] : memref<10240x128xf32, #tpu.memory_space<vmem_shared>> -> memref<640x128xf32, #tpu.memory_space<vmem_shared>>
      tpu.enqueue_dma source(%dma_start3A_33 : memref<640x128xf32, #tpu.memory_space<vmem_shared>>) target(%dma_start3A_31 : memref<640x128xf32, #tpu.memory_space<hbm>>) target_semaphore(%run_scoped3A : memref<!tpu.dma_semaphore, #tpu.memory_space<semaphore_mem>>)
      %dma_wait3A = arith.constant 0 : i32
      %dma_wait3A_34 = tpu.memref_slice %arg6[%arg0, %mul3A_9, %dma_wait3A] : memref<2x10240x128xf32, #tpu.memory_space<hbm>> -> memref<1x640x128xf32, #tpu.memory_space<hbm>>
      %dma_wait3A_35 = tpu.memref_squeeze %dma_wait3A_34 : memref<1x640x128xf32, #tpu.memory_space<hbm>> -> memref<640x128xf32, #tpu.memory_space<hbm>>
      %dma_wait3A_36 = arith.constant 0 : i32
      %dma_wait3A_37 = tpu.memref_slice %arg7[%mul3A_9, %dma_wait3A_36] : memref<10240x128xf32, #tpu.memory_space<vmem_shared>> -> memref<640x128xf32, #tpu.memory_space<vmem_shared>>
      tpu.wait_dma2 semaphore(%run_scoped3A : memref<!tpu.dma_semaphore, #tpu.memory_space<semaphore_mem>>) src(%dma_wait3A_37 : memref<640x128xf32, #tpu.memory_space<vmem_shared>>) dst(%dma_wait3A_35 : memref<640x128xf32, #tpu.memory_space<hbm>>)
      tpu.yield
    }) : () -> ()
    return
  }
}

module attributes {stable_mosaic.version = 14 : i64} {
  func.func @_add_body(%arg0: i32, %arg1: memref<2x400x128xf32, #tpu.memory_space<vmem>>, %arg2: memref<400x128xf32, #tpu.memory_space<vmem>>) attributes {dimension_semantics = [#tpu.dimension_semantics<arbitrary>], iteration_bounds = array<i64: 25>, scalar_prefetch = 0 : i64, scratch_operands = 0 : i64, tpu.core_type = #tpu.core_type<tc>, window_params = [{transform_indices = @transform_0, window_bounds = array<i64: 2, 400, 128>}, {transform_indices = @transform_1, window_bounds = array<i64: 400, 128>}]} {
    %get3A = arith.constant 0 : index
    %get3A_0 = arith.constant 0 : index
    %get3A_1 = arith.constant 0 : index
    %get3A_2 = vector.load %arg1[%get3A, %get3A_0, %get3A_1] : memref<2x400x128xf32, #tpu.memory_space<vmem>>, vector<1x400x128xf32>
    %get3A_3 = vector.shape_cast %get3A_2 : vector<1x400x128xf32> to vector<400x128xf32>
    %get3A_4 = arith.constant 1 : index
    %get3A_5 = arith.constant 0 : index
    %get3A_6 = arith.constant 0 : index
    %get3A_7 = vector.load %arg1[%get3A_4, %get3A_5, %get3A_6] : memref<2x400x128xf32, #tpu.memory_space<vmem>>, vector<1x400x128xf32>
    %get3A_8 = vector.shape_cast %get3A_7 : vector<1x400x128xf32> to vector<400x128xf32>
    %add3A = arith.addf %get3A_3, %get3A_8 : vector<400x128xf32>
    %swap3A = arith.constant 0 : index
    %swap3A_9 = arith.constant 0 : index
    %swap3A_10 = vector.load %arg2[%swap3A, %swap3A_9] : memref<400x128xf32, #tpu.memory_space<vmem>>, vector<400x128xf32>
    tpu.vector_store %arg2[%swap3A, %swap3A_9], %add3A {strides = array<i32>} : memref<400x128xf32, #tpu.memory_space<vmem>>, vector<400x128xf32>,
    return
  }
  func.func @transform_0(%arg0: i32) -> (i32, i32, i32) {
    %c0_i32 = arith.constant 0 : i32
    %c0_i32_0 = arith.constant 0 : i32
    %c0_i32_1 = arith.constant 0 : i32
    return %c0_i32, %arg0, %c0_i32_0 : i32, i32, i32
  }
  func.func @transform_1(%arg0: i32) -> (i32, i32) {
    %c0_i32 = arith.constant 0 : i32
    %c0_i32_0 = arith.constant 0 : i32
    return %arg0, %c0_i32 : i32, i32
  }
}

module attributes {stable_mosaic.version = 14 : i64} {
  func.func @_matmul_body(%arg0: i32, %arg1: memref<400x128xf32, #tpu.memory_space<vmem>>, %arg2: memref<128x128xf32, #tpu.memory_space<vmem>>, %arg3: memref<400x128xf32, #tpu.memory_space<vmem>>) attributes {dimension_semantics = [#tpu.dimension_semantics<arbitrary>], iteration_bounds = array<i64: 25>, scalar_prefetch = 0 : i64, scratch_operands = 0 : i64, tpu.core_type = #tpu.core_type<tc>, window_params = [{transform_indices = @transform_0, window_bounds = array<i64: 400, 128>}, {pipeline_mode = #tpu.pipeline_mode<synchronous>, transform_indices = @transform_1, window_bounds = array<i64: 128, 128>}, {transform_indices = @transform_2, window_bounds = array<i64: 400, 128>}]} {
    %get3A = arith.constant 0 : index
    %get3A_0 = arith.constant 0 : index
    %get3A_1 = vector.load %arg1[%get3A, %get3A_0] : memref<400x128xf32, #tpu.memory_space<vmem>>, vector<400x128xf32>
    %get3A_2 = arith.constant 0 : index
    %get3A_3 = arith.constant 0 : index
    %get3A_4 = vector.load %arg2[%get3A_2, %get3A_3] : memref<128x128xf32, #tpu.memory_space<vmem>>, vector<128x128xf32>
    %dot_general3A = arith.constant dense<0.000000e+00> : vector<400x128xf32>
    %dot_general3A_5 = tpu.matmul %get3A_1, %get3A_4, %dot_general3A {dimension_numbers = #tpu.dot_dimension_numbers<[1], [0], [0], [1], [0, 0, 1, 1], [], []>, transpose_lhs_hint = false} : vector<400x128xf32>, vector<128x128xf32>, vector<400x128xf32> -> vector<400x128xf32>
    %swap3A = arith.constant 0 : index
    %swap3A_6 = arith.constant 0 : index
    %swap3A_7 = vector.load %arg3[%swap3A, %swap3A_6] : memref<400x128xf32, #tpu.memory_space<vmem>>, vector<400x128xf32>
    tpu.vector_store %arg3[%swap3A, %swap3A_6], %dot_general3A_5 {strides = array<i32>} : memref<400x128xf32, #tpu.memory_space<vmem>>, vector<400x128xf32>,
    return
  }
  func.func @transform_0(%arg0: i32) -> (i32, i32) {
    %c0_i32 = arith.constant 0 : i32
    %c0_i32_0 = arith.constant 0 : i32
    return %arg0, %c0_i32 : i32, i32
  }
  func.func @transform_1(%arg0: i32) -> (i32, i32) {
    %c0_i32 = arith.constant 0 : i32
    %c0_i32_0 = arith.constant 0 : i32
    %c0_i32_1 = arith.constant 0 : i32
    return %c0_i32, %c0_i32_0 : i32, i32
  }
  func.func @transform_2(%arg0: i32) -> (i32, i32) {
    %c0_i32 = arith.constant 0 : i32
    %c0_i32_0 = arith.constant 0 : i32
    return %arg0, %c0_i32 : i32, i32
  }
}

</mosaic_0001>

<sc_bundles>
// kernel: kernel.5.cloned.1.call-start
scs
__scs_entry_jumppad:
0x0: {  	(pc) =	sbr.rel $0x88, $3  }
0x1: {  	(tag) =	ssettag $0x0;
	lr =	simm.s32 $0x1  }
0x2: {  	[smem:$0x3F9D] =	sst lr;
	_ =	strace $0xD0000000  }
0x3: {  	_ = 	snop  }
0x4: {  	_ = 	snop  }
0x5: {  	_ = 	snop  }
0x6: {  	_ = 	snop  }
0x7: {  	_ = 	snop  }
__scs_overlays_trampoline_lowered:
0x8: {  	[smem:$0x3FAC] =	sst s0  }
0x9: {  	[smem:$0x3FAD] =	sst s1  }
0xa: {  	[smem:$0x3FAE] =	sst s2  }
0xb: {  	[smem:$0x3FAF] =	sst s3  }
0xc: {  	[smem:$0x3FB0] =	sst s4  }
0xd: {  	[smem:$0x3FB1] =	sst s5  }
0xe: {  	[smem:$0x3FB2] =	sst s6  }
0xf: {  	[smem:$0x3FB3] =	sst s7  }
0x10: {  	[smem:$0x3FB4] =	sst s8  }
0x11: {  	[smem:$0x3FB5] =	sst s9;
	s0 =	simm.s32 @!p0 $0x0  }
0x12: {  	s1 =	sld [smem:$0x3F9B];
	s0 =	simm.s32 @p0 $0x1  }
0x13: {  	[smem:$0x3FB6] =	sst s0;
	s0 =	simm.s32 @!p1 $0x0  }
0x14: {  	s2 =	sld [smem:$0x3F9A];
	s0 =	simm.s32 @p1 $0x1  }
0x15: {  	[smem:$0x3FB7] =	sst s0;
	s0 =	simm.s32 @!p2 $0x0  }
0x16: {  	s3 =	sld [smem:$0x3FDB];
	s0 =	simm.s32 @p2 $0x1  }
0x17: {  	s4 =	simm.s32 $0x1BF5;
	[smem:$0x3FB9] =	sst s0  }
0x18: {  	s0 =	sld [smem:$0x3F9C];
	_ =	swait.ge [sflag:s4], $0x0  }
0x19: {  	s7 =	sld [smem:$0x3F9D]  }
0x1a: {  	s8 =	sadd.s32 $0xFFFFE003, lr  }
0x1b: {  	s9 =	sadd.s32 $0xFFFFFEF7, lr;
	s5 =	simm.s32 $0xFFFFFFFF;
	p2 =	slt.u32 s8, $0xFFFFF086  }
0x1c: {  	p1 =	slt.u32 s9, $0xF7A;
	s5 =	simm.s32 @!p2 $0x0  }
0x1d: {  	s5 =	simm.s32 @p1 $0x1;
	p0 =	seq.s32 s7, s2  }
0x1e: {  	s7 =	smul.u32 @!p0 $0xF7A, s2;
	p2 =	seq.s32 @!p0 s5, $0x0  }
0x1f: {  	s9 =	smul.u32 $0xF7A, s1;
	s8 =	simm.s32 @!p0 $0x1BF5;
	p2 =	por !p2, p0  }
0x20: {  	[sflag:s8] =	ssyncset.s32 @!p0 $0xFFFFF086;
	s6 =	sadd.s32 @!p0 s3, s7;
	s7 =	simm.s32 @!p0 $0x108  }
0x21: {  	s3 =	sadd.s32 s3, s9;
	s6 =	sadd.s32 @!p0 $0x88, s6;
	s7 =	simm.s32 @p2 $0x1082  }
0x22: {  	[simem:s7], [sflag:s8] =	dma.local @!p0 [hbm:s6], $0xF7A  }
0x23: {  	s9 =	sor.u32 $0xD0000000, s2;
	s6 =	simm.s32 $0x108;
	_ =	swait.ge @!p0 [sflag:s8], $0x0  }
0x24: {  	s3 =	sadd.s32 $0x88, s3;
	s6 =	simm.s32 @!p1 $0x1082;
	[sflag:s4] =	ssyncset.s32 $0xFFFFF086  }
0x25: {  	[simem:s6], [sflag:s4] =	dma.local [hbm:s3], $0xF7A  }
0x26: {  	[smem:$0x3F9D] =	sst s1;
	(tag) =	ssettag s2;
	_ =	strace s9  }
0x27: {  	s1 =	sld [smem:$0x3FAD]  }
0x28: {  	s2 =	sld [smem:$0x3FAE]  }
0x29: {  	s4 =	sld [smem:$0x3FB0]  }
0x2a: {  	p0 =	seq.s32 s5, $0x0;
	s5 =	sld [smem:$0x3FB1]  }
0x2b: {  	s6 =	sld [smem:$0x3FB2]  }
0x2c: {  	s7 =	sld [smem:$0x3FB3]  }
0x2d: {  	s3 =	simm.s32 $0x108;
	s8 =	sld [smem:$0x3FB4]  }
0x2e: {  	s3 =	simm.s32 @!p0 $0x1082;
	s9 =	sld [smem:$0x3FB5]  }
0x2f: {  	lr =	sadd.s32 s0, s3;
	s0 =	sld [smem:$0x3FAC]  }
0x30: {  	s3 =	sld [smem:$0x3FAF]  }
0x31: {  	[smem:$0x3FB8] =	sst s10  }
0x32: {  	s10 =	sld [smem:$0x3FB6];
	_ =	sdelay $0x3  }
0x33: {  	p0 =	seq.s32 s10, $0x1;
	s10 =	sld [smem:$0x3FB8];
	_ =	sdelay $0x3  }
0x34: {  	[smem:$0x3FB8] =	sst s10  }
0x35: {  	s10 =	sld [smem:$0x3FB7];
	_ =	sdelay $0x3  }
0x36: {  	p1 =	seq.s32 s10, $0x1;
	s10 =	sld [smem:$0x3FB8];
	_ =	sdelay $0x3  }
0x37: {  	[smem:$0x3FB8] =	sst s10  }
0x38: {  	s10 =	sld [smem:$0x3FB9]  }
0x39: {  	_ = 	snop;
	(pc) =	sbr.ind lr, $3  }
0x3a: {  	_ = 	snop  }
0x3b: {  	_ = 	snop  }
0x3c: {  	p2 =	seq.s32 s10, $0x1;
	s10 =	sld [smem:$0x3FB8]  }
0x3d: {  	_ =	shalt  }
0x3e: {  	_ =	shalt  }
0x3f: {  	_ =	shalt  }
0x40: {  	_ =	shalt  }
0x41: {  	_ =	shalt  }
0x42: {  	_ =	shalt  }
0x43: {  	_ =	shalt  }
0x44: {  	_ =	shalt  }
0x45: {  	_ =	shalt  }
0x46: {  	_ =	shalt  }
0x47: {  	_ =	shalt  }
0x48: {  	_ =	shalt  }
0x49: {  	_ =	shalt  }
0x4a: {  	_ =	shalt  }
0x4b: {  	_ =	shalt  }
0x4c: {  	_ =	shalt  }
0x4d: {  	_ =	shalt  }
0x4e: {  	_ =	shalt  }
0x4f: {  	_ =	shalt  }
0x50: {  	_ =	shalt  }
0x51: {  	_ =	shalt  }
0x52: {  	_ =	shalt  }
0x53: {  	_ =	shalt  }
0x54: {  	_ =	shalt  }
0x55: {  	_ =	shalt  }
0x56: {  	_ =	shalt  }
0x57: {  	_ =	shalt  }
0x58: {  	_ =	shalt  }
0x59: {  	_ =	shalt  }
0x5a: {  	_ =	shalt  }
0x5b: {  	_ =	shalt  }
0x5c: {  	_ =	shalt  }
0x5d: {  	_ =	shalt  }
0x5e: {  	_ =	shalt  }
0x5f: {  	_ =	shalt  }
0x60: {  	_ =	shalt  }
0x61: {  	_ =	shalt  }
0x62: {  	_ =	shalt  }
0x63: {  	_ =	shalt  }
0x64: {  	_ =	shalt  }
0x65: {  	_ =	shalt  }
0x66: {  	_ =	shalt  }
0x67: {  	_ =	shalt  }
0x68: {  	_ =	shalt  }
0x69: {  	_ =	shalt  }
0x6a: {  	_ =	shalt  }
0x6b: {  	_ =	shalt  }
0x6c: {  	_ =	shalt  }
0x6d: {  	_ =	shalt  }
0x6e: {  	_ =	shalt  }
0x6f: {  	_ =	shalt  }
0x70: {  	_ =	shalt  }
0x71: {  	_ =	shalt  }
0x72: {  	_ =	shalt  }
0x73: {  	_ =	shalt  }
0x74: {  	_ =	shalt  }
0x75: {  	_ =	shalt  }
0x76: {  	_ =	shalt  }
0x77: {  	_ =	shalt  }
0x78: {  	_ =	shalt  }
0x79: {  	_ =	shalt  }
0x7a: {  	_ =	shalt  }
0x7b: {  	_ =	shalt  }
0x7c: {  	_ =	shalt  }
0x7d: {  	_ =	shalt  }
0x7e: {  	_ =	shalt  }
0x7f: {  	_ =	shalt  }
0x80: {  	_ =	shalt  }
0x81: {  	_ =	shalt  }
0x82: {  	_ =	shalt  }
0x83: {  	_ =	shalt  }
0x84: {  	_ =	shalt  }
0x85: {  	_ =	shalt  }
0x86: {  	_ =	shalt  }
0x87: {  	_ =	shalt  }
.Lfunc_end0:
.L_simem_size_0:
called_computation_lowered:
.L_overlay_start_0:
0x88: {  	s2 =	sld [smem:$0x3FD9]  }
0x89: {  	s3 =	sld [smem:$0x3FFE];
	_ =	sdelay $0x1  }
0x8a: {  	s1 =	srdreg.scid  }
0x8b: {  	s0 =	sand.u32 $0x1, s1  }
0x8c: {  	s17 =	sshll.u32 s0, $0xA;
	s2 =	sadd.s32 s3, s2  }
0x8d: {  	s2 =	sadd.s32 s2, s17  }
0x8e: {  	[smem:$0x3FC4] =	sst s2  }
0x8f: {  	_ = 	snop  }
0x90: {  	s2 =	sld [smem:$0x3FC7]  }
0x91: {  	s18 =	sld [smem:$0x3FD0];
	(tm) =	ssettm $0x1  }
0x92: {  	s4 =	sld [smem:$0x3FFB];
	_ =	sdelay $0x3  }
0x93: {  	_ =	strace s4  }
0x94: {  	s4 =	sld [smem:$0x3FFC];
	_ =	sdelay $0x3  }
0x95: {  	_ =	strace s4  }
0x96: {  	s4 =	sld [smem:$0x3FFD];
	_ =	sdelay $0x3  }
0x97: {  	_ =	strace s4  }
0x98: {  	_ =	strace $0x8FFFFFFF  }
0x99: {  	s19 =	sld [smem:$0x3FDB];
	_ =	sdelay $0x1  }
0x9a: {  	s5 =	simm.s32 $_scs_section_size  }
0x9b: {  	s6 =	simm.s32 $_size__tile_overlayer_lowered;
	s7 =	simm.s32 $_tile_overlayer_lowered  }
0x9c: {  	s22 =	simm.s32 $0x1BFF;
	s21 =	sshll.u32 s7, $0x1;
	s4 =	sadd.s32 s5, s19  }
0x9d: {  	s8 =	simm.s32 $0x0;
	s20 =	sshll.u32 s6, $0x1;
	s6 =	sadd.s32 s21, s4  }
0x9e: {  	[timem:s8], [sflag:s22] =	dma.local [hbm:s6], s20  }
0x9f: {  	_ =	swait.ge [sflag:s22], s20  }
0xa0: {  	s5 =	ssub.s32 $0x0, s20;
	[sflag:s22] =	ssyncset.done $0x0  }
0xa1: {  	[sflag:s22] =	ssyncadd.s32 s5;
	_ =	sdelay $0x1  }
0xa2: {  	s23 =	simm.s32 $0x1B8B  }
0xa3: {  	_ =	swait.ge [sflag:s23], $0x1  }
0xa4: {  	[sflag:s23] =	ssyncset.done $0x0  }
0xa5: {  	s25 =	simm.s32 $0x1B8E;
	s24 =	sld [smem:$0x3FFE];
	[sflag:s23] =	ssyncadd.s32 $0xFFFFFFFF  }
0xa6: {  	s26 =	simm.s32 $execute0_lowered;
	[smem:$0x3FD2] =	sst s25  }
0xa7: {  	s6 =	sshll.u32 s26, $0x1;
	_ =	strace $0x80000046;
	[dreg:$0x1] =	wrdreg $0xFFFFFFFF  }
0xa8: {  	s28 =	simm.s32 $_size_execute0_lowered;
	s4 =	sadd.s32 s4, s6;
	[dreg:$0x0] =	wrdreg $0x0  }
0xa9: {  	s6 =	sshll.u32 s28, $0x1;
	[dreg:$0x2] =	wrdreg s4  }
0xaa: {  	[dreg:$0x3] =	wrdreg s6  }
0xab: {  	[dreg:$0x4] =	wrdreg $0xC0  }
0xac: {  	_ =	task [dreg:s8], $0x5FFFF  }
0xad: {  	[dreg:$0x1] =	wrdreg $0xFFFFFFFF  }
0xae: {  	[dreg:$0x0] =	wrdreg $0x60  }
0xaf: {  	[dreg:$0x2] =	wrdreg s18  }
0xb0: {  	[dreg:$0x3] =	wrdreg s24  }
0xb1: {  	[dreg:$0x4] =	wrdreg s2  }
0xb2: {  	[dreg:$0x5] =	wrdreg $0x0  }
0xb3: {  	[dreg:$0x6] =	wrdreg $0x9  }
0xb4: {  	_ =	task.clear_ibuf [dreg:s8], $0x7FFFF;
	_ =	strace $0x90000046  }
0xb5: {  	s29 =	simm.s32 $0x9;
	_ =	strace $0x80000048  }
0xb6: {  	_ =	swait.ge [sflag:s29], $0x1  }
0xb7: {  	[sflag:s29] =	ssyncadd.s32 $0xFFFFFFFF  }
0xb8: {  	_ =	strace $0x90000048  }
0xb9: {  	_ =	sfence  }
0xba: {  	s30 =	sld [smem:$0x0];
	_ =	sdelay $0x2  }
0xbb: {  	s31 =	sshll.u32 s1, $0xD;
	s1 =	sshrl.u32 s1, $0x2  }
0xbc: {  	s3 =	sand.u32 $0x4000, s31;
	s1 =	sadd.s32 s1, s30  }
0xbd: {  	s0 =	sor.u32 s3, s0;
	s1 =	sshll.u32 s1, $0x11  }
0xbe: {  	s0 =	sor.u32 s1, s0  }
0xbf: {  	s0 =	sadd.s32 $0x8F2B, s0  }
0xc0: {  	[sflag:s0] =	ssyncadd.remote.s32 $0x1  }
0xc1: {  	_ =	sfence.sel $0xFFFF  }
0xc2: {  	[dreg:$0x0] =	wrdreg $0xFFFFFFFF;
	(pc) =	sbr.abs _section_cstart, $3  }
0xc3: {  	[dreg:$0x1] =	wrdreg $0xFFFFFFFF  }
0xc4: {  	_ =	task.clear_ibuf [dreg:s8], $0x2FFFF;
	_ =	strace $0x9FFFFFFF  }
0xc5: {  	(tm) =	ssettm $0x7FFFFFFF  }
tec
execute0_lowered:
.L_overlay_start_1:
0x0: {  	(tag) =	ssettag $0x1  }
0x1: {  	s0 =	rddreg [dreg:$0x0]  }
0x2: {  	s8 =	rddreg [dreg:$0x1]  }
0x3: {  	s3 =	rddreg [dreg:$0x2];
	s1 =	srdreg.scid  }
0x4: {  	s4 =	rddreg [dreg:$0x3];
	s2 =	stileid.u32  }
0x5: {  	s5 =	simm.s32 $0x0;
	s16 =	simm.s32 $0x16980;
	s17 =	simm.s32 $0x2  }
0x6: {  	s18 =	simm.s32 $0x14000;
	s19 =	simm.s32 $0x14080;
	s20 =	simm.s32 $0x14100  }
0x7: {  	s21 =	simm.s32 $0x50;
	s22 =	simm.s32 $0x14180;
	s23 =	simm.s32 $0x1  }
0x8: {  	s9 =	sand.u32 $0x1, s1;
	s1 =	rddreg [dreg:$0x4];
	s7 =	smul.u32 $0x14000, s2  }
0x9: {  	s24 =	simm.s32 $0x0;
	[smem:$0x7FF] =	sst s5;
	s11 =	smul.u32 $0x50000, s2  }
0xa: {  	s12 =	sshll.u32 s2, $0x1;
	s6 =	smul.u32 $0x140000, s9;
	_ =	strace $0x80000047  }
0xb: {  	s29 =	ssub.s32 $0x2, s9;
	s13 =	sor.u32 s9, s12;
	s30 =	sshrl.u32 s11, $0x2  }
0xc: {  	s31 =	sshrl.u32 s29, $0x1;
	s13 =	smul.u32 $0x2710, s13;
	s10 =	sadd.s32 s7, s6  }
0xd: {  	s6 =	sadd.s32 $0xA000, s8;
	s7 =	sadd.s32 $0x200, s8;
	s10 =	sshrl.u32 s10, $0x3  }
0xe: {  	s15 =	ssub.s32 s29, s31;
	s14 =	sadd.s32 s10, s8;
	s8 =	sadd.s32 s30, s4  }
0xf: {  	s15 =	smax.u32 s15, $0x1;
	s9 =	sadd.s32 $0x4000, s8;
	s10 =	sadd.s32 $0x8000, s8  }
0x10: {  	v0 =	vimm.f32 $0.0e+00;
	s11 =	sadd.s32 $0xC000, s8;
	s12 =	sadd.s32 $0x10000, s8;
	s14 =	sadd.s32 $0x13E00, s14  }
.LBB2_1:
0x11: {  	s25 =	sand.u32 $0xFE00, s5  }
0x12: {  	s26 =	sand.u32 $0x70, s5;
	s28 =	sshrl.u32 s25, $0x2  }
0x13: {  	s25 =	simm.s32 $0x40;
	s28 =	sor.u32 s26, s28;
	s26 =	simm.s32 $0x0  }
.LBB2_2:
0x14: {  	p0 =	sne.s32 s25, $0xFFC0  }
0x15: {  	[tilespmem:s28+$0x16980] =	vst v0;
	s26 =	sadd.s32 $0x10, s26;
	s28 =	smov.u32 s25;
	s25 =	sadd.s32 $0x40, s25  }
.Ltmp0:
0x16: {  	(pc) =	sbr.rel @p0 .LBB2_2-.Ltmp0, $4  }
0x17: {  	_ = 	snop  }
0x18: {  	s28 =	sand.u32 $0xFE00, s28  }
0x19: {  	s29 =	sand.u32 $0x70, s26;
	s28 =	sshrl.u32 s28, $0x2  }
0x1a: {  	s28 =	sor.u32 s29, s28  }
0x1b: {  	[tilespmem:s28+$0x16980] =	vst v0  }
0x1c: {  	[spmem:s8] =	stream.linear.scatter [tilespmem:s16], [sflag:$0x2], $0x4000, $0x38;
	[tilespmem:$0x1A980] =	vst v63  }
0x1d: {  	_ =	swait.ge [sflag:s17], $0x4000  }
0x1e: {  	[sflag:s17] =	ssyncset.done $0x0  }
0x1f: {  	[sflag:s17] =	ssyncadd.s32 $0xFFFFC000  }
0x20: {  	[spmem:s9] =	stream.linear.scatter [tilespmem:s16], [sflag:$0x2], $0x4000, $0x38;
	[tilespmem:$0x1A980] =	vst v63  }
0x21: {  	_ =	swait.ge [sflag:s17], $0x4000  }
0x22: {  	[sflag:s17] =	ssyncset.done $0x0  }
0x23: {  	[sflag:s17] =	ssyncadd.s32 $0xFFFFC000  }
0x24: {  	[spmem:s10] =	stream.linear.scatter [tilespmem:s16], [sflag:$0x2], $0x4000, $0x38;
	[tilespmem:$0x1A980] =	vst v63  }
0x25: {  	_ =	swait.ge [sflag:s17], $0x4000  }
0x26: {  	[sflag:s17] =	ssyncset.done $0x0  }
0x27: {  	[sflag:s17] =	ssyncadd.s32 $0xFFFFC000  }
0x28: {  	[spmem:s11] =	stream.linear.scatter [tilespmem:s16], [sflag:$0x2], $0x4000, $0x38;
	[tilespmem:$0x1A980] =	vst v63  }
0x29: {  	_ =	swait.ge [sflag:s17], $0x4000  }
0x2a: {  	[sflag:s17] =	ssyncset.done $0x0  }
0x2b: {  	[sflag:s17] =	ssyncadd.s32 $0xFFFFC000  }
0x2c: {  	[spmem:s12] =	stream.linear.scatter [tilespmem:s16], [sflag:$0x2], $0x4000, $0x38;
	[tilespmem:$0x1A980] =	vst v63  }
0x2d: {  	_ =	swait.ge [sflag:s17], $0x4000  }
0x2e: {  	[sflag:s17] =	ssyncset.done $0x0  }
0x2f: {  	[sflag:s17] =	ssyncadd.s32 $0xFFFFC000  }
0x30: {  	s25 =	simm.s32 $0x0;
	s26 =	simm.s32 $0x0;
	[bflag:$0x0] =	sbarrier.arrive $0xFFFF  }
.LBB2_4:
0x31: {  	s28 =	smul.u32 $0x50, s26;
	_ =	sdelay $0x1  }
0x32: {  	s28 =	sadd.s32 s13, s28  }
0x33: {  	s28 =	sshrl.u32 s28, $0x3  }
0x34: {  	s29 =	sadd.s32 s6, s28  }
0x35: {  	[tilespmem:s18], [sflag:$0x2] =	stream.linear.gather [hbm4b:s29+s25], $0x50, $0x38;
	[tilespmem:$0x1A980] =	vst v63  }
0x36: {  	_ =	swait.ge [sflag:s17], $0x50  }
0x37: {  	[sflag:s17] =	ssyncset.done $0x0  }
0x38: {  	s29 =	sadd.s32 s7, s28;
	[sflag:s17] =	ssyncadd.s32 $0xFFFFFFB0  }
0x39: {  	[tilespmem:s19], [sflag:$0x2] =	stream.linear.gather [hbm4b:s29+s25], $0x50, $0x38;
	[tilespmem:$0x1A980] =	vst v63  }
0x3a: {  	_ =	swait.ge [sflag:s17], $0x50  }
0x3b: {  	[sflag:s17] =	ssyncset.done $0x0  }
0x3c: {  	s28 =	sadd.s32 s3, s28;
	[sflag:s17] =	ssyncadd.s32 $0xFFFFFFB0  }
0x3d: {  	[tilespmem:s20], [sflag:$0x2] =	stream.linear.gather [hbm4b:s28+s25], $0x50, $0x38;
	[tilespmem:$0x1A980] =	vst v63  }
0x3e: {  	_ =	swait.ge [sflag:s17], $0x50  }
0x3f: {  	[sflag:s17] =	ssyncset.done $0x0  }
0x40: {  	[sflag:s17] =	ssyncadd.s32 $0xFFFFFFB0  }
0x41: {  	[tilespmem:s22], [sflag:$0x1] =	stream.indirect.gather [hbm4b:s0+s21], $0x80, s18, s21, $0xb8;
	[tilespmem:$0x1A980] =	vst v63  }
0x42: {  	_ =	swait.ge [sflag:s23], $0x2800  }
0x43: {  	s28 =	simm.s32 $0x0;
	[sflag:s23] =	ssyncset.done $0x0  }
0x44: {  	s28 =	sand.u32 $0x3FFFFFF0, s28;
	[sflag:s23] =	ssyncadd.s32 $0xFFFFD800  }
0x45: {  	s29 =	simm.s32 $0x0;
	v1 =	vld [tilespmem:s28+$0x14100]  }
0x46: {  	s28 =	sand.u32 $0x3FFFF800, s29  }
0x47: {  	v3 =	vld [tilespmem:s28+$0x141A0]  }
0x48: {  	v4 =	vld [tilespmem:s28+$0x141B0]  }
0x49: {  	v10 =	vld [tilespmem:s28+$0x141E0]  }
0x4a: {  	v11 =	vld [tilespmem:s28+$0x141F0];
	v2 =	vbroadcast v1, $0x0  }
0x4b: {  	v12 =	vld [tilespmem:s28+$0x14200]  }
0x4c: {  	v13 =	vld [tilespmem:s28+$0x14210];
	v3 =	vmul.f32 v3, v2  }
0x4d: {  	v14 =	vld [tilespmem:s28+$0x14220];
	v4 =	vmul.f32 v4, v2  }
0x4e: {  	v9 =	vld [tilespmem:s28+$0x14230];
	v23 =	vbroadcast v1, $0x1;
	v22 =	vmul.f32 v10, v2;
	[tilespmem:s28+$0x141A0] =	vst v3  }
0x4f: {  	v7 =	vld [tilespmem:s28+$0x14240];
	v11 =	vmul.f32 v11, v2;
	[tilespmem:s28+$0x141B0] =	vst v4  }
0x50: {  	v8 =	vld [tilespmem:s28+$0x14250];
	v12 =	vmul.f32 v12, v23;
	[tilespmem:s28+$0x141E0] =	vst v22  }
0x51: {  	v25 =	vld [tilespmem:s28+$0x14270];
	v13 =	vmul.f32 v13, v23;
	[tilespmem:s28+$0x141F0] =	vst v11  }
0x52: {  	v26 =	vld [tilespmem:s28+$0x14280];
	v14 =	vmul.f32 v14, v23;
	[tilespmem:s28+$0x14200] =	vst v12  }
0x53: {  	v27 =	vld [tilespmem:s28+$0x14290];
	v9 =	vmul.f32 v9, v23;
	[tilespmem:s28+$0x14210] =	vst v13  }
0x54: {  	v6 =	vld [tilespmem:s28+$0x146F0];
	v7 =	vmul.f32 v7, v23;
	[tilespmem:s28+$0x14220] =	vst v14  }
0x55: {  	v24 =	vld [tilespmem:s28+$0x14260];
	v15 =	vbroadcast v1, $0x2;
	v8 =	vmul.f32 v8, v23;
	[tilespmem:s28+$0x14230] =	vst v9  }
0x56: {  	v28 =	vld [tilespmem:s28+$0x142A0];
	v10 =	vmul.f32 v25, v23;
	[tilespmem:s28+$0x14240] =	vst v7  }
0x57: {  	v29 =	vld [tilespmem:s28+$0x142B0];
	v5 =	vbroadcast v1, $0xA;
	v32 =	vmul.f32 v26, v15;
	[tilespmem:s28+$0x14250] =	vst v8  }
0x58: {  	v30 =	vld [tilespmem:s28+$0x142C0];
	v34 =	vmul.f32 v27, v15;
	[tilespmem:s28+$0x14270] =	vst v10  }
0x59: {  	v33 =	vld [tilespmem:s28+$0x142E0];
	v3 =	vmul.f32 v6, v5;
	[tilespmem:s28+$0x14280] =	vst v32  }
0x5a: {  	v35 =	vld [tilespmem:s28+$0x142F0];
	v11 =	vmul.f32 v24, v23;
	[tilespmem:s28+$0x14290] =	vst v34  }
0x5b: {  	v36 =	vld [tilespmem:s28+$0x14300];
	v9 =	vmul.f32 v28, v15;
	[tilespmem:s28+$0x146F0] =	vst v3  }
0x5c: {  	v31 =	vld [tilespmem:s28+$0x142D0];
	v7 =	vmul.f32 v29, v15;
	[tilespmem:s28+$0x14260] =	vst v11  }
0x5d: {  	v37 =	vld [tilespmem:s28+$0x14310];
	v8 =	vmul.f32 v30, v15;
	[tilespmem:s28+$0x142A0] =	vst v9  }
0x5e: {  	v38 =	vld [tilespmem:s28+$0x14320];
	v41 =	vbroadcast v1, $0x3;
	v10 =	vmul.f32 v33, v15;
	[tilespmem:s28+$0x142B0] =	vst v7  }
0x5f: {  	v39 =	vld [tilespmem:s28+$0x14330];
	v12 =	vmul.f32 v35, v15;
	[tilespmem:s28+$0x142C0] =	vst v8  }
0x60: {  	v42 =	vld [tilespmem:s28+$0x14350];
	v13 =	vmul.f32 v36, v41;
	[tilespmem:s28+$0x142E0] =	vst v10  }
0x61: {  	v43 =	vld [tilespmem:s28+$0x14360];
	v11 =	vmul.f32 v31, v15;
	[tilespmem:s28+$0x142F0] =	vst v12  }
0x62: {  	v44 =	vld [tilespmem:s28+$0x14370];
	v9 =	vmul.f32 v37, v41;
	[tilespmem:s28+$0x14300] =	vst v13  }
0x63: {  	v40 =	vld [tilespmem:s28+$0x14340];
	v7 =	vmul.f32 v38, v41;
	[tilespmem:s28+$0x142D0] =	vst v11  }
0x64: {  	v45 =	vld [tilespmem:s28+$0x14380];
	v8 =	vmul.f32 v39, v41;
	[tilespmem:s28+$0x14310] =	vst v9  }
0x65: {  	v46 =	vld [tilespmem:s28+$0x14390];
	v10 =	vmul.f32 v42, v41;
	[tilespmem:s28+$0x14320] =	vst v7  }
0x66: {  	v47 =	vld [tilespmem:s28+$0x143A0];
	v12 =	vmul.f32 v43, v41;
	[tilespmem:s28+$0x14330] =	vst v8  }
0x67: {  	v49 =	vld [tilespmem:s28+$0x143C0];
	v50 =	vbroadcast v1, $0x4;
	v13 =	vmul.f32 v44, v41;
	[tilespmem:s28+$0x14350] =	vst v10  }
0x68: {  	v51 =	vld [tilespmem:s28+$0x143D0];
	v11 =	vmul.f32 v40, v41;
	[tilespmem:s28+$0x14360] =	vst v12  }
0x69: {  	v52 =	vld [tilespmem:s28+$0x143E0];
	v9 =	vmul.f32 v45, v50;
	[tilespmem:s28+$0x14370] =	vst v13  }
0x6a: {  	v48 =	vld [tilespmem:s28+$0x143B0];
	v7 =	vmul.f32 v46, v50;
	[tilespmem:s28+$0x14340] =	vst v11  }
0x6b: {  	v53 =	vld [tilespmem:s28+$0x143F0];
	v8 =	vmul.f32 v47, v50;
	[tilespmem:s28+$0x14380] =	vst v9  }
0x6c: {  	v54 =	vld [tilespmem:s28+$0x14400];
	v10 =	vmul.f32 v49, v50;
	[tilespmem:s28+$0x14390] =	vst v7  }
0x6d: {  	v55 =	vld [tilespmem:s28+$0x14410];
	v12 =	vmul.f32 v51, v50;
	[tilespmem:s28+$0x143A0] =	vst v8  }
0x6e: {  	v57 =	vld [tilespmem:s28+$0x14430];
	v13 =	vmul.f32 v52, v50;
	[tilespmem:s28+$0x143C0] =	vst v10  }
0x6f: {  	v58 =	vld [tilespmem:s28+$0x14440];
	v59 =	vbroadcast v1, $0x5;
	v11 =	vmul.f32 v48, v50;
	[tilespmem:s28+$0x143D0] =	vst v12  }
0x70: {  	v60 =	vld [tilespmem:s28+$0x14450];
	v9 =	vmul.f32 v53, v50;
	[tilespmem:s28+$0x143E0] =	vst v13  }
0x71: {  	v56 =	vld [tilespmem:s28+$0x14420];
	v7 =	vmul.f32 v54, v59;
	[tilespmem:s28+$0x143B0] =	vst v11  }
0x72: {  	v61 =	vld [tilespmem:s28+$0x14460];
	v8 =	vmul.f32 v55, v59;
	[tilespmem:s28+$0x143F0] =	vst v9  }
0x73: {  	v62 =	vld [tilespmem:s28+$0x14470];
	v10 =	vmul.f32 v57, v59;
	[tilespmem:s28+$0x14400] =	vst v7  }
0x74: {  	v63 =	vld [tilespmem:s28+$0x14480];
	v12 =	vmul.f32 v58, v59;
	[tilespmem:s28+$0x14410] =	vst v8  }
0x75: {  	v19 =	vld [tilespmem:s28+$0x144A0];
	v13 =	vmul.f32 v60, v59;
	[tilespmem:s28+$0x14430] =	vst v10  }
0x76: {  	v20 =	vld [tilespmem:s28+$0x144B0];
	v11 =	vmul.f32 v56, v59;
	[tilespmem:s28+$0x14440] =	vst v12  }
0x77: {  	v21 =	vld [tilespmem:s28+$0x144C0];
	v22 =	vbroadcast v1, $0x6;
	v9 =	vmul.f32 v61, v59;
	[tilespmem:s28+$0x14450] =	vst v13  }
0x78: {  	v18 =	vld [tilespmem:s28+$0x14490];
	v7 =	vmul.f32 v62, v59;
	[tilespmem:s28+$0x14420] =	vst v11  }
0x79: {  	v23 =	vld [tilespmem:s28+$0x144D0];
	v8 =	vmul.f32 v63, v22;
	[tilespmem:s28+$0x14460] =	vst v9  }
0x7a: {  	v24 =	vld [tilespmem:s28+$0x144E0];
	v10 =	vmul.f32 v19, v22;
	[tilespmem:s28+$0x14470] =	vst v7  }
0x7b: {  	v25 =	vld [tilespmem:s28+$0x144F0];
	v12 =	vmul.f32 v20, v22;
	[tilespmem:s28+$0x14480] =	vst v8  }
0x7c: {  	v27 =	vld [tilespmem:s28+$0x14510];
	v13 =	vmul.f32 v21, v22;
	[tilespmem:s28+$0x144A0] =	vst v10  }
0x7d: {  	v28 =	vld [tilespmem:s28+$0x14520];
	v11 =	vmul.f32 v18, v22;
	[tilespmem:s28+$0x144B0] =	vst v12  }
0x7e: {  	v29 =	vld [tilespmem:s28+$0x14530];
	v9 =	vmul.f32 v23, v22;
	[tilespmem:s28+$0x144C0] =	vst v13  }
0x7f: {  	v31 =	vbroadcast v1, $0x7;
	v53 =	vld [tilespmem:s28+$0x14680];
	v7 =	vmul.f32 v24, v22;
	[tilespmem:s28+$0x14490] =	vst v11  }
0x80: {  	v57 =	vld [tilespmem:s28+$0x146C0];
	v8 =	vmul.f32 v25, v22;
	[tilespmem:s28+$0x144D0] =	vst v9  }
0x81: {  	v58 =	vld [tilespmem:s28+$0x146D0];
	v10 =	vmul.f32 v27, v31;
	[tilespmem:s28+$0x144E0] =	vst v7  }
0x82: {  	v26 =	vld [tilespmem:s28+$0x14500];
	v12 =	vmul.f32 v28, v31;
	[tilespmem:s28+$0x144F0] =	vst v8  }
0x83: {  	v30 =	vld [tilespmem:s28+$0x14540];
	v13 =	vmul.f32 v29, v31;
	[tilespmem:s28+$0x14510] =	vst v10  }
0x84: {  	v32 =	vld [tilespmem:s28+$0x14550];
	v59 =	vmul.f32 v53, v5;
	[tilespmem:s28+$0x14520] =	vst v12  }
0x85: {  	v33 =	vld [tilespmem:s28+$0x14560];
	v18 =	vmul.f32 v57, v5;
	[tilespmem:s28+$0x14530] =	vst v13  }
0x86: {  	v35 =	vld [tilespmem:s28+$0x14580];
	v20 =	vmul.f32 v58, v5;
	[tilespmem:s28+$0x14680] =	vst v59  }
0x87: {  	v36 =	vld [tilespmem:s28+$0x14590];
	v11 =	vmul.f32 v26, v31;
	[tilespmem:s28+$0x146C0] =	vst v18  }
0x88: {  	v37 =	vld [tilespmem:s28+$0x145A0];
	v9 =	vmul.f32 v30, v31;
	[tilespmem:s28+$0x146D0] =	vst v20  }
0x89: {  	v4 =	vld [tilespmem:s28+$0x14700];
	v40 =	vbroadcast v1, $0x8;
	v7 =	vmul.f32 v32, v31;
	[tilespmem:s28+$0x14500] =	vst v11  }
0x8a: {  	v6 =	vld [tilespmem:s28+$0x14710];
	v8 =	vmul.f32 v33, v31;
	[tilespmem:s28+$0x14540] =	vst v9  }
0x8b: {  	v3 =	vld [tilespmem:s28+$0x14950];
	v10 =	vmul.f32 v35, v40;
	[tilespmem:s28+$0x14550] =	vst v7  }
0x8c: {  	v61 =	vld [tilespmem:s28+$0x14180];
	v23 =	vbroadcast v1, $0xB;
	v12 =	vmul.f32 v36, v40;
	[tilespmem:s28+$0x14560] =	vst v8  }
0x8d: {  	v34 =	vld [tilespmem:s28+$0x14570];
	v13 =	vmul.f32 v37, v40;
	[tilespmem:s28+$0x14580] =	vst v10  }
0x8e: {  	v38 =	vld [tilespmem:s28+$0x145B0];
	v27 =	vbroadcast v1, $0xF;
	v4 =	vmul.f32 v4, v23;
	[tilespmem:s28+$0x14590] =	vst v12  }
0x8f: {  	v39 =	vld [tilespmem:s28+$0x145C0];
	v6 =	vmul.f32 v6, v23;
	[tilespmem:s28+$0x145A0] =	vst v13  }
0x90: {  	v41 =	vld [tilespmem:s28+$0x145D0];
	v3 =	vmul.f32 v3, v27;
	[tilespmem:s28+$0x14700] =	vst v4  }
0x91: {  	v43 =	vld [tilespmem:s28+$0x145F0];
	v24 =	vmul.f32 v2, v61;
	[tilespmem:s28+$0x14710] =	vst v6  }
0x92: {  	v44 =	vld [tilespmem:s28+$0x14600];
	v11 =	vmul.f32 v34, v31;
	[tilespmem:s28+$0x14950] =	vst v3  }
0x93: {  	v45 =	vld [tilespmem:s28+$0x14610];
	v9 =	vmul.f32 v38, v40;
	[tilespmem:s28+$0x14180] =	vst v24  }
0x94: {  	v63 =	vld [tilespmem:s28+$0x141C0];
	v7 =	vmul.f32 v39, v40;
	[tilespmem:s28+$0x14570] =	vst v11  }
0x95: {  	v49 =	vbroadcast v1, $0x9;
	v29 =	vld [tilespmem:s28+$0x14770];
	v8 =	vmul.f32 v41, v40;
	[tilespmem:s28+$0x145B0] =	vst v9  }
0x96: {  	v42 =	vld [tilespmem:s28+$0x145E0];
	v10 =	vmul.f32 v43, v40;
	[tilespmem:s28+$0x145C0] =	vst v7  }
0x97: {  	v46 =	vld [tilespmem:s28+$0x14620];
	v12 =	vmul.f32 v44, v49;
	[tilespmem:s28+$0x145D0] =	vst v8  }
0x98: {  	v47 =	vld [tilespmem:s28+$0x14630];
	v13 =	vmul.f32 v45, v49;
	[tilespmem:s28+$0x145F0] =	vst v10  }
0x99: {  	v48 =	vld [tilespmem:s28+$0x14640];
	v3 =	vmul.f32 v63, v2;
	[tilespmem:s28+$0x14600] =	vst v12  }
0x9a: {  	v51 =	vld [tilespmem:s28+$0x14660];
	v6 =	vmul.f32 v29, v23;
	[tilespmem:s28+$0x14610] =	vst v13  }
0x9b: {  	v52 =	vld [tilespmem:s28+$0x14670];
	v11 =	vmul.f32 v42, v40;
	[tilespmem:s28+$0x141C0] =	vst v3  }
0x9c: {  	v28 =	vld [tilespmem:s28+$0x14760];
	v9 =	vmul.f32 v46, v49;
	[tilespmem:s28+$0x14770] =	vst v6  }
0x9d: {  	v26 =	vld [tilespmem:s28+$0x14750];
	v7 =	vmul.f32 v47, v49;
	[tilespmem:s28+$0x145E0] =	vst v11  }
0x9e: {  	v30 =	vld [tilespmem:s28+$0x14780];
	v8 =	vmul.f32 v48, v49;
	[tilespmem:s28+$0x14620] =	vst v9  }
0x9f: {  	v50 =	vld [tilespmem:s28+$0x14650];
	v10 =	vmul.f32 v51, v49;
	[tilespmem:s28+$0x14630] =	vst v7  }
0xa0: {  	v54 =	vld [tilespmem:s28+$0x14690];
	v12 =	vmul.f32 v52, v49;
	[tilespmem:s28+$0x14640] =	vst v8  }
0xa1: {  	v55 =	vld [tilespmem:s28+$0x146A0];
	v35 =	vbroadcast v1, $0xC;
	v40 =	vmul.f32 v28, v23;
	[tilespmem:s28+$0x14660] =	vst v10  }
0xa2: {  	v56 =	vld [tilespmem:s28+$0x146B0];
	v32 =	vmul.f32 v26, v23;
	[tilespmem:s28+$0x14670] =	vst v12  }
0xa3: {  	v60 =	vld [tilespmem:s28+$0x146E0];
	v15 =	vmul.f32 v30, v35;
	[tilespmem:s28+$0x14760] =	vst v40  }
0xa4: {  	v62 =	vld [tilespmem:s28+$0x14190];
	v11 =	vmul.f32 v50, v49;
	[tilespmem:s28+$0x14750] =	vst v32  }
0xa5: {  	v19 =	vld [tilespmem:s28+$0x141D0];
	v9 =	vmul.f32 v54, v5;
	[tilespmem:s28+$0x14780] =	vst v15  }
0xa6: {  	v33 =	vld [tilespmem:s28+$0x147B0];
	v7 =	vmul.f32 v55, v5;
	[tilespmem:s28+$0x14650] =	vst v11  }
0xa7: {  	v61 =	vld [tilespmem:s28+$0x14970];
	v8 =	vmul.f32 v56, v5;
	[tilespmem:s28+$0x14690] =	vst v9  }
0xa8: {  	v38 =	vld [tilespmem:s28+$0x147F0];
	v5 =	vmul.f32 v60, v5;
	[tilespmem:s28+$0x146A0] =	vst v7  }
0xa9: {  	v21 =	vld [tilespmem:s28+$0x14720];
	v12 =	vmul.f32 v62, v2;
	[tilespmem:s28+$0x146B0] =	vst v8  }
0xaa: {  	v22 =	vld [tilespmem:s28+$0x14730];
	v2 =	vmul.f32 v19, v2;
	[tilespmem:s28+$0x146E0] =	vst v5  }
0xab: {  	v25 =	vld [tilespmem:s28+$0x14740];
	v62 =	vmul.f32 v33, v35;
	[tilespmem:s28+$0x14190] =	vst v12  }
0xac: {  	v31 =	vld [tilespmem:s28+$0x14790];
	v63 =	vmul.f32 v61, v27;
	[tilespmem:s28+$0x141D0] =	vst v2  }
0xad: {  	v34 =	vld [tilespmem:s28+$0x147C0];
	v15 =	vmul.f32 v38, v35;
	[tilespmem:s28+$0x147B0] =	vst v62  }
0xae: {  	v41 =	vld [tilespmem:s28+$0x14820];
	v7 =	vmul.f32 v21, v23;
	[tilespmem:s28+$0x14970] =	vst v63  }
0xaf: {  	v46 =	vld [tilespmem:s28+$0x14860];
	v8 =	vmul.f32 v22, v23;
	[tilespmem:s28+$0x147F0] =	vst v15  }
0xb0: {  	v36 =	vld [tilespmem:s28+$0x147D0];
	v5 =	vmul.f32 v25, v23;
	[tilespmem:s28+$0x14720] =	vst v7  }
0xb1: {  	v44 =	vbroadcast v1, $0xD;
	v9 =	vmul.f32 v31, v35;
	v2 =	vld [tilespmem:s28+$0x14810];
	[tilespmem:s28+$0x14730] =	vst v8  }
0xb2: {  	v37 =	vld [tilespmem:s28+$0x147E0];
	v12 =	vmul.f32 v34, v35;
	[tilespmem:s28+$0x14740] =	vst v5  }
0xb3: {  	v39 =	vld [tilespmem:s28+$0x14800];
	v11 =	vmul.f32 v41, v44;
	[tilespmem:s28+$0x14790] =	vst v9  }
0xb4: {  	v42 =	vld [tilespmem:s28+$0x14830];
	v51 =	vmul.f32 v46, v44;
	[tilespmem:s28+$0x147C0] =	vst v12  }
0xb5: {  	v48 =	vld [tilespmem:s28+$0x14890];
	v8 =	vmul.f32 v36, v35;
	[tilespmem:s28+$0x14820] =	vst v11  }
0xb6: {  	v49 =	vld [tilespmem:s28+$0x148A0];
	[tilespmem:s28+$0x14860] =	vst v51;
	v2 =	vmul.f32 v2, v44  }
0xb7: {  	v50 =	vld [tilespmem:s28+$0x148B0];
	v5 =	vmul.f32 v37, v35;
	[tilespmem:s28+$0x147D0] =	vst v8  }
0xb8: {  	v1 =	vbroadcast v1, $0xE;
	v9 =	vmul.f32 v39, v44;
	[tilespmem:s28+$0x14810] =	vst v2;
	v2 =	vld [tilespmem:s28+$0x14880]  }
0xb9: {  	v60 =	vld [tilespmem:s28+$0x14960];
	v12 =	vmul.f32 v42, v44;
	[tilespmem:s28+$0x147E0] =	vst v5  }
0xba: {  	v45 =	vld [tilespmem:s28+$0x14850];
	v11 =	vmul.f32 v48, v1;
	[tilespmem:s28+$0x14800] =	vst v9  }
0xbb: {  	v47 =	vld [tilespmem:s28+$0x14870];
	v10 =	vmul.f32 v49, v1;
	[tilespmem:s28+$0x14830] =	vst v12  }
0xbc: {  	v43 =	vld [tilespmem:s28+$0x14840];
	v6 =	vmul.f32 v50, v1;
	[tilespmem:s28+$0x14890] =	vst v11  }
0xbd: {  	v55 =	vld [tilespmem:s28+$0x14900];
	[tilespmem:s28+$0x148A0] =	vst v10;
	v2 =	vmul.f32 v2, v1  }
0xbe: {  	v57 =	vld [tilespmem:s28+$0x14920];
	v4 =	vmul.f32 v60, v27;
	[tilespmem:s28+$0x148B0] =	vst v6  }
0xbf: {  	v5 =	vmul.f32 v45, v44;
	[tilespmem:s28+$0x14880] =	vst v2;
	v2 =	vld [tilespmem:s28+$0x148F0]  }
0xc0: {  	v52 =	vld [tilespmem:s28+$0x148C0];
	v9 =	vmul.f32 v47, v44;
	[tilespmem:s28+$0x14960] =	vst v4  }
0xc1: {  	v56 =	vld [tilespmem:s28+$0x14910];
	v8 =	vmul.f32 v43, v44;
	[tilespmem:s28+$0x14850] =	vst v5  }
0xc2: {  	v54 =	vld [tilespmem:s28+$0x148E0];
	v11 =	vmul.f32 v55, v27;
	[tilespmem:s28+$0x14870] =	vst v9  }
0xc3: {  	v58 =	vld [tilespmem:s28+$0x14930];
	v6 =	vmul.f32 v57, v27;
	[tilespmem:s28+$0x14840] =	vst v8  }
0xc4: {  	v53 =	vld [tilespmem:s28+$0x148D0];
	[tilespmem:s28+$0x14900] =	vst v11;
	v2 =	vmul.f32 v2, v1  }
0xc5: {  	v59 =	vld [tilespmem:s28+$0x14940];
	v5 =	vmul.f32 v52, v1;
	[tilespmem:s28+$0x14920] =	vst v6  }
0xc6: {  	[tilespmem:s28+$0x148F0] =	vst v2;
	v2 =	vmul.f32 v56, v27  }
0xc7: {  	v3 =	vld [tilespmem:s28+$0x147A0];
	v9 =	vmul.f32 v54, v1;
	[tilespmem:s28+$0x148C0] =	vst v5  }
0xc8: {  	[tilespmem:s28+$0x14910] =	vst v2;
	v2 =	vmul.f32 v58, v27  }
0xc9: {  	[tilespmem:s28+$0x148E0] =	vst v9;
	v1 =	vmul.f32 v53, v1  }
0xca: {  	[tilespmem:s28+$0x14930] =	vst v2;
	v2 =	vmul.f32 v59, v27  }
0xcb: {  	[tilespmem:s28+$0x148D0] =	vst v1  }
0xcc: {  	s29 =	simm.s32 $0x1;
	[tilespmem:s28+$0x14940] =	vst v2;
	v2 =	vmul.f32 v3, v35  }
.LBB2_5:
0xcd: {  	s30 =	sshll.u32 s29, $0x4  }
0xce: {  	p0 =	sne.s32 s29, $0x4;
	[tilespmem:s28+$0x147A0] =	vst v2;
	s28 =	smov.u32 s29;
	s29 =	sadd.s32 $0x1, s29  }
0xcf: {  	s30 =	sand.u32 $0x3FFFFFF0, s30  }
0xd0: {  	s28 =	sshll.u32 s28, $0xB;
	v1 =	vld [tilespmem:s30+$0x14100]  }
0xd1: {  	s28 =	sand.u32 $0x3FFFF800, s28  }
0xd2: {  	v8 =	vld [tilespmem:s28+$0x14240]  }
0xd3: {  	v9 =	vld [tilespmem:s28+$0x14250]  }
0xd4: {  	v10 =	vld [tilespmem:s28+$0x14230]  }
0xd5: {  	v2 =	vbroadcast v1, $0x0;
	v3 =	vld [tilespmem:s28+$0x141A0];
	v7 =	vbroadcast v1, $0x4  }
0xd6: {  	v5 =	vld [tilespmem:s28+$0x141B0]  }
0xd7: {  	v6 =	vld [tilespmem:s28+$0x146F0]  }
0xd8: {  	v11 =	vld [tilespmem:s28+$0x141E0]  }
0xd9: {  	v12 =	vld [tilespmem:s28+$0x141F0]  }
0xda: {  	v4 =	vbroadcast v1, $0xA;
	v3 =	vmul.f32 v3, v2;
	v13 =	vld [tilespmem:s28+$0x14200]  }
0xdb: {  	v5 =	vmul.f32 v5, v2;
	v14 =	vld [tilespmem:s28+$0x14210]  }
0xdc: {  	[tilespmem:s28+$0x141A0] =	vst v3;
	v15 =	vld [tilespmem:s28+$0x14220];
	v3 =	vmul.f32 v6, v4  }
0xdd: {  	[tilespmem:s28+$0x141B0] =	vst v5;
	v6 =	vmul.f32 v11, v2;
	v11 =	vbroadcast v1, $0x1;
	v5 =	vld [tilespmem:s28+$0x14700]  }
0xde: {  	v12 =	vmul.f32 v12, v2;
	[tilespmem:s28+$0x146F0] =	vst v3;
	v3 =	vld [tilespmem:s28+$0x14950]  }
0xdf: {  	[tilespmem:s28+$0x141E0] =	vst v6;
	v13 =	vmul.f32 v13, v11;
	v6 =	vld [tilespmem:s28+$0x14710]  }
0xe0: {  	[tilespmem:s28+$0x141F0] =	vst v12;
	v12 =	vmul.f32 v14, v11;
	v14 =	vld [tilespmem:s28+$0x14260]  }
0xe1: {  	[tilespmem:s28+$0x14200] =	vst v13;
	v13 =	vmul.f32 v15, v11;
	v15 =	vld [tilespmem:s28+$0x14270]  }
0xe2: {  	v10 =	vmul.f32 v10, v11;
	[tilespmem:s28+$0x14210] =	vst v12;
	v12 =	vld [tilespmem:s28+$0x14280]  }
0xe3: {  	v8 =	vmul.f32 v8, v11;
	[tilespmem:s28+$0x14220] =	vst v13;
	v13 =	vld [tilespmem:s28+$0x14290]  }
0xe4: {  	v9 =	vmul.f32 v9, v11;
	[tilespmem:s28+$0x14230] =	vst v10;
	v10 =	vld [tilespmem:s28+$0x142A0]  }
0xe5: {  	[tilespmem:s28+$0x14240] =	vst v8;
	v8 =	vmul.f32 v14, v11;
	v14 =	vbroadcast v1, $0x2;
	v16 =	vld [tilespmem:s28+$0x142B0]  }
0xe6: {  	[tilespmem:s28+$0x14250] =	vst v9;
	v9 =	vmul.f32 v15, v11;
	v11 =	vld [tilespmem:s28+$0x142C0]  }
0xe7: {  	[tilespmem:s28+$0x14260] =	vst v8;
	v8 =	vmul.f32 v12, v14;
	v12 =	vld [tilespmem:s28+$0x142D0]  }
0xe8: {  	[tilespmem:s28+$0x14270] =	vst v9;
	v9 =	vmul.f32 v13, v14;
	v13 =	vld [tilespmem:s28+$0x142E0]  }
0xe9: {  	[tilespmem:s28+$0x14280] =	vst v8;
	v8 =	vmul.f32 v10, v14;
	v10 =	vld [tilespmem:s28+$0x142F0]  }
0xea: {  	[tilespmem:s28+$0x14290] =	vst v9;
	v9 =	vmul.f32 v16, v14;
	v15 =	vld [tilespmem:s28+$0x14300]  }
0xeb: {  	[tilespmem:s28+$0x142A0] =	vst v8;
	v8 =	vmul.f32 v11, v14;
	v11 =	vld [tilespmem:s28+$0x14310]  }
0xec: {  	[tilespmem:s28+$0x142B0] =	vst v9;
	v9 =	vmul.f32 v12, v14;
	v12 =	vld [tilespmem:s28+$0x14320]  }
0xed: {  	[tilespmem:s28+$0x142C0] =	vst v8;
	v8 =	vmul.f32 v13, v14;
	v13 =	vbroadcast v1, $0x3;
	v16 =	vld [tilespmem:s28+$0x14330]  }
0xee: {  	[tilespmem:s28+$0x142D0] =	vst v9;
	v9 =	vmul.f32 v10, v14;
	v10 =	vld [tilespmem:s28+$0x14340]  }
0xef: {  	[tilespmem:s28+$0x142E0] =	vst v8;
	v8 =	vmul.f32 v15, v13;
	v14 =	vld [tilespmem:s28+$0x14350]  }
0xf0: {  	[tilespmem:s28+$0x142F0] =	vst v9;
	v9 =	vmul.f32 v11, v13;
	v11 =	vld [tilespmem:s28+$0x14360]  }
0xf1: {  	[tilespmem:s28+$0x14300] =	vst v8;
	v8 =	vmul.f32 v12, v13;
	v12 =	vld [tilespmem:s28+$0x14370]  }
0xf2: {  	[tilespmem:s28+$0x14310] =	vst v9;
	v9 =	vmul.f32 v16, v13;
	v15 =	vld [tilespmem:s28+$0x14380]  }
0xf3: {  	[tilespmem:s28+$0x14320] =	vst v8;
	v8 =	vmul.f32 v10, v13;
	v10 =	vld [tilespmem:s28+$0x14390]  }
0xf4: {  	[tilespmem:s28+$0x14330] =	vst v9;
	v9 =	vmul.f32 v14, v13;
	v14 =	vld [tilespmem:s28+$0x143A0]  }
0xf5: {  	[tilespmem:s28+$0x14340] =	vst v8;
	v8 =	vmul.f32 v11, v13;
	v11 =	vld [tilespmem:s28+$0x143B0]  }
0xf6: {  	[tilespmem:s28+$0x14350] =	vst v9;
	v9 =	vmul.f32 v12, v13;
	v12 =	vld [tilespmem:s28+$0x143C0]  }
0xf7: {  	[tilespmem:s28+$0x14360] =	vst v8;
	v8 =	vmul.f32 v15, v7;
	v13 =	vld [tilespmem:s28+$0x143D0]  }
0xf8: {  	[tilespmem:s28+$0x14370] =	vst v9;
	v9 =	vmul.f32 v10, v7;
	v10 =	vld [tilespmem:s28+$0x143E0]  }
0xf9: {  	[tilespmem:s28+$0x14380] =	vst v8;
	v8 =	vmul.f32 v14, v7;
	v14 =	vld [tilespmem:s28+$0x143F0]  }
0xfa: {  	[tilespmem:s28+$0x14390] =	vst v9;
	v9 =	vmul.f32 v11, v7;
	v11 =	vld [tilespmem:s28+$0x14400]  }
0xfb: {  	[tilespmem:s28+$0x143A0] =	vst v8;
	v8 =	vmul.f32 v12, v7;
	v12 =	vld [tilespmem:s28+$0x14410]  }
0xfc: {  	[tilespmem:s28+$0x143B0] =	vst v9;
	v9 =	vmul.f32 v13, v7;
	v13 =	vld [tilespmem:s28+$0x14420]  }
0xfd: {  	[tilespmem:s28+$0x143C0] =	vst v8;
	v8 =	vmul.f32 v10, v7;
	v10 =	vbroadcast v1, $0x5;
	v15 =	vld [tilespmem:s28+$0x14430]  }
0xfe: {  	[tilespmem:s28+$0x143D0] =	vst v9;
	v7 =	vmul.f32 v14, v7;
	v9 =	vld [tilespmem:s28+$0x14440]  }
0xff: {  	[tilespmem:s28+$0x143E0] =	vst v8;
	v8 =	vmul.f32 v11, v10;
	v11 =	vld [tilespmem:s28+$0x14450]  }
0x100: {  	[tilespmem:s28+$0x143F0] =	vst v7;
	v7 =	vmul.f32 v12, v10;
	v12 =	vld [tilespmem:s28+$0x14460]  }
0x101: {  	[tilespmem:s28+$0x14400] =	vst v8;
	v8 =	vmul.f32 v13, v10;
	v13 =	vld [tilespmem:s28+$0x14470]  }
0x102: {  	[tilespmem:s28+$0x14410] =	vst v7;
	v7 =	vmul.f32 v15, v10;
	v14 =	vld [tilespmem:s28+$0x14480]  }
0x103: {  	[tilespmem:s28+$0x14420] =	vst v8;
	v8 =	vmul.f32 v9, v10;
	v9 =	vld [tilespmem:s28+$0x14490]  }
0x104: {  	[tilespmem:s28+$0x14430] =	vst v7;
	v7 =	vmul.f32 v11, v10;
	v11 =	vld [tilespmem:s28+$0x144A0]  }
0x105: {  	[tilespmem:s28+$0x14440] =	vst v8;
	v8 =	vmul.f32 v12, v10;
	v12 =	vbroadcast v1, $0x6;
	v15 =	vld [tilespmem:s28+$0x144B0]  }
0x106: {  	[tilespmem:s28+$0x14450] =	vst v7;
	v7 =	vmul.f32 v13, v10;
	v10 =	vld [tilespmem:s28+$0x144C0]  }
0x107: {  	[tilespmem:s28+$0x14460] =	vst v8;
	v8 =	vmul.f32 v14, v12;
	v13 =	vld [tilespmem:s28+$0x144D0]  }
0x108: {  	[tilespmem:s28+$0x14470] =	vst v7;
	v7 =	vmul.f32 v9, v12;
	v9 =	vld [tilespmem:s28+$0x144E0]  }
0x109: {  	[tilespmem:s28+$0x14480] =	vst v8;
	v8 =	vmul.f32 v11, v12;
	v11 =	vld [tilespmem:s28+$0x144F0]  }
0x10a: {  	[tilespmem:s28+$0x14490] =	vst v7;
	v7 =	vmul.f32 v15, v12;
	v14 =	vld [tilespmem:s28+$0x14500]  }
0x10b: {  	[tilespmem:s28+$0x144A0] =	vst v8;
	v8 =	vmul.f32 v10, v12;
	v10 =	vld [tilespmem:s28+$0x14510]  }
0x10c: {  	[tilespmem:s28+$0x144B0] =	vst v7;
	v7 =	vmul.f32 v13, v12;
	v13 =	vld [tilespmem:s28+$0x14520]  }
0x10d: {  	[tilespmem:s28+$0x144C0] =	vst v8;
	v8 =	vmul.f32 v9, v12;
	v9 =	vbroadcast v1, $0x7;
	v15 =	vld [tilespmem:s28+$0x14530]  }
0x10e: {  	[tilespmem:s28+$0x144D0] =	vst v7;
	v7 =	vmul.f32 v11, v12;
	v11 =	vld [tilespmem:s28+$0x14540]  }
0x10f: {  	[tilespmem:s28+$0x144E0] =	vst v8;
	v8 =	vmul.f32 v14, v9;
	v12 =	vld [tilespmem:s28+$0x14550]  }
0x110: {  	[tilespmem:s28+$0x144F0] =	vst v7;
	v7 =	vmul.f32 v10, v9;
	v10 =	vld [tilespmem:s28+$0x14560]  }
0x111: {  	[tilespmem:s28+$0x14500] =	vst v8;
	v8 =	vmul.f32 v13, v9;
	v13 =	vld [tilespmem:s28+$0x14570]  }
0x112: {  	[tilespmem:s28+$0x14510] =	vst v7;
	v7 =	vmul.f32 v15, v9;
	v14 =	vld [tilespmem:s28+$0x14580]  }
0x113: {  	[tilespmem:s28+$0x14520] =	vst v8;
	v8 =	vmul.f32 v11, v9;
	v11 =	vld [tilespmem:s28+$0x14590]  }
0x114: {  	[tilespmem:s28+$0x14530] =	vst v7;
	v7 =	vmul.f32 v12, v9;
	v12 =	vld [tilespmem:s28+$0x145A0]  }
0x115: {  	[tilespmem:s28+$0x14540] =	vst v8;
	v8 =	vmul.f32 v10, v9;
	v10 =	vbroadcast v1, $0x8;
	v15 =	vld [tilespmem:s28+$0x145B0]  }
0x116: {  	[tilespmem:s28+$0x14550] =	vst v7;
	v7 =	vmul.f32 v13, v9;
	v9 =	vld [tilespmem:s28+$0x145C0]  }
0x117: {  	[tilespmem:s28+$0x14560] =	vst v8;
	v8 =	vmul.f32 v14, v10;
	v13 =	vld [tilespmem:s28+$0x145D0]  }
0x118: {  	[tilespmem:s28+$0x14570] =	vst v7;
	v7 =	vmul.f32 v11, v10;
	v11 =	vld [tilespmem:s28+$0x145E0]  }
0x119: {  	[tilespmem:s28+$0x14580] =	vst v8;
	v8 =	vmul.f32 v12, v10;
	v12 =	vld [tilespmem:s28+$0x145F0]  }
0x11a: {  	[tilespmem:s28+$0x14590] =	vst v7;
	v7 =	vmul.f32 v15, v10;
	v14 =	vld [tilespmem:s28+$0x14600]  }
0x11b: {  	[tilespmem:s28+$0x145A0] =	vst v8;
	v8 =	vmul.f32 v9, v10;
	v9 =	vld [tilespmem:s28+$0x14610]  }
0x11c: {  	[tilespmem:s28+$0x145B0] =	vst v7;
	v7 =	vmul.f32 v13, v10;
	v13 =	vld [tilespmem:s28+$0x14620]  }
0x11d: {  	[tilespmem:s28+$0x145C0] =	vst v8;
	v8 =	vmul.f32 v11, v10;
	v11 =	vbroadcast v1, $0x9;
	v15 =	vld [tilespmem:s28+$0x14630]  }
0x11e: {  	[tilespmem:s28+$0x145D0] =	vst v7;
	v7 =	vmul.f32 v12, v10;
	v10 =	vld [tilespmem:s28+$0x14640]  }
0x11f: {  	[tilespmem:s28+$0x145E0] =	vst v8;
	v8 =	vmul.f32 v14, v11;
	v12 =	vld [tilespmem:s28+$0x14650]  }
0x120: {  	[tilespmem:s28+$0x145F0] =	vst v7;
	v7 =	vmul.f32 v9, v11;
	v9 =	vld [tilespmem:s28+$0x14660]  }
0x121: {  	[tilespmem:s28+$0x14600] =	vst v8;
	v8 =	vmul.f32 v13, v11;
	v13 =	vld [tilespmem:s28+$0x14670]  }
0x122: {  	[tilespmem:s28+$0x14610] =	vst v7;
	v7 =	vmul.f32 v15, v11;
	v14 =	vld [tilespmem:s28+$0x14680]  }
0x123: {  	[tilespmem:s28+$0x14620] =	vst v8;
	v8 =	vmul.f32 v10, v11;
	v10 =	vld [tilespmem:s28+$0x14690]  }
0x124: {  	[tilespmem:s28+$0x14630] =	vst v7;
	v7 =	vmul.f32 v12, v11;
	v12 =	vld [tilespmem:s28+$0x146A0]  }
0x125: {  	[tilespmem:s28+$0x14640] =	vst v8;
	v8 =	vmul.f32 v9, v11;
	v9 =	vld [tilespmem:s28+$0x146B0]  }
0x126: {  	[tilespmem:s28+$0x14650] =	vst v7;
	v7 =	vmul.f32 v13, v11;
	v11 =	vld [tilespmem:s28+$0x146C0]  }
0x127: {  	[tilespmem:s28+$0x14660] =	vst v8;
	v8 =	vmul.f32 v14, v4;
	v13 =	vld [tilespmem:s28+$0x146D0]  }
0x128: {  	[tilespmem:s28+$0x14670] =	vst v7;
	v7 =	vmul.f32 v10, v4;
	v10 =	vld [tilespmem:s28+$0x146E0]  }
0x129: {  	v14 =	vld [tilespmem:s28+$0x14180];
	[tilespmem:s28+$0x14680] =	vst v8;
	v8 =	vmul.f32 v12, v4  }
0x12a: {  	v12 =	vld [tilespmem:s28+$0x14190];
	[tilespmem:s28+$0x14690] =	vst v7;
	v7 =	vmul.f32 v9, v4  }
0x12b: {  	v9 =	vld [tilespmem:s28+$0x141C0];
	[tilespmem:s28+$0x146A0] =	vst v8;
	v8 =	vmul.f32 v11, v4  }
0x12c: {  	v11 =	vld [tilespmem:s28+$0x141D0];
	[tilespmem:s28+$0x146B0] =	vst v7;
	v7 =	vmul.f32 v13, v4  }
0x12d: {  	[tilespmem:s28+$0x146C0] =	vst v8;
	v8 =	vmul.f32 v10, v4;
	v10 =	vbroadcast v1, $0xB;
	v13 =	vld [tilespmem:s28+$0x14720]  }
0x12e: {  	v4 =	vbroadcast v1, $0xF;
	v14 =	vmul.f32 v2, v14;
	[tilespmem:s28+$0x146D0] =	vst v7;
	v7 =	vld [tilespmem:s28+$0x14730]  }
0x12f: {  	v12 =	vmul.f32 v12, v2;
	[tilespmem:s28+$0x146E0] =	vst v8;
	v5 =	vmul.f32 v5, v10;
	v8 =	vld [tilespmem:s28+$0x14740]  }
0x130: {  	v6 =	vmul.f32 v6, v10;
	[tilespmem:s28+$0x14180] =	vst v14;
	v9 =	vmul.f32 v9, v2;
	v14 =	vld [tilespmem:s28+$0x14750]  }
0x131: {  	v3 =	vmul.f32 v3, v4;
	v11 =	vmul.f32 v11, v2;
	[tilespmem:s28+$0x14700] =	vst v5;
	v2 =	vld [tilespmem:s28+$0x14760]  }
0x132: {  	[tilespmem:s28+$0x14710] =	vst v6;
	v5 =	vmul.f32 v13, v10;
	v6 =	vld [tilespmem:s28+$0x14770]  }
0x133: {  	v7 =	vmul.f32 v7, v10;
	v13 =	vld [tilespmem:s28+$0x14780];
	[tilespmem:s28+$0x14950] =	vst v3  }
0x134: {  	[tilespmem:s28+$0x14190] =	vst v12;
	v3 =	vmul.f32 v8, v10;
	v8 =	vld [tilespmem:s28+$0x14790]  }
0x135: {  	[tilespmem:s28+$0x141C0] =	vst v9;
	v9 =	vmul.f32 v14, v10;
	v12 =	vld [tilespmem:s28+$0x147A0]  }
0x136: {  	v14 =	vbroadcast v1, $0xC;
	[tilespmem:s28+$0x14720] =	vst v5;
	v5 =	vmul.f32 v2, v10;
	v15 =	vld [tilespmem:s28+$0x147B0]  }
0x137: {  	[tilespmem:s28+$0x14750] =	vst v9;
	v6 =	vmul.f32 v6, v10;
	v9 =	vld [tilespmem:s28+$0x147C0]  }
0x138: {  	[tilespmem:s28+$0x14730] =	vst v7;
	v2 =	vmul.f32 v13, v14;
	v7 =	vld [tilespmem:s28+$0x147D0]  }
0x139: {  	[tilespmem:s28+$0x14740] =	vst v3;
	v3 =	vmul.f32 v8, v14;
	v8 =	vld [tilespmem:s28+$0x147E0]  }
0x13a: {  	[tilespmem:s28+$0x14780] =	vst v2;
	v2 =	vmul.f32 v12, v14;
	v10 =	vld [tilespmem:s28+$0x147F0]  }
0x13b: {  	[tilespmem:s28+$0x14790] =	vst v3;
	v3 =	vld [tilespmem:s28+$0x14800]  }
0x13c: {  	[tilespmem:s28+$0x141D0] =	vst v11;
	v9 =	vmul.f32 v9, v14;
	v11 =	vld [tilespmem:s28+$0x14810]  }
0x13d: {  	[tilespmem:s28+$0x14760] =	vst v5;
	v5 =	vmul.f32 v7, v14;
	v7 =	vld [tilespmem:s28+$0x14820]  }
0x13e: {  	[tilespmem:s28+$0x147C0] =	vst v9;
	v8 =	vmul.f32 v8, v14;
	v9 =	vbroadcast v1, $0xD;
	v12 =	vld [tilespmem:s28+$0x14830]  }
0x13f: {  	[tilespmem:s28+$0x147D0] =	vst v5;
	v5 =	vmul.f32 v10, v14;
	v10 =	vld [tilespmem:s28+$0x14840]  }
0x140: {  	[tilespmem:s28+$0x147E0] =	vst v8;
	v3 =	vmul.f32 v3, v9;
	v8 =	vld [tilespmem:s28+$0x14850]  }
0x141: {  	[tilespmem:s28+$0x147F0] =	vst v5;
	v5 =	vmul.f32 v11, v9;
	v11 =	vld [tilespmem:s28+$0x14860]  }
0x142: {  	[tilespmem:s28+$0x14800] =	vst v3;
	v3 =	vmul.f32 v7, v9;
	v7 =	vld [tilespmem:s28+$0x14870]  }
0x143: {  	[tilespmem:s28+$0x14810] =	vst v5;
	v5 =	vmul.f32 v12, v9;
	v12 =	vld [tilespmem:s28+$0x14880]  }
0x144: {  	[tilespmem:s28+$0x14820] =	vst v3;
	v3 =	vmul.f32 v10, v9;
	v10 =	vld [tilespmem:s28+$0x14890]  }
0x145: {  	[tilespmem:s28+$0x14830] =	vst v5;
	v5 =	vmul.f32 v8, v9;
	v8 =	vld [tilespmem:s28+$0x148A0]  }
0x146: {  	v1 =	vbroadcast v1, $0xE;
	[tilespmem:s28+$0x14770] =	vst v6;
	v6 =	vmul.f32 v11, v9;
	v11 =	vld [tilespmem:s28+$0x148B0]  }
0x147: {  	[tilespmem:s28+$0x14850] =	vst v5;
	v5 =	vmul.f32 v7, v9;
	v7 =	vld [tilespmem:s28+$0x148C0]  }
0x148: {  	[tilespmem:s28+$0x14860] =	vst v6;
	v6 =	vmul.f32 v12, v1;
	v9 =	vld [tilespmem:s28+$0x148D0]  }
0x149: {  	[tilespmem:s28+$0x14870] =	vst v5;
	v5 =	vmul.f32 v10, v1;
	v10 =	vld [tilespmem:s28+$0x148E0]  }
0x14a: {  	[tilespmem:s28+$0x14880] =	vst v6;
	v6 =	vmul.f32 v8, v1;
	v8 =	vld [tilespmem:s28+$0x148F0]  }
0x14b: {  	[tilespmem:s28+$0x14890] =	vst v5;
	v5 =	vmul.f32 v11, v1;
	v11 =	vld [tilespmem:s28+$0x14900]  }
0x14c: {  	[tilespmem:s28+$0x148A0] =	vst v6;
	v6 =	vmul.f32 v7, v1;
	v7 =	vld [tilespmem:s28+$0x14910]  }
0x14d: {  	[tilespmem:s28+$0x148B0] =	vst v5;
	v5 =	vmul.f32 v9, v1;
	v9 =	vld [tilespmem:s28+$0x14920]  }
0x14e: {  	[tilespmem:s28+$0x148C0] =	vst v6;
	v6 =	vmul.f32 v10, v1;
	v10 =	vld [tilespmem:s28+$0x14930]  }
0x14f: {  	[tilespmem:s28+$0x14840] =	vst v3;
	v1 =	vmul.f32 v8, v1;
	v3 =	vld [tilespmem:s28+$0x14940]  }
0x150: {  	[tilespmem:s28+$0x148E0] =	vst v6;
	v6 =	vmul.f32 v11, v4;
	v8 =	vld [tilespmem:s28+$0x14960]  }
0x151: {  	[tilespmem:s28+$0x148F0] =	vst v1;
	v1 =	vmul.f32 v7, v4;
	v7 =	vld [tilespmem:s28+$0x14970]  }
0x152: {  	[tilespmem:s28+$0x14900] =	vst v6;
	v6 =	vmul.f32 v9, v4  }
0x153: {  	[tilespmem:s28+$0x14910] =	vst v1;
	v1 =	vmul.f32 v10, v4  }
0x154: {  	v9 =	vmul.f32 v15, v14;
	[tilespmem:s28+$0x14920] =	vst v6  }
0x155: {  	[tilespmem:s28+$0x14930] =	vst v1;
	v1 =	vmul.f32 v3, v4  }
.Ltmp1:
0x156: {  	[tilespmem:s28+$0x147B0] =	vst v9;
	v3 =	vmul.f32 v7, v4;
	(pc) =	sbr.rel @p0 .LBB2_5-.Ltmp1, $4  }
0x157: {  	[tilespmem:s28+$0x14940] =	vst v1  }
0x158: {  	v1 =	vmul.f32 v8, v4;
	[tilespmem:s28+$0x14970] =	vst v3  }
0x159: {  	[tilespmem:s28+$0x148D0] =	vst v5  }
0x15a: {  	[tilespmem:s28+$0x14960] =	vst v1  }
0x15b: {  	s26 =	sadd.s32 $0x1, s26  }
0x15c: {  	p0 =	sne.s32 s26, $0x7D  }
.Ltmp2:
0x15d: {  	[tilespmem:s28+$0x147A0] =	vst v2;
	(pc) =	sbr.rel @p0 .LBB2_4-.Ltmp2, $4  }
0x15e: {  	[spmem:s4] =	stream.indirect.scatter.add.f32 [tilespmem:s22], [sflag:$0x2], $0x80, s19, s21, $0xb8;
	[tilespmem:$0x1A980] =	vst v63  }
0x15f: {  	_ =	swait.ge [sflag:s17], $0x2800  }
0x160: {  	[sflag:s17] =	ssyncset.done $0x0  }
0x161: {  	[sflag:s17] =	ssyncadd.s32 $0xFFFFD800  }
0x162: {  	s24 =	sadd.s32 $0x1, s24  }
0x163: {  	s25 =	sshll.u32 s2, $0x6;
	[bflag:$0x0] =	sbarrier.arrive $0xFFFF;
	p0 =	sne.s32 s24, s15  }
.Ltmp3:
0x164: {  	s26 =	sshrl.u32 s8, $0x3;
	s25 =	sor.u32 $0x1C02, s25;
	(pc) =	sbr.rel @p0 .LBB2_1-.Ltmp3, $4  }
0x165: {  	[hbm:s14], [sflag:s25] =	dma.local [spmem:s26], $0x2800  }
0x166: {  	_ =	swait.ge [sflag:s17], $0x2800  }
0x167: {  	[sflag:s17] =	ssyncset.done $0x0  }
0x168: {  	[sflag:s17] =	ssyncadd.s32 $0xFFFFD800  }
0x169: {  	_ =	sfence.sel $0x180000  }
0x16a: {  	[bflag:$0x0] =	sbarrier.arrive $0xFFFF  }
0x16b: {  	p0 =	sne.s32 s2, $0x0;
	_ =	strace $0x90000047  }
0x16c: {  	s0 =	sadd.s32 @!p0 $0x100000, s1;
	[bflag:$0x2] =	sbarrier.arrive $0xFFFF  }
0x16d: {  	[sflag:s0] =	ssyncadd.tile.s32 @!p0 $0x1;
	_ =	shalt  }
.Lfunc_end2:
_tile_overlayer_lowered:
.L_overlay_start_2:
0x16e: {  	(tag) =	ssettag $0x2  }
0x16f: {  	s0 =	rddreg [dreg:$0x0];
	s2 =	stileid.u32  }
0x170: {  	s1 =	rddreg [dreg:$0x1];
	p0 =	sne.s32 s2, $0x0  }
0x171: {  	s3 =	rddreg [dreg:$0x2];
	[bflag:$0x3] =	sbarrier.arrive $0xFFFF;
	s2 =	simm.s32 @!p0 $0x1C02  }
0x172: {  	[timem:s3], [sflag:s2] =	dma.local @!p0 [hbm:s0], s1  }
0x173: {  	s0 =	simm.s32 @!p0 $0x2  }
0x174: {  	_ =	swait.ge @!p0 [sflag:s0], s1  }
0x175: {  	s1 =	ssub.s32 @!p0 $0x0, s1;
	[sflag:s0] =	ssyncset.done @!p0 $0x0  }
0x176: {  	[sflag:s0] =	ssyncadd.s32 @!p0 s1  }
0x177: {  	[bflag:$0x3] =	sbarrier.arrive $0xFFFF  }
0x178: {  	_ =	shalt  }

</sc_bundles>
